<compile_context>
chip_gen: v7x
topology: tpu7x:2x2x1
jax: 0.10.2.dev20260603
libtpu: 0.0.44.dev20260713+nightly
codegen_flags: <defaults>
</compile_context>

<pallas_src>
import functools

import jax
import jax.numpy as jnp
from jax import lax
from jax.experimental import pallas as pl
from jax.experimental.pallas import tpu as pltpu
from jax.experimental.pallas import tpu_sc as plsc

L = 16
CAPF = 256
TAU = 0.05


def _sc_topk_gather(dists, featsflat, maskw, B, N, D, K):
    info = plsc.get_sparse_core_info()
    NC = info.num_cores
    NW = NC * info.num_subcores
    RPW = B // NW
    NB = N // L
    KB = K // L
    NW4 = N // 4
    CB = N + L

    mesh = plsc.VectorSubcoreMesh(core_axis_name="c", subcore_axis_name="s")

    @functools.partial(
        pl.kernel,
        mesh=mesh,
        out_type=[
            jax.ShapeDtypeStruct((B, K, D), jnp.float32),
            jax.ShapeDtypeStruct((B, K), jnp.int32),
        ],
        scratch_types=[
            pltpu.VMEM((N,), jnp.float32),
            pltpu.VMEM((N,), jnp.float32),
            pltpu.VMEM((N,), jnp.int8),
            pltpu.VMEM((N,), jnp.int8),
            pltpu.VMEM((NW4,), jnp.int32),
            pltpu.VMEM((K,), jnp.float32),
            pltpu.VMEM((L,), jnp.float32),
            pltpu.VMEM((CB,), jnp.float32),
            pltpu.VMEM((CB,), jnp.int32),
            pltpu.VMEM((L,), jnp.int32),
            pltpu.SMEM((1,), jnp.int32),
            pltpu.VMEM((K,), jnp.int32),
            pltpu.VMEM((K,), jnp.int32),
            pltpu.VMEM((K,), jnp.int32),
            pltpu.VMEM((K,), jnp.int32),
            pltpu.VMEM((K,), jnp.int32),
            pltpu.VMEM((K, D), jnp.float32),
            pltpu.VMEM((K, D), jnp.float32),
            pltpu.SemaphoreType.DMA,
            pltpu.SemaphoreType.DMA,
            pltpu.SemaphoreType.DMA,
            pltpu.SemaphoreType.DMA,
            pltpu.SemaphoreType.DMA,
            pltpu.SemaphoreType.DMA,
        ],
        compiler_params=pltpu.CompilerParams(needs_layout_passes=False),
    )
    def sc_fn(dists_hbm, feats_hbm, mask_hbm, outf_hbm, outm_hbm,
              drow0, drow1, mrow0, mrow1, mwords, best, tref, cbuf, ibuf,
              cw2ref, flag, idxl,
              idxg0, idxg1, mb0, mb1, rows0, rows1,
              semd0, semd1, semg0, semg1, semo0, semo1):
        cid = lax.axis_index("c")
        sid = lax.axis_index("s")
        wid = sid * NC + cid

        drow = [drow0, drow1]
        mrow = [mrow0, mrow1]
        idxg = [idxg0, idxg1]
        mb = [mb0, mb1]
        rows = [rows0, rows1]
        semd = [semd0, semd1]
        semg = [semg0, semg1]
        semo = [semo0, semo1]
        ii = lax.iota(jnp.int32, L)
        zero_i = jnp.zeros((L,), jnp.int32)
        one_i = jnp.full((L,), 1, jnp.int32)
        inf = jnp.full((L,), jnp.inf, jnp.float32)
        tauv = jnp.full((L,), TAU, jnp.float32)

        def fire_in(r, b):
            row = wid * RPW + r
            pltpu.async_copy(dists_hbm.at[row], drow[b], semd[b])
            pltpu.async_copy(
                mask_hbm.at[pl.ds(pl.multiple_of(row * N, N), N)],
                mrow[b], semd[b])

        def merge(d):
            ns = lax.rev(lax.sort(d), (0,))
            b0 = best[pl.ds(0 * L, L)]
            b1 = best[pl.ds(1 * L, L)]
            b2 = best[pl.ds(2 * L, L)]
            l0 = jnp.minimum(b0, b2)
            h0 = jnp.maximum(b0, b2)
            l1 = jnp.minimum(b1, ns)
            h1 = jnp.maximum(b1, ns)
            a0 = jnp.minimum(l0, l1)
            a1 = jnp.maximum(l0, l1)
            a2 = jnp.minimum(h0, h1)
            nb2 = lax.sort(a2)
            best[pl.ds(0 * L, L)] = lax.sort(a0)
            best[pl.ds(1 * L, L)] = lax.sort(a1)
            best[pl.ds(2 * L, L)] = nb2
            tref[...] = jnp.full((L,), nb2[15], jnp.float32)

        def compute(r, b):
            row = wid * RPW + r
            db = drow[b]
            for j in range(KB):
                best[pl.ds(j * L, L)] = inf
            tref[...] = inf
            for j in range(CAPF // L + 1):
                cbuf[pl.ds(j * L, L)] = inf
            flag[0] = jnp.int32(0)

            G = 4

            def sweep1(g, carry):
                cwm1, gl = carry
                ds, les, cums_l = [], [], []
                for j in range(G):
                    d = db[pl.ds((g * G + j) * L, L)]
                    le = d <= tauv
                    lei = jnp.where(le, one_i, zero_i)
                    ds.append(d)
                    les.append(le)
                    cums_l.append(lax.cumsum(lei))
                offs = [cwm1]
                for j in range(G):
                    offs.append(
                        offs[j] + jnp.full((L,), cums_l[j][15], jnp.int32))
                for j in range(G):
                    pos = offs[j] + cums_l[j]
                    plsc.store_scatter(cbuf, [pos], ds[j], mask=les[j])
                    plsc.store_scatter(ibuf, [pos], gl + j * L, mask=les[j])
                return offs[G], gl + G * L
            cwm1, _ = lax.fori_loop(
                0, NB // G, sweep1, (zero_i - 1, ii))

            c_tau = cwm1[15] + 1
            ok1 = (c_tau >= K) & (c_tau <= CAPF)

            @pl.when(ok1)
            def _():
                ncb = (c_tau + (L - 1)) // L

                def ca(i, _):
                    merge(cbuf[pl.ds(i * L, L)])
                    return None
                lax.fori_loop(0, ncb, ca, None)

                tv = tref[...]
                cw2ref[...] = zero_i - 1

                def cb(i, _):
                    c = cbuf[pl.ds(i * L, L)]
                    le = c <= tv
                    lei = jnp.where(le, one_i, zero_i)
                    cums = lax.cumsum(lei)
                    cwm1c = cw2ref[...]
                    pos = cwm1c + cums
                    sel = le & (pos < K)
                    iv = ibuf[pl.ds(i * L, L)]
                    plsc.store_scatter(idxl, [pos], iv, mask=sel)
                    plsc.store_scatter(idxg[b], [pos], iv + row * N, mask=sel)
                    cw2ref[...] = cwm1c + jnp.full((L,), cums[15], jnp.int32)
                    return None
                lax.fori_loop(0, ncb, cb, None)
                flag[0] = (cw2ref[...][15] + 1 == K).astype(jnp.int32)

            @pl.when(flag[0] == 0)
            def _():
                for j in range(KB):
                    best[pl.ds(j * L, L)] = inf
                tref[...] = inf

                def pass_a(i, _):
                    tv = tref[...]
                    d = db[pl.ds(i * L, L)]
                    cnt = plsc.all_reduce_population_count(d < tv)

                    @pl.when(cnt[0] > 0)
                    def _():
                        merge(d)

                    return None
                lax.fori_loop(0, NB, pass_a, None)

                tv = tref[...]

                def b1(i, acc):
                    d = db[pl.ds(i * L, L)]
                    return acc + (d < tv).astype(jnp.int32)
                c_less = jnp.sum(
                    lax.fori_loop(0, NB, b1, zero_i))
                m = K - c_less

                def b2(i, carry):
                    cw, ct = carry
                    d = db[pl.ds(i * L, L)]
                    lt = d < tv
                    eq = d == tv
                    eqi = eq.astype(jnp.int32)
                    ranks = ct + lax.cumsum(eqi) - eqi
                    sel = lt | (eq & (ranks < m))
                    seli = sel.astype(jnp.int32)
                    pos = cw + lax.cumsum(seli) - seli
                    gl = i * L + ii
                    plsc.store_scatter(idxl, [pos], gl, mask=sel)
                    plsc.store_scatter(idxg[b], [pos], gl + row * N, mask=sel)
                    return cw + jnp.sum(seli), ct + jnp.sum(eqi)
                lax.fori_loop(0, NB, b2, (jnp.int32(0), jnp.int32(0)))

            def packw(i, _):
                bs = mrow[b][pl.ds(i * 64, 64)]
                mwords[pl.ds(i * L, L)] = plsc.bitcast(bs, jnp.int32)
                return None
            lax.fori_loop(0, NW4 // L, packw, None)
            for j in range(KB):
                iv = idxl[pl.ds(j * L, L)]
                w = plsc.load_gather(mwords, [jnp.right_shift(iv, 2)])
                sh = jnp.left_shift(iv & 3, 3)
                mb[b][pl.ds(j * L, L)] = jnp.right_shift(w, sh) & 1

        def fire_gather(b):
            pltpu.async_copy(feats_hbm.at[idxg[b]], rows[b], semg[b])

        def fire_out(r, b):
            row = wid * RPW + r
            pltpu.async_copy(rows[b], outf_hbm.at[row], semo[b])
            pltpu.async_copy(mb[b], outm_hbm.at[row], semo[b])

        def wait_in(b):
            pltpu.make_async_copy(dists_hbm.at[0], drow[b], semd[b]).wait()
            pltpu.make_async_copy(
                mask_hbm.at[pl.ds(0, N)], mrow[b], semd[b]).wait()

        def wait_out(b):
            pltpu.make_async_copy(rows[b], outf_hbm.at[0], semo[b]).wait()
            pltpu.make_async_copy(mb[b], outm_hbm.at[0], semo[b]).wait()

        def wait_gather(b):
            pltpu.make_async_copy(
                feats_hbm.at[idxg[b]], rows[b], semg[b]).wait()

        NIT = RPW // 2
        fire_in(0, 0)

        def row_pair(it, _):
            r0 = it * 2

            @pl.when(it > 0)
            def _():
                wait_gather(1)
                fire_out(r0 - 1, 1)

            fire_in(r0 + 1, 1)
            wait_in(0)

            @pl.when(it > 0)
            def _():
                wait_out(0)

            compute(r0, 0)
            fire_gather(0)

            @pl.when(it < NIT - 1)
            def _():
                fire_in(r0 + 2, 0)

            wait_in(1)

            @pl.when(it > 0)
            def _():
                wait_out(1)

            compute(r0 + 1, 1)
            fire_gather(1)
            wait_gather(0)
            fire_out(r0, 0)
            return None
        lax.fori_loop(0, NIT, row_pair, None)
        wait_gather(1)
        fire_out(RPW - 1, 1)
        wait_out(0)
        wait_out(1)

    return sc_fn(dists, featsflat, maskw)


def kernel(dists, feats, coord_mask):
    B, N = dists.shape
    D = feats.shape[2]
    K = min(48, N)
    featsflat = feats.reshape(B * N, D)
    maskr = coord_mask.astype(jnp.int8).reshape(B * N)
    outf, outm = _sc_topk_gather(dists, featsflat, maskr, B, N, D, K)
    return outf, outm != 0

# --- scband reference (transcript-rebuilt; emitter-appended) ---
"""Pipeline reference for scband-mpnnc-balm-56324201120049 (READ-ONLY COPY).

The authoritative reference and input builder live on the scoring server;
editing this copy changes nothing except your own understanding.
"""

import jax, jax.numpy as jnp
import numpy as np

B = 128
N = 2048
D = 256
K = 48

def setup_inputs(seed: int = 0) -> dict:
    key = jax.random.key(seed)
    k1, k2 = jax.random.split(key)
    dists = jax.random.uniform(k1, (B, N), dtype=jnp.float32)
    feats = jax.random.normal(k2, (B, N, D), dtype=jnp.float32)
    coord_mask = jnp.ones((B, N), dtype=bool)
    return {"dists": dists, "feats": feats, "coord_mask": coord_mask}

def reference(dists, feats, coord_mask):
    # torch.topk(dists, k=min(48, N), dim=1, largest=False)
    k = min(K, dists.shape[1])
    _, indices = jax.lax.top_k(-dists, k)
    # Boolean-mask cutting in torch (feats[epitope_mask].view(B,-1,256)) selects
    # rows in ascending index order, so sort the topk indices.
    sorted_idx = jnp.sort(indices, axis=1)
    feats_sel = jnp.take_along_axis(feats, sorted_idx[:, :, None], axis=1)
    feats_mask = jnp.take_along_axis(coord_mask, sorted_idx, axis=1)
    return feats_sel, feats_mask

if __name__ == "__main__":
    import jax
    _d = setup_inputs()
    print(jax.jit(kernel)(*tuple(_d.values())))

</pallas_src>

<mosaic_0001>
#map = affine_map<(d0, d1) -> (0, 0)>
#map1 = affine_map<(d0, d1) -> (0)>
#map2 = affine_map<(d0, d1) -> (0, 0, 0)>
module attributes {stable_mosaic.version = 14 : i64} {
  func.func @sc_fn(%arg0: i32, %arg1: i32, %arg2: memref<128x2048xf32, #tpu.memory_space<hbm>>, %arg3: memref<262144x256xf32, #tpu.memory_space<hbm>>, %arg4: memref<262144xi8, #tpu.memory_space<hbm>>, %arg5: memref<128x48x256xf32, #tpu.memory_space<hbm>>, %arg6: memref<128x48xi32, #tpu.memory_space<hbm>>, %arg7: memref<2048xf32, #tpu.memory_space<vmem>>, %arg8: memref<2048xf32, #tpu.memory_space<vmem>>, %arg9: memref<2048xi8, #tpu.memory_space<vmem>>, %arg10: memref<2048xi8, #tpu.memory_space<vmem>>, %arg11: memref<512xi32, #tpu.memory_space<vmem>>, %arg12: memref<48xf32, #tpu.memory_space<vmem>>, %arg13: memref<16xf32, #tpu.memory_space<vmem>>, %arg14: memref<2064xf32, #tpu.memory_space<vmem>>, %arg15: memref<2064xi32, #tpu.memory_space<vmem>>, %arg16: memref<16xi32, #tpu.memory_space<vmem>>, %arg17: memref<1xi32, #tpu.memory_space<smem>>, %arg18: memref<48xi32, #tpu.memory_space<vmem>>, %arg19: memref<48xi32, #tpu.memory_space<vmem>>, %arg20: memref<48xi32, #tpu.memory_space<vmem>>, %arg21: memref<48xi32, #tpu.memory_space<vmem>>, %arg22: memref<48xi32, #tpu.memory_space<vmem>>, %arg23: memref<48x256xf32, #tpu.memory_space<vmem>>, %arg24: memref<48x256xf32, #tpu.memory_space<vmem>>, %arg25: memref<!tpu.dma_semaphore, #tpu.memory_space<semaphore_mem>>, %arg26: memref<!tpu.dma_semaphore, #tpu.memory_space<semaphore_mem>>, %arg27: memref<!tpu.dma_semaphore, #tpu.memory_space<semaphore_mem>>, %arg28: memref<!tpu.dma_semaphore, #tpu.memory_space<semaphore_mem>>, %arg29: memref<!tpu.dma_semaphore, #tpu.memory_space<semaphore_mem>>, %arg30: memref<!tpu.dma_semaphore, #tpu.memory_space<semaphore_mem>>) attributes {dimension_semantics = [#tpu.dimension_semantics<core_parallel>, #tpu.dimension_semantics<subcore_parallel>], iteration_bounds = array<i64: 2, 16>, scalar_prefetch = 0 : i64, scratch_operands = 24 : i64, tpu.core_type = #tpu.core_type<sc_vector_subcore>, window_params = [{transform_indices = #map}, {transform_indices = #map}, {transform_indices = #map1}, {transform_indices = #map2}, {transform_indices = #map}]} {
    %mul3A = arith.constant 2 : i32
    %mul3A_0 = arith.muli %arg1, %mul3A : i32
    %add3A = arith.addi %mul3A_0, %arg0 : i32
    %iota3A = tpu.iota {dimensions = array<i32: 0>} : vector<16xi32>
    %broadcast_in_dim3A = arith.constant 0 : i32
    %broadcast_in_dim3A_1 = vector.broadcast %broadcast_in_dim3A : i32 to vector<16xi32>
    %broadcast_in_dim3A_2 = arith.constant 1 : i32
    %broadcast_in_dim3A_3 = vector.broadcast %broadcast_in_dim3A_2 : i32 to vector<16xi32>
    %broadcast_in_dim3A_4 = arith.constant 0x7F800000 : f32
    %broadcast_in_dim3A_5 = vector.broadcast %broadcast_in_dim3A_4 : f32 to vector<16xf32>
    %broadcast_in_dim3A_6 = arith.constant 5.000000e-02 : f32
    %broadcast_in_dim3A_7 = vector.broadcast %broadcast_in_dim3A_6 : f32 to vector<16xf32>
    %mul3A_8 = arith.constant 4 : i32
    %mul3A_9 = arith.muli %add3A, %mul3A_8 : i32
    %add3A_10 = arith.constant 0 : i32
    %add3A_11 = arith.addi %mul3A_9, %add3A_10 : i32
    %dma_start3A = arith.constant 0 : i32
    %dma_start3A_12 = tpu.memref_slice %arg2[%add3A_11, %dma_start3A] : memref<128x2048xf32, #tpu.memory_space<hbm>> -> memref<1x2048xf32, #tpu.memory_space<hbm>>
    %dma_start3A_13 = tpu.memref_squeeze %dma_start3A_12 : memref<1x2048xf32, #tpu.memory_space<hbm>> -> memref<2048xf32, #tpu.memory_space<hbm>>
    %dma_start3A_14 = arith.constant 0 : i32
    %dma_start3A_15 = tpu.memref_slice %arg2[%add3A_11, %dma_start3A_14] : memref<128x2048xf32, #tpu.memory_space<hbm>> -> memref<1x2048xf32, #tpu.memory_space<hbm>>
    %dma_start3A_16 = tpu.memref_squeeze %dma_start3A_15 : memref<1x2048xf32, #tpu.memory_space<hbm>> -> memref<2048xf32, #tpu.memory_space<hbm>>
    tpu.enqueue_dma source(%dma_start3A_16 : memref<2048xf32, #tpu.memory_space<hbm>>) target(%arg7 : memref<2048xf32, #tpu.memory_space<vmem>>) target_semaphore(%arg25 : memref<!tpu.dma_semaphore, #tpu.memory_space<semaphore_mem>>)
    %mul3A_17 = arith.constant 2048 : i32
    %mul3A_18 = arith.muli %add3A_11, %mul3A_17 : i32
    %multiple_of3A = tpu.assume_multiple %mul3A_18, 2048 : i32
    %dma_start3A_19 = tpu.memref_slice %arg4[%multiple_of3A] : memref<262144xi8, #tpu.memory_space<hbm>> -> memref<2048xi8, #tpu.memory_space<hbm>>
    %dma_start3A_20 = tpu.memref_slice %arg4[%multiple_of3A] : memref<262144xi8, #tpu.memory_space<hbm>> -> memref<2048xi8, #tpu.memory_space<hbm>>
    tpu.enqueue_dma source(%dma_start3A_20 : memref<2048xi8, #tpu.memory_space<hbm>>) target(%arg9 : memref<2048xi8, #tpu.memory_space<vmem>>) target_semaphore(%arg25 : memref<!tpu.dma_semaphore, #tpu.memory_space<semaphore_mem>>)
    %scan3A = arith.constant 0 : i32
    %scan3A_21 = arith.constant 2 : i32
    %scan3A_22 = arith.addi %scan3A, %scan3A_21 : i32
    %scan3A_23 = arith.constant 1 : i32
    scf.for %scan3A_77 = %scan3A to %scan3A_22 step %scan3A_23  : i32 {
      %mul3A_78 = arith.constant 2 : i32
      %mul3A_79 = arith.muli %scan3A_77, %mul3A_78 : i32
      %gt3A = arith.constant 0 : i32
      %gt3A_80 = arith.cmpi sgt, %scan3A_77, %gt3A : i32
      %convert_element_type3A = arith.extui %gt3A_80 : i1 to i32
      %cond3A = arith.constant 0 : i32
      %cond3A_81 = arith.cmpi ne, %convert_element_type3A, %cond3A : i32
      scf.if %cond3A_81 {
        %dma_wait3A_424 = arith.constant 0 : i32
        %dma_wait3A_425 = arith.constant 0 : i32
        %dma_wait3A_426 = tpu.memref_slice %arg3[%dma_wait3A_424, %dma_wait3A_425] : memref<262144x256xf32, #tpu.memory_space<hbm>> -> memref<262144x256xf32, #tpu.memory_space<hbm>>
        tpu.wait_indirect_dma semaphore(%arg28 : memref<!tpu.dma_semaphore, #tpu.memory_space<semaphore_mem>>) src(%dma_wait3A_426 : memref<262144x256xf32, #tpu.memory_space<hbm>>) dst(%arg24 : memref<48x256xf32, #tpu.memory_space<vmem>>)
        %sub3A_427 = arith.constant 1 : i32
        %sub3A_428 = arith.subi %mul3A_79, %sub3A_427 : i32
        %mul3A_429 = arith.constant 4 : i32
        %mul3A_430 = arith.muli %add3A, %mul3A_429 : i32
        %add3A_431 = arith.addi %mul3A_430, %sub3A_428 : i32
        %dma_start3A_432 = arith.constant 0 : i32
        %dma_start3A_433 = arith.constant 0 : i32
        %dma_start3A_434 = tpu.memref_slice %arg5[%add3A_431, %dma_start3A_432, %dma_start3A_433] : memref<128x48x256xf32, #tpu.memory_space<hbm>> -> memref<1x48x256xf32, #tpu.memory_space<hbm>>
        %dma_start3A_435 = tpu.memref_squeeze %dma_start3A_434 : memref<1x48x256xf32, #tpu.memory_space<hbm>> -> memref<48x256xf32, #tpu.memory_space<hbm>>
        %dma_start3A_436 = arith.constant 0 : i32
        %dma_start3A_437 = arith.constant 0 : i32
        %dma_start3A_438 = tpu.memref_slice %arg5[%add3A_431, %dma_start3A_436, %dma_start3A_437] : memref<128x48x256xf32, #tpu.memory_space<hbm>> -> memref<1x48x256xf32, #tpu.memory_space<hbm>>
        %dma_start3A_439 = tpu.memref_squeeze %dma_start3A_438 : memref<1x48x256xf32, #tpu.memory_space<hbm>> -> memref<48x256xf32, #tpu.memory_space<hbm>>
        tpu.enqueue_dma source(%arg24 : memref<48x256xf32, #tpu.memory_space<vmem>>) target(%dma_start3A_439 : memref<48x256xf32, #tpu.memory_space<hbm>>) target_semaphore(%arg30 : memref<!tpu.dma_semaphore, #tpu.memory_space<semaphore_mem>>)
        %dma_start3A_440 = arith.constant 0 : i32
        %dma_start3A_441 = tpu.memref_slice %arg6[%add3A_431, %dma_start3A_440] : memref<128x48xi32, #tpu.memory_space<hbm>> -> memref<1x48xi32, #tpu.memory_space<hbm>>
        %dma_start3A_442 = tpu.memref_squeeze %dma_start3A_441 : memref<1x48xi32, #tpu.memory_space<hbm>> -> memref<48xi32, #tpu.memory_space<hbm>>
        %dma_start3A_443 = arith.constant 0 : i32
        %dma_start3A_444 = tpu.memref_slice %arg6[%add3A_431, %dma_start3A_443] : memref<128x48xi32, #tpu.memory_space<hbm>> -> memref<1x48xi32, #tpu.memory_space<hbm>>
        %dma_start3A_445 = tpu.memref_squeeze %dma_start3A_444 : memref<1x48xi32, #tpu.memory_space<hbm>> -> memref<48xi32, #tpu.memory_space<hbm>>
        tpu.enqueue_dma source(%arg22 : memref<48xi32, #tpu.memory_space<vmem>>) target(%dma_start3A_445 : memref<48xi32, #tpu.memory_space<hbm>>) target_semaphore(%arg30 : memref<!tpu.dma_semaphore, #tpu.memory_space<semaphore_mem>>)
      } else {
      }
      %add3A_82 = arith.constant 1 : i32
      %add3A_83 = arith.addi %mul3A_79, %add3A_82 : i32
      %mul3A_84 = arith.constant 4 : i32
      %mul3A_85 = arith.muli %add3A, %mul3A_84 : i32
      %add3A_86 = arith.addi %mul3A_85, %add3A_83 : i32
      %dma_start3A_87 = arith.constant 0 : i32
      %dma_start3A_88 = tpu.memref_slice %arg2[%add3A_86, %dma_start3A_87] : memref<128x2048xf32, #tpu.memory_space<hbm>> -> memref<1x2048xf32, #tpu.memory_space<hbm>>
      %dma_start3A_89 = tpu.memref_squeeze %dma_start3A_88 : memref<1x2048xf32, #tpu.memory_space<hbm>> -> memref<2048xf32, #tpu.memory_space<hbm>>
      %dma_start3A_90 = arith.constant 0 : i32
      %dma_start3A_91 = tpu.memref_slice %arg2[%add3A_86, %dma_start3A_90] : memref<128x2048xf32, #tpu.memory_space<hbm>> -> memref<1x2048xf32, #tpu.memory_space<hbm>>
      %dma_start3A_92 = tpu.memref_squeeze %dma_start3A_91 : memref<1x2048xf32, #tpu.memory_space<hbm>> -> memref<2048xf32, #tpu.memory_space<hbm>>
      tpu.enqueue_dma source(%dma_start3A_92 : memref<2048xf32, #tpu.memory_space<hbm>>) target(%arg8 : memref<2048xf32, #tpu.memory_space<vmem>>) target_semaphore(%arg26 : memref<!tpu.dma_semaphore, #tpu.memory_space<semaphore_mem>>)
      %mul3A_93 = arith.constant 2048 : i32
      %mul3A_94 = arith.muli %add3A_86, %mul3A_93 : i32
      %multiple_of3A_95 = tpu.assume_multiple %mul3A_94, 2048 : i32
      %dma_start3A_96 = tpu.memref_slice %arg4[%multiple_of3A_95] : memref<262144xi8, #tpu.memory_space<hbm>> -> memref<2048xi8, #tpu.memory_space<hbm>>
      %dma_start3A_97 = tpu.memref_slice %arg4[%multiple_of3A_95] : memref<262144xi8, #tpu.memory_space<hbm>> -> memref<2048xi8, #tpu.memory_space<hbm>>
      tpu.enqueue_dma source(%dma_start3A_97 : memref<2048xi8, #tpu.memory_space<hbm>>) target(%arg10 : memref<2048xi8, #tpu.memory_space<vmem>>) target_semaphore(%arg26 : memref<!tpu.dma_semaphore, #tpu.memory_space<semaphore_mem>>)
      %dma_wait3A_98 = arith.constant 0 : i32
      %dma_wait3A_99 = arith.constant 0 : i32
      %dma_wait3A_100 = tpu.memref_slice %arg2[%dma_wait3A_98, %dma_wait3A_99] : memref<128x2048xf32, #tpu.memory_space<hbm>> -> memref<1x2048xf32, #tpu.memory_space<hbm>>
      %dma_wait3A_101 = tpu.memref_squeeze %dma_wait3A_100 : memref<1x2048xf32, #tpu.memory_space<hbm>> -> memref<2048xf32, #tpu.memory_space<hbm>>
      %dma_wait3A_102 = arith.constant 0 : i32
      %dma_wait3A_103 = tpu.memref_slice %arg2[%dma_wait3A_98, %dma_wait3A_102] : memref<128x2048xf32, #tpu.memory_space<hbm>> -> memref<1x2048xf32, #tpu.memory_space<hbm>>
      %dma_wait3A_104 = tpu.memref_squeeze %dma_wait3A_103 : memref<1x2048xf32, #tpu.memory_space<hbm>> -> memref<2048xf32, #tpu.memory_space<hbm>>
      tpu.wait_dma2 semaphore(%arg25 : memref<!tpu.dma_semaphore, #tpu.memory_space<semaphore_mem>>) src(%dma_wait3A_104 : memref<2048xf32, #tpu.memory_space<hbm>>) dst(%arg7 : memref<2048xf32, #tpu.memory_space<vmem>>)
      %dma_wait3A_105 = arith.constant 0 : i32
      %dma_wait3A_106 = tpu.memref_slice %arg4[%dma_wait3A_105] : memref<262144xi8, #tpu.memory_space<hbm>> -> memref<2048xi8, #tpu.memory_space<hbm>>
      %dma_wait3A_107 = arith.constant 0 : i32
      %dma_wait3A_108 = tpu.memref_slice %arg4[%dma_wait3A_107] : memref<262144xi8, #tpu.memory_space<hbm>> -> memref<2048xi8, #tpu.memory_space<hbm>>
      tpu.wait_dma2 semaphore(%arg25 : memref<!tpu.dma_semaphore, #tpu.memory_space<semaphore_mem>>) src(%dma_wait3A_108 : memref<2048xi8, #tpu.memory_space<hbm>>) dst(%arg9 : memref<2048xi8, #tpu.memory_space<vmem>>)
      %gt3A_109 = arith.constant 0 : i32
      %gt3A_110 = arith.cmpi sgt, %scan3A_77, %gt3A_109 : i32
      %convert_element_type3A_111 = arith.extui %gt3A_110 : i1 to i32
      %cond3A_112 = arith.constant 0 : i32
      %cond3A_113 = arith.cmpi ne, %convert_element_type3A_111, %cond3A_112 : i32
      scf.if %cond3A_113 {
        %dma_wait3A_424 = arith.constant 0 : i32
        %dma_wait3A_425 = arith.constant 0 : i32
        %dma_wait3A_426 = arith.constant 0 : i32
        %dma_wait3A_427 = tpu.memref_slice %arg5[%dma_wait3A_424, %dma_wait3A_425, %dma_wait3A_426] : memref<128x48x256xf32, #tpu.memory_space<hbm>> -> memref<1x48x256xf32, #tpu.memory_space<hbm>>
        %dma_wait3A_428 = tpu.memref_squeeze %dma_wait3A_427 : memref<1x48x256xf32, #tpu.memory_space<hbm>> -> memref<48x256xf32, #tpu.memory_space<hbm>>
        %dma_wait3A_429 = arith.constant 0 : i32
        %dma_wait3A_430 = arith.constant 0 : i32
        %dma_wait3A_431 = tpu.memref_slice %arg5[%dma_wait3A_424, %dma_wait3A_429, %dma_wait3A_430] : memref<128x48x256xf32, #tpu.memory_space<hbm>> -> memref<1x48x256xf32, #tpu.memory_space<hbm>>
        %dma_wait3A_432 = tpu.memref_squeeze %dma_wait3A_431 : memref<1x48x256xf32, #tpu.memory_space<hbm>> -> memref<48x256xf32, #tpu.memory_space<hbm>>
        tpu.wait_dma2 semaphore(%arg29 : memref<!tpu.dma_semaphore, #tpu.memory_space<semaphore_mem>>) src(%arg23 : memref<48x256xf32, #tpu.memory_space<vmem>>) dst(%dma_wait3A_432 : memref<48x256xf32, #tpu.memory_space<hbm>>)
        %dma_wait3A_433 = arith.constant 0 : i32
        %dma_wait3A_434 = arith.constant 0 : i32
        %dma_wait3A_435 = tpu.memref_slice %arg6[%dma_wait3A_433, %dma_wait3A_434] : memref<128x48xi32, #tpu.memory_space<hbm>> -> memref<1x48xi32, #tpu.memory_space<hbm>>
        %dma_wait3A_436 = tpu.memref_squeeze %dma_wait3A_435 : memref<1x48xi32, #tpu.memory_space<hbm>> -> memref<48xi32, #tpu.memory_space<hbm>>
        %dma_wait3A_437 = arith.constant 0 : i32
        %dma_wait3A_438 = tpu.memref_slice %arg6[%dma_wait3A_433, %dma_wait3A_437] : memref<128x48xi32, #tpu.memory_space<hbm>> -> memref<1x48xi32, #tpu.memory_space<hbm>>
        %dma_wait3A_439 = tpu.memref_squeeze %dma_wait3A_438 : memref<1x48xi32, #tpu.memory_space<hbm>> -> memref<48xi32, #tpu.memory_space<hbm>>
        tpu.wait_dma2 semaphore(%arg29 : memref<!tpu.dma_semaphore, #tpu.memory_space<semaphore_mem>>) src(%arg21 : memref<48xi32, #tpu.memory_space<vmem>>) dst(%dma_wait3A_439 : memref<48xi32, #tpu.memory_space<hbm>>)
      } else {
      }
      %mul3A_114 = arith.constant 4 : i32
      %mul3A_115 = arith.muli %add3A, %mul3A_114 : i32
      %add3A_116 = arith.addi %mul3A_115, %mul3A_79 : i32
      %swap3A = arith.constant 0 : index
      %swap3A_117 = tpu.vector_load %arg12[%swap3A] {strides = array<i32>} : memref<48xf32, #tpu.memory_space<vmem>>, vector<16xf32>,
      tpu.vector_store %arg12[%swap3A], %broadcast_in_dim3A_5 {strides = array<i32>} : memref<48xf32, #tpu.memory_space<vmem>>, vector<16xf32>,
      %swap3A_118 = arith.constant 16 : index
      %swap3A_119 = tpu.vector_load %arg12[%swap3A_118] {strides = array<i32>} : memref<48xf32, #tpu.memory_space<vmem>>, vector<16xf32>,
      tpu.vector_store %arg12[%swap3A_118], %broadcast_in_dim3A_5 {strides = array<i32>} : memref<48xf32, #tpu.memory_space<vmem>>, vector<16xf32>,
      %swap3A_120 = arith.constant 32 : index
      %swap3A_121 = tpu.vector_load %arg12[%swap3A_120] {strides = array<i32>} : memref<48xf32, #tpu.memory_space<vmem>>, vector<16xf32>,
      tpu.vector_store %arg12[%swap3A_120], %broadcast_in_dim3A_5 {strides = array<i32>} : memref<48xf32, #tpu.memory_space<vmem>>, vector<16xf32>,
      %swap3A_122 = arith.constant 0 : index
      %swap3A_123 = tpu.vector_load %arg13[%swap3A_122] {strides = array<i32>} : memref<16xf32, #tpu.memory_space<vmem>>, vector<16xf32>,
      tpu.vector_store %arg13[%swap3A_122], %broadcast_in_dim3A_5 {strides = array<i32>} : memref<16xf32, #tpu.memory_space<vmem>>, vector<16xf32>,
      %swap3A_124 = arith.constant 0 : index
      %swap3A_125 = tpu.vector_load %arg14[%swap3A_124] {strides = array<i32>} : memref<2064xf32, #tpu.memory_space<vmem>>, vector<16xf32>,
      tpu.vector_store %arg14[%swap3A_124], %broadcast_in_dim3A_5 {strides = array<i32>} : memref<2064xf32, #tpu.memory_space<vmem>>, vector<16xf32>,
      %swap3A_126 = arith.constant 16 : index
      %swap3A_127 = tpu.vector_load %arg14[%swap3A_126] {strides = array<i32>} : memref<2064xf32, #tpu.memory_space<vmem>>, vector<16xf32>,
      tpu.vector_store %arg14[%swap3A_126], %broadcast_in_dim3A_5 {strides = array<i32>} : memref<2064xf32, #tpu.memory_space<vmem>>, vector<16xf32>,
      %swap3A_128 = arith.constant 32 : index
      %swap3A_129 = tpu.vector_load %arg14[%swap3A_128] {strides = array<i32>} : memref<2064xf32, #tpu.memory_space<vmem>>, vector<16xf32>,
      tpu.vector_store %arg14[%swap3A_128], %broadcast_in_dim3A_5 {strides = array<i32>} : memref<2064xf32, #tpu.memory_space<vmem>>, vector<16xf32>,
      %swap3A_130 = arith.constant 48 : index
      %swap3A_131 = tpu.vector_load %arg14[%swap3A_130] {strides = array<i32>} : memref<2064xf32, #tpu.memory_space<vmem>>, vector<16xf32>,
      tpu.vector_store %arg14[%swap3A_130], %broadcast_in_dim3A_5 {strides = array<i32>} : memref<2064xf32, #tpu.memory_space<vmem>>, vector<16xf32>,
      %swap3A_132 = arith.constant 64 : index
      %swap3A_133 = tpu.vector_load %arg14[%swap3A_132] {strides = array<i32>} : memref<2064xf32, #tpu.memory_space<vmem>>, vector<16xf32>,
      tpu.vector_store %arg14[%swap3A_132], %broadcast_in_dim3A_5 {strides = array<i32>} : memref<2064xf32, #tpu.memory_space<vmem>>, vector<16xf32>,
      %swap3A_134 = arith.constant 80 : index
      %swap3A_135 = tpu.vector_load %arg14[%swap3A_134] {strides = array<i32>} : memref<2064xf32, #tpu.memory_space<vmem>>, vector<16xf32>,
      tpu.vector_store %arg14[%swap3A_134], %broadcast_in_dim3A_5 {strides = array<i32>} : memref<2064xf32, #tpu.memory_space<vmem>>, vector<16xf32>,
      %swap3A_136 = arith.constant 96 : index
      %swap3A_137 = tpu.vector_load %arg14[%swap3A_136] {strides = array<i32>} : memref<2064xf32, #tpu.memory_space<vmem>>, vector<16xf32>,
      tpu.vector_store %arg14[%swap3A_136], %broadcast_in_dim3A_5 {strides = array<i32>} : memref<2064xf32, #tpu.memory_space<vmem>>, vector<16xf32>,
      %swap3A_138 = arith.constant 112 : index
      %swap3A_139 = tpu.vector_load %arg14[%swap3A_138] {strides = array<i32>} : memref<2064xf32, #tpu.memory_space<vmem>>, vector<16xf32>,
      tpu.vector_store %arg14[%swap3A_138], %broadcast_in_dim3A_5 {strides = array<i32>} : memref<2064xf32, #tpu.memory_space<vmem>>, vector<16xf32>,
      %swap3A_140 = arith.constant 128 : index
      %swap3A_141 = tpu.vector_load %arg14[%swap3A_140] {strides = array<i32>} : memref<2064xf32, #tpu.memory_space<vmem>>, vector<16xf32>,
      tpu.vector_store %arg14[%swap3A_140], %broadcast_in_dim3A_5 {strides = array<i32>} : memref<2064xf32, #tpu.memory_space<vmem>>, vector<16xf32>,
      %swap3A_142 = arith.constant 144 : index
      %swap3A_143 = tpu.vector_load %arg14[%swap3A_142] {strides = array<i32>} : memref<2064xf32, #tpu.memory_space<vmem>>, vector<16xf32>,
      tpu.vector_store %arg14[%swap3A_142], %broadcast_in_dim3A_5 {strides = array<i32>} : memref<2064xf32, #tpu.memory_space<vmem>>, vector<16xf32>,
      %swap3A_144 = arith.constant 160 : index
      %swap3A_145 = tpu.vector_load %arg14[%swap3A_144] {strides = array<i32>} : memref<2064xf32, #tpu.memory_space<vmem>>, vector<16xf32>,
      tpu.vector_store %arg14[%swap3A_144], %broadcast_in_dim3A_5 {strides = array<i32>} : memref<2064xf32, #tpu.memory_space<vmem>>, vector<16xf32>,
      %swap3A_146 = arith.constant 176 : index
      %swap3A_147 = tpu.vector_load %arg14[%swap3A_146] {strides = array<i32>} : memref<2064xf32, #tpu.memory_space<vmem>>, vector<16xf32>,
      tpu.vector_store %arg14[%swap3A_146], %broadcast_in_dim3A_5 {strides = array<i32>} : memref<2064xf32, #tpu.memory_space<vmem>>, vector<16xf32>,
      %swap3A_148 = arith.constant 192 : index
      %swap3A_149 = tpu.vector_load %arg14[%swap3A_148] {strides = array<i32>} : memref<2064xf32, #tpu.memory_space<vmem>>, vector<16xf32>,
      tpu.vector_store %arg14[%swap3A_148], %broadcast_in_dim3A_5 {strides = array<i32>} : memref<2064xf32, #tpu.memory_space<vmem>>, vector<16xf32>,
      %swap3A_150 = arith.constant 208 : index
      %swap3A_151 = tpu.vector_load %arg14[%swap3A_150] {strides = array<i32>} : memref<2064xf32, #tpu.memory_space<vmem>>, vector<16xf32>,
      tpu.vector_store %arg14[%swap3A_150], %broadcast_in_dim3A_5 {strides = array<i32>} : memref<2064xf32, #tpu.memory_space<vmem>>, vector<16xf32>,
      %swap3A_152 = arith.constant 224 : index
      %swap3A_153 = tpu.vector_load %arg14[%swap3A_152] {strides = array<i32>} : memref<2064xf32, #tpu.memory_space<vmem>>, vector<16xf32>,
      tpu.vector_store %arg14[%swap3A_152], %broadcast_in_dim3A_5 {strides = array<i32>} : memref<2064xf32, #tpu.memory_space<vmem>>, vector<16xf32>,
      %swap3A_154 = arith.constant 240 : index
      %swap3A_155 = tpu.vector_load %arg14[%swap3A_154] {strides = array<i32>} : memref<2064xf32, #tpu.memory_space<vmem>>, vector<16xf32>,
      tpu.vector_store %arg14[%swap3A_154], %broadcast_in_dim3A_5 {strides = array<i32>} : memref<2064xf32, #tpu.memory_space<vmem>>, vector<16xf32>,
      %swap3A_156 = arith.constant 256 : index
      %swap3A_157 = tpu.vector_load %arg14[%swap3A_156] {strides = array<i32>} : memref<2064xf32, #tpu.memory_space<vmem>>, vector<16xf32>,
      tpu.vector_store %arg14[%swap3A_156], %broadcast_in_dim3A_5 {strides = array<i32>} : memref<2064xf32, #tpu.memory_space<vmem>>, vector<16xf32>,
      %swap3A_158 = arith.constant 0 : i32
      %swap3A_159 = arith.constant 0 : i32
      %swap3A_160 = arith.index_cast %swap3A_159 : i32 to index
      %swap3A_161 = memref.load %arg17[%swap3A_160] : memref<1xi32, #tpu.memory_space<smem>>
      memref.store %swap3A_158, %arg17[%swap3A_160] : memref<1xi32, #tpu.memory_space<smem>>
      %sub3A = arith.constant 1 : i32
      %sub3A_162 = vector.broadcast %sub3A : i32 to vector<16xi32>
      %sub3A_163 = arith.subi %broadcast_in_dim3A_1, %sub3A_162 : vector<16xi32>
      %scan3A_164 = arith.constant 0 : i32
      %scan3A_165 = arith.constant 32 : i32
      %scan3A_166 = arith.addi %scan3A_164, %scan3A_165 : i32
      %scan3A_167 = arith.constant 1 : i32
      %scan3A_168:2 = scf.for %scan3A_424 = %scan3A_164 to %scan3A_166 step %scan3A_167 iter_args(%scan3A_425 = %sub3A_163, %scan3A_426 = %iota3A) -> (vector<16xi32>, vector<16xi32>)  : i32 {
        %mul3A_427 = arith.constant 4 : i32
        %mul3A_428 = arith.muli %scan3A_424, %mul3A_427 : i32
        %add3A_429 = arith.constant 0 : i32
        %add3A_430 = arith.addi %mul3A_428, %add3A_429 : i32
        %mul3A_431 = arith.constant 16 : i32
        %mul3A_432 = arith.muli %add3A_430, %mul3A_431 : i32
        %get3A_433 = arith.index_cast %mul3A_432 : i32 to index
        %get3A_434 = tpu.vector_load %arg7[%get3A_433] {strides = array<i32>} : memref<2048xf32, #tpu.memory_space<vmem>>, vector<16xf32>,
        %le3A_435 = arith.cmpf ole, %get3A_434, %broadcast_in_dim3A_7 : vector<16xf32>
        %select_n3A = arith.select %le3A_435, %broadcast_in_dim3A_3, %broadcast_in_dim3A_1 : vector<16xi1>, vector<16xi32>
        %cumsum3A = arith.constant true
        %cumsum3A_436 = vector.broadcast %cumsum3A : i1 to vector<16xi1>
        %cumsum3A_437 = tpu.scan <sum>, %select_n3A masked %cumsum3A_436 : vector<16xi32>, vector<16xi1> -> vector<16xi32>
        %mul3A_438 = arith.constant 4 : i32
        %mul3A_439 = arith.muli %scan3A_424, %mul3A_438 : i32
        %add3A_440 = arith.constant 1 : i32
        %add3A_441 = arith.addi %mul3A_439, %add3A_440 : i32
        %mul3A_442 = arith.constant 16 : i32
        %mul3A_443 = arith.muli %add3A_441, %mul3A_442 : i32
        %get3A_444 = arith.index_cast %mul3A_443 : i32 to index
        %get3A_445 = tpu.vector_load %arg7[%get3A_444] {strides = array<i32>} : memref<2048xf32, #tpu.memory_space<vmem>>, vector<16xf32>,
        %le3A_446 = arith.cmpf ole, %get3A_445, %broadcast_in_dim3A_7 : vector<16xf32>
        %select_n3A_447 = arith.select %le3A_446, %broadcast_in_dim3A_3, %broadcast_in_dim3A_1 : vector<16xi1>, vector<16xi32>
        %cumsum3A_448 = arith.constant true
        %cumsum3A_449 = vector.broadcast %cumsum3A_448 : i1 to vector<16xi1>
        %cumsum3A_450 = tpu.scan <sum>, %select_n3A_447 masked %cumsum3A_449 : vector<16xi32>, vector<16xi1> -> vector<16xi32>
        %mul3A_451 = arith.constant 4 : i32
        %mul3A_452 = arith.muli %scan3A_424, %mul3A_451 : i32
        %add3A_453 = arith.constant 2 : i32
        %add3A_454 = arith.addi %mul3A_452, %add3A_453 : i32
        %mul3A_455 = arith.constant 16 : i32
        %mul3A_456 = arith.muli %add3A_454, %mul3A_455 : i32
        %get3A_457 = arith.index_cast %mul3A_456 : i32 to index
        %get3A_458 = tpu.vector_load %arg7[%get3A_457] {strides = array<i32>} : memref<2048xf32, #tpu.memory_space<vmem>>, vector<16xf32>,
        %le3A_459 = arith.cmpf ole, %get3A_458, %broadcast_in_dim3A_7 : vector<16xf32>
        %select_n3A_460 = arith.select %le3A_459, %broadcast_in_dim3A_3, %broadcast_in_dim3A_1 : vector<16xi1>, vector<16xi32>
        %cumsum3A_461 = arith.constant true
        %cumsum3A_462 = vector.broadcast %cumsum3A_461 : i1 to vector<16xi1>
        %cumsum3A_463 = tpu.scan <sum>, %select_n3A_460 masked %cumsum3A_462 : vector<16xi32>, vector<16xi1> -> vector<16xi32>
        %mul3A_464 = arith.constant 4 : i32
        %mul3A_465 = arith.muli %scan3A_424, %mul3A_464 : i32
        %add3A_466 = arith.constant 3 : i32
        %add3A_467 = arith.addi %mul3A_465, %add3A_466 : i32
        %mul3A_468 = arith.constant 16 : i32
        %mul3A_469 = arith.muli %add3A_467, %mul3A_468 : i32
        %get3A_470 = arith.index_cast %mul3A_469 : i32 to index
        %get3A_471 = tpu.vector_load %arg7[%get3A_470] {strides = array<i32>} : memref<2048xf32, #tpu.memory_space<vmem>>, vector<16xf32>,
        %le3A_472 = arith.cmpf ole, %get3A_471, %broadcast_in_dim3A_7 : vector<16xf32>
        %select_n3A_473 = arith.select %le3A_472, %broadcast_in_dim3A_3, %broadcast_in_dim3A_1 : vector<16xi1>, vector<16xi32>
        %cumsum3A_474 = arith.constant true
        %cumsum3A_475 = vector.broadcast %cumsum3A_474 : i1 to vector<16xi1>
        %cumsum3A_476 = tpu.scan <sum>, %select_n3A_473 masked %cumsum3A_475 : vector<16xi32>, vector<16xi1> -> vector<16xi32>
        %slice3A_477 = vector.extract_strided_slice %cumsum3A_437 {offsets = [15], sizes = [1], strides = [1]} : vector<16xi32> to vector<1xi32>
        %squeeze3A_478 = vector.extract %slice3A_477[0] : i32 from vector<1xi32>
        %broadcast_in_dim3A_479 = vector.broadcast %squeeze3A_478 : i32 to vector<16xi32>
        %add3A_480 = arith.addi %scan3A_425, %broadcast_in_dim3A_479 : vector<16xi32>
        %slice3A_481 = vector.extract_strided_slice %cumsum3A_450 {offsets = [15], sizes = [1], strides = [1]} : vector<16xi32> to vector<1xi32>
        %squeeze3A_482 = vector.extract %slice3A_481[0] : i32 from vector<1xi32>
        %broadcast_in_dim3A_483 = vector.broadcast %squeeze3A_482 : i32 to vector<16xi32>
        %add3A_484 = arith.addi %add3A_480, %broadcast_in_dim3A_483 : vector<16xi32>
        %slice3A_485 = vector.extract_strided_slice %cumsum3A_463 {offsets = [15], sizes = [1], strides = [1]} : vector<16xi32> to vector<1xi32>
        %squeeze3A_486 = vector.extract %slice3A_485[0] : i32 from vector<1xi32>
        %broadcast_in_dim3A_487 = vector.broadcast %squeeze3A_486 : i32 to vector<16xi32>
        %add3A_488 = arith.addi %add3A_484, %broadcast_in_dim3A_487 : vector<16xi32>
        %slice3A_489 = vector.extract_strided_slice %cumsum3A_476 {offsets = [15], sizes = [1], strides = [1]} : vector<16xi32> to vector<1xi32>
        %squeeze3A_490 = vector.extract %slice3A_489[0] : i32 from vector<1xi32>
        %broadcast_in_dim3A_491 = vector.broadcast %squeeze3A_490 : i32 to vector<16xi32>
        %add3A_492 = arith.addi %add3A_488, %broadcast_in_dim3A_491 : vector<16xi32>
        %add3A_493 = arith.addi %scan3A_425, %cumsum3A_437 : vector<16xi32>
        tpu.vector_store_idx %arg14[%add3A_493], %get3A_434 masked %le3A_435 : memref<2064xf32, #tpu.memory_space<vmem>>[vector<16xi32>], vector<16xf32>, vector<16xi1>
        %add3A_494 = arith.constant 0 : i32
        %add3A_495 = vector.broadcast %add3A_494 : i32 to vector<16xi32>
        %add3A_496 = arith.addi %scan3A_426, %add3A_495 : vector<16xi32>
        tpu.vector_store_idx %arg15[%add3A_493], %add3A_496 masked %le3A_435 : memref<2064xi32, #tpu.memory_space<vmem>>[vector<16xi32>], vector<16xi32>, vector<16xi1>
        %add3A_497 = arith.addi %add3A_480, %cumsum3A_450 : vector<16xi32>
        tpu.vector_store_idx %arg14[%add3A_497], %get3A_445 masked %le3A_446 : memref<2064xf32, #tpu.memory_space<vmem>>[vector<16xi32>], vector<16xf32>, vector<16xi1>
        %add3A_498 = arith.constant 16 : i32
        %add3A_499 = vector.broadcast %add3A_498 : i32 to vector<16xi32>
        %add3A_500 = arith.addi %scan3A_426, %add3A_499 : vector<16xi32>
        tpu.vector_store_idx %arg15[%add3A_497], %add3A_500 masked %le3A_446 : memref<2064xi32, #tpu.memory_space<vmem>>[vector<16xi32>], vector<16xi32>, vector<16xi1>
        %add3A_501 = arith.addi %add3A_484, %cumsum3A_463 : vector<16xi32>
        tpu.vector_store_idx %arg14[%add3A_501], %get3A_458 masked %le3A_459 : memref<2064xf32, #tpu.memory_space<vmem>>[vector<16xi32>], vector<16xf32>, vector<16xi1>
        %add3A_502 = arith.constant 32 : i32
        %add3A_503 = vector.broadcast %add3A_502 : i32 to vector<16xi32>
        %add3A_504 = arith.addi %scan3A_426, %add3A_503 : vector<16xi32>
        tpu.vector_store_idx %arg15[%add3A_501], %add3A_504 masked %le3A_459 : memref<2064xi32, #tpu.memory_space<vmem>>[vector<16xi32>], vector<16xi32>, vector<16xi1>
        %add3A_505 = arith.addi %add3A_488, %cumsum3A_476 : vector<16xi32>
        tpu.vector_store_idx %arg14[%add3A_505], %get3A_471 masked %le3A_472 : memref<2064xf32, #tpu.memory_space<vmem>>[vector<16xi32>], vector<16xf32>, vector<16xi1>
        %add3A_506 = arith.constant 48 : i32
        %add3A_507 = vector.broadcast %add3A_506 : i32 to vector<16xi32>
        %add3A_508 = arith.addi %scan3A_426, %add3A_507 : vector<16xi32>
        tpu.vector_store_idx %arg15[%add3A_505], %add3A_508 masked %le3A_472 : memref<2064xi32, #tpu.memory_space<vmem>>[vector<16xi32>], vector<16xi32>, vector<16xi1>
        %add3A_509 = arith.constant 64 : i32
        %add3A_510 = vector.broadcast %add3A_509 : i32 to vector<16xi32>
        %add3A_511 = arith.addi %scan3A_426, %add3A_510 : vector<16xi32>
        scf.yield %add3A_492, %add3A_511 : vector<16xi32>, vector<16xi32>
      }
      %scan3A_169 = arith.constant 32 : i32
      %slice3A = vector.extract_strided_slice %scan3A_168#0 {offsets = [15], sizes = [1], strides = [1]} : vector<16xi32> to vector<1xi32>
      %squeeze3A = vector.extract %slice3A[0] : i32 from vector<1xi32>
      %add3A_170 = arith.constant 1 : i32
      %add3A_171 = arith.addi %squeeze3A, %add3A_170 : i32
      %ge3A = arith.constant 48 : i32
      %ge3A_172 = arith.cmpi sge, %add3A_171, %ge3A : i32
      %le3A = arith.constant 256 : i32
      %le3A_173 = arith.cmpi sle, %add3A_171, %le3A : i32
      %and3A = arith.andi %ge3A_172, %le3A_173 : i1
      %convert_element_type3A_174 = arith.extui %and3A : i1 to i32
      %cond3A_175 = arith.constant 0 : i32
      %cond3A_176 = arith.cmpi ne, %convert_element_type3A_174, %cond3A_175 : i32
      scf.if %cond3A_176 {
        %add3A_424 = arith.constant 15 : i32
        %add3A_425 = arith.addi %add3A_171, %add3A_424 : i32
        %jit3A = arith.constant 16 : i32
        %div3A = arith.divsi %add3A_425, %jit3A : i32
        %sign3A = arith.constant 0 : i32
        %sign3A_426 = arith.cmpi sgt, %add3A_425, %sign3A : i32
        %sign3A_427 = arith.extui %sign3A_426 : i1 to i32
        %sign3A_428 = arith.constant 0 : i32
        %sign3A_429 = arith.cmpi slt, %add3A_425, %sign3A_428 : i32
        %sign3A_430 = arith.extui %sign3A_429 : i1 to i32
        %sign3A_431 = arith.subi %sign3A_427, %sign3A_430 : i32
        %sign3A_432 = arith.constant 0 : i32
        %sign3A_433 = arith.cmpi sgt, %jit3A, %sign3A_432 : i32
        %sign3A_434 = arith.extui %sign3A_433 : i1 to i32
        %sign3A_435 = arith.constant 0 : i32
        %sign3A_436 = arith.cmpi slt, %jit3A, %sign3A_435 : i32
        %sign3A_437 = arith.extui %sign3A_436 : i1 to i32
        %sign3A_438 = arith.subi %sign3A_434, %sign3A_437 : i32
        %ne3A = arith.cmpi ne, %sign3A_431, %sign3A_438 : i32
        %rem3A = arith.remsi %add3A_425, %jit3A : i32
        %ne3A_439 = arith.constant 0 : i32
        %ne3A_440 = arith.cmpi ne, %rem3A, %ne3A_439 : i32
        %and3A_441 = arith.andi %ne3A, %ne3A_440 : i1
        %sub3A_442 = arith.constant 1 : i32
        %sub3A_443 = arith.subi %div3A, %sub3A_442 : i32
        %select_n3A = arith.select %and3A_441, %sub3A_443, %div3A : i32
        %while3A = arith.constant 0 : i32
        %while3A_444 = arith.subi %select_n3A, %while3A : i32
        %while3A_445 = arith.addi %while3A, %while3A_444 : i32
        %while3A_446 = arith.constant 1 : i32
        %while3A_447 = arith.divsi %while3A_444, %while3A_446 : i32
        %while3A_448 = arith.muli %while3A_447, %while3A_446 : i32
        %while3A_449 = arith.addi %while3A, %while3A_448 : i32
        %while3A_450 = arith.constant 1 : i32
        scf.for %while3A_480 = %while3A to %while3A_449 step %while3A_450  : i32 {
          %mul3A_481 = arith.constant 16 : i32
          %mul3A_482 = arith.muli %while3A_480, %mul3A_481 : i32
          %get3A_483 = arith.index_cast %mul3A_482 : i32 to index
          %get3A_484 = tpu.vector_load %arg14[%get3A_483] {strides = array<i32>} : memref<2064xf32, #tpu.memory_space<vmem>>, vector<16xf32>,
          %sort3A = arith.constant dense<true> : vector<16xi1>
          %sort3A_485, %sort3A_486, %sort3A_487 = tpu.sort %get3A_484, %get3A_484 masked %sort3A : (vector<16xf32>, vector<16xf32>, vector<16xi1>) -> (vector<16xi1>, vector<16xf32>, vector<16xf32>)
          %rev3A = arith.constant 15 : i32
          %rev3A_488 = vector.broadcast %rev3A : i32 to vector<16xi32>
          %rev3A_489 = tpu.iota {dimensions = array<i32: 0>} : vector<16xi32>
          %rev3A_490 = arith.subi %rev3A_488, %rev3A_489 : vector<16xi32>
          %rev3A_491 = tpu.dynamic_gather %sort3A_486[%rev3A_490] in [0] : vector<16xf32>, vector<16xi32> -> vector<16xf32>
          %get3A_492 = arith.constant 0 : index
          %get3A_493 = tpu.vector_load %arg12[%get3A_492] {strides = array<i32>} : memref<48xf32, #tpu.memory_space<vmem>>, vector<16xf32>,
          %get3A_494 = arith.constant 16 : index
          %get3A_495 = tpu.vector_load %arg12[%get3A_494] {strides = array<i32>} : memref<48xf32, #tpu.memory_space<vmem>>, vector<16xf32>,
          %get3A_496 = arith.constant 32 : index
          %get3A_497 = tpu.vector_load %arg12[%get3A_496] {strides = array<i32>} : memref<48xf32, #tpu.memory_space<vmem>>, vector<16xf32>,
          %min3A = arith.minimumf %get3A_493, %get3A_497 : vector<16xf32>
          %max3A = arith.maximumf %get3A_493, %get3A_497 : vector<16xf32>
          %min3A_498 = arith.minimumf %get3A_495, %rev3A_491 : vector<16xf32>
          %max3A_499 = arith.maximumf %get3A_495, %rev3A_491 : vector<16xf32>
          %min3A_500 = arith.minimumf %min3A, %min3A_498 : vector<16xf32>
          %max3A_501 = arith.maximumf %min3A, %min3A_498 : vector<16xf32>
          %min3A_502 = arith.minimumf %max3A, %max3A_499 : vector<16xf32>
          %sort3A_503 = arith.constant dense<true> : vector<16xi1>
          %sort3A_504, %sort3A_505, %sort3A_506 = tpu.sort %min3A_502, %min3A_502 masked %sort3A_503 : (vector<16xf32>, vector<16xf32>, vector<16xi1>) -> (vector<16xi1>, vector<16xf32>, vector<16xf32>)
          %sort3A_507 = arith.constant dense<true> : vector<16xi1>
          %sort3A_508, %sort3A_509, %sort3A_510 = tpu.sort %min3A_500, %min3A_500 masked %sort3A_507 : (vector<16xf32>, vector<16xf32>, vector<16xi1>) -> (vector<16xi1>, vector<16xf32>, vector<16xf32>)
          %swap3A_511 = arith.constant 0 : index
          %swap3A_512 = tpu.vector_load %arg12[%swap3A_511] {strides = array<i32>} : memref<48xf32, #tpu.memory_space<vmem>>, vector<16xf32>,
          tpu.vector_store %arg12[%swap3A_511], %sort3A_509 {strides = array<i32>} : memref<48xf32, #tpu.memory_space<vmem>>, vector<16xf32>,
          %sort3A_513 = arith.constant dense<true> : vector<16xi1>
          %sort3A_514, %sort3A_515, %sort3A_516 = tpu.sort %max3A_501, %max3A_501 masked %sort3A_513 : (vector<16xf32>, vector<16xf32>, vector<16xi1>) -> (vector<16xi1>, vector<16xf32>, vector<16xf32>)
          %swap3A_517 = arith.constant 16 : index
          %swap3A_518 = tpu.vector_load %arg12[%swap3A_517] {strides = array<i32>} : memref<48xf32, #tpu.memory_space<vmem>>, vector<16xf32>,
          tpu.vector_store %arg12[%swap3A_517], %sort3A_515 {strides = array<i32>} : memref<48xf32, #tpu.memory_space<vmem>>, vector<16xf32>,
          %swap3A_519 = arith.constant 32 : index
          %swap3A_520 = tpu.vector_load %arg12[%swap3A_519] {strides = array<i32>} : memref<48xf32, #tpu.memory_space<vmem>>, vector<16xf32>,
          tpu.vector_store %arg12[%swap3A_519], %sort3A_505 {strides = array<i32>} : memref<48xf32, #tpu.memory_space<vmem>>, vector<16xf32>,
          %slice3A_521 = vector.extract_strided_slice %sort3A_505 {offsets = [15], sizes = [1], strides = [1]} : vector<16xf32> to vector<1xf32>
          %squeeze3A_522 = vector.extract %slice3A_521[0] : f32 from vector<1xf32>
          %broadcast_in_dim3A_523 = vector.broadcast %squeeze3A_522 : f32 to vector<16xf32>
          %swap3A_524 = arith.constant 0 : index
          %swap3A_525 = tpu.vector_load %arg13[%swap3A_524] {strides = array<i32>} : memref<16xf32, #tpu.memory_space<vmem>>, vector<16xf32>,
          tpu.vector_store %arg13[%swap3A_524], %broadcast_in_dim3A_523 {strides = array<i32>} : memref<16xf32, #tpu.memory_space<vmem>>, vector<16xf32>,
        }
        %while3A_451 = arith.constant 1 : i32
        scf.for %while3A_480 = %while3A_449 to %while3A_445 step %while3A_451  : i32 {
          %mul3A_481 = arith.constant 16 : i32
          %mul3A_482 = arith.muli %while3A_480, %mul3A_481 : i32
          %get3A_483 = arith.index_cast %mul3A_482 : i32 to index
          %get3A_484 = tpu.vector_load %arg14[%get3A_483] {strides = array<i32>} : memref<2064xf32, #tpu.memory_space<vmem>>, vector<16xf32>,
          %sort3A = arith.constant dense<true> : vector<16xi1>
          %sort3A_485, %sort3A_486, %sort3A_487 = tpu.sort %get3A_484, %get3A_484 masked %sort3A : (vector<16xf32>, vector<16xf32>, vector<16xi1>) -> (vector<16xi1>, vector<16xf32>, vector<16xf32>)
          %rev3A = arith.constant 15 : i32
          %rev3A_488 = vector.broadcast %rev3A : i32 to vector<16xi32>
          %rev3A_489 = tpu.iota {dimensions = array<i32: 0>} : vector<16xi32>
          %rev3A_490 = arith.subi %rev3A_488, %rev3A_489 : vector<16xi32>
          %rev3A_491 = tpu.dynamic_gather %sort3A_486[%rev3A_490] in [0] : vector<16xf32>, vector<16xi32> -> vector<16xf32>
          %get3A_492 = arith.constant 0 : index
          %get3A_493 = tpu.vector_load %arg12[%get3A_492] {strides = array<i32>} : memref<48xf32, #tpu.memory_space<vmem>>, vector<16xf32>,
          %get3A_494 = arith.constant 16 : index
          %get3A_495 = tpu.vector_load %arg12[%get3A_494] {strides = array<i32>} : memref<48xf32, #tpu.memory_space<vmem>>, vector<16xf32>,
          %get3A_496 = arith.constant 32 : index
          %get3A_497 = tpu.vector_load %arg12[%get3A_496] {strides = array<i32>} : memref<48xf32, #tpu.memory_space<vmem>>, vector<16xf32>,
          %min3A = arith.minimumf %get3A_493, %get3A_497 : vector<16xf32>
          %max3A = arith.maximumf %get3A_493, %get3A_497 : vector<16xf32>
          %min3A_498 = arith.minimumf %get3A_495, %rev3A_491 : vector<16xf32>
          %max3A_499 = arith.maximumf %get3A_495, %rev3A_491 : vector<16xf32>
          %min3A_500 = arith.minimumf %min3A, %min3A_498 : vector<16xf32>
          %max3A_501 = arith.maximumf %min3A, %min3A_498 : vector<16xf32>
          %min3A_502 = arith.minimumf %max3A, %max3A_499 : vector<16xf32>
          %sort3A_503 = arith.constant dense<true> : vector<16xi1>
          %sort3A_504, %sort3A_505, %sort3A_506 = tpu.sort %min3A_502, %min3A_502 masked %sort3A_503 : (vector<16xf32>, vector<16xf32>, vector<16xi1>) -> (vector<16xi1>, vector<16xf32>, vector<16xf32>)
          %sort3A_507 = arith.constant dense<true> : vector<16xi1>
          %sort3A_508, %sort3A_509, %sort3A_510 = tpu.sort %min3A_500, %min3A_500 masked %sort3A_507 : (vector<16xf32>, vector<16xf32>, vector<16xi1>) -> (vector<16xi1>, vector<16xf32>, vector<16xf32>)
          %swap3A_511 = arith.constant 0 : index
          %swap3A_512 = tpu.vector_load %arg12[%swap3A_511] {strides = array<i32>} : memref<48xf32, #tpu.memory_space<vmem>>, vector<16xf32>,
          tpu.vector_store %arg12[%swap3A_511], %sort3A_509 {strides = array<i32>} : memref<48xf32, #tpu.memory_space<vmem>>, vector<16xf32>,
          %sort3A_513 = arith.constant dense<true> : vector<16xi1>
          %sort3A_514, %sort3A_515, %sort3A_516 = tpu.sort %max3A_501, %max3A_501 masked %sort3A_513 : (vector<16xf32>, vector<16xf32>, vector<16xi1>) -> (vector<16xi1>, vector<16xf32>, vector<16xf32>)
          %swap3A_517 = arith.constant 16 : index
          %swap3A_518 = tpu.vector_load %arg12[%swap3A_517] {strides = array<i32>} : memref<48xf32, #tpu.memory_space<vmem>>, vector<16xf32>,
          tpu.vector_store %arg12[%swap3A_517], %sort3A_515 {strides = array<i32>} : memref<48xf32, #tpu.memory_space<vmem>>, vector<16xf32>,
          %swap3A_519 = arith.constant 32 : index
          %swap3A_520 = tpu.vector_load %arg12[%swap3A_519] {strides = array<i32>} : memref<48xf32, #tpu.memory_space<vmem>>, vector<16xf32>,
          tpu.vector_store %arg12[%swap3A_519], %sort3A_505 {strides = array<i32>} : memref<48xf32, #tpu.memory_space<vmem>>, vector<16xf32>,
          %slice3A_521 = vector.extract_strided_slice %sort3A_505 {offsets = [15], sizes = [1], strides = [1]} : vector<16xf32> to vector<1xf32>
          %squeeze3A_522 = vector.extract %slice3A_521[0] : f32 from vector<1xf32>
          %broadcast_in_dim3A_523 = vector.broadcast %squeeze3A_522 : f32 to vector<16xf32>
          %swap3A_524 = arith.constant 0 : index
          %swap3A_525 = tpu.vector_load %arg13[%swap3A_524] {strides = array<i32>} : memref<16xf32, #tpu.memory_space<vmem>>, vector<16xf32>,
          tpu.vector_store %arg13[%swap3A_524], %broadcast_in_dim3A_523 {strides = array<i32>} : memref<16xf32, #tpu.memory_space<vmem>>, vector<16xf32>,
        }
        %get3A_452 = arith.constant 0 : index
        %get3A_453 = tpu.vector_load %arg13[%get3A_452] {strides = array<i32>} : memref<16xf32, #tpu.memory_space<vmem>>, vector<16xf32>,
        %sub3A_454 = arith.constant 1 : i32
        %sub3A_455 = vector.broadcast %sub3A_454 : i32 to vector<16xi32>
        %sub3A_456 = arith.subi %broadcast_in_dim3A_1, %sub3A_455 : vector<16xi32>
        %swap3A_457 = arith.constant 0 : index
        %swap3A_458 = tpu.vector_load %arg16[%swap3A_457] {strides = array<i32>} : memref<16xi32, #tpu.memory_space<vmem>>, vector<16xi32>,
        tpu.vector_store %arg16[%swap3A_457], %sub3A_456 {strides = array<i32>} : memref<16xi32, #tpu.memory_space<vmem>>, vector<16xi32>,
        %while3A_459 = arith.constant 0 : i32
        %while3A_460 = arith.subi %select_n3A, %while3A_459 : i32
        %while3A_461 = arith.addi %while3A_459, %while3A_460 : i32
        %while3A_462 = arith.constant 1 : i32
        %while3A_463 = arith.divsi %while3A_460, %while3A_462 : i32
        %while3A_464 = arith.muli %while3A_463, %while3A_462 : i32
        %while3A_465 = arith.addi %while3A_459, %while3A_464 : i32
        %while3A_466 = arith.constant 1 : i32
        scf.for %while3A_480 = %while3A_459 to %while3A_465 step %while3A_466  : i32 {
          %mul3A_481 = arith.constant 16 : i32
          %mul3A_482 = arith.muli %while3A_480, %mul3A_481 : i32
          %get3A_483 = arith.index_cast %mul3A_482 : i32 to index
          %get3A_484 = tpu.vector_load %arg14[%get3A_483] {strides = array<i32>} : memref<2064xf32, #tpu.memory_space<vmem>>, vector<16xf32>,
          %le3A_485 = arith.cmpf ole, %get3A_484, %get3A_453 : vector<16xf32>
          %select_n3A_486 = arith.select %le3A_485, %broadcast_in_dim3A_3, %broadcast_in_dim3A_1 : vector<16xi1>, vector<16xi32>
          %cumsum3A = arith.constant true
          %cumsum3A_487 = vector.broadcast %cumsum3A : i1 to vector<16xi1>
          %cumsum3A_488 = tpu.scan <sum>, %select_n3A_486 masked %cumsum3A_487 : vector<16xi32>, vector<16xi1> -> vector<16xi32>
          %get3A_489 = arith.constant 0 : index
          %get3A_490 = tpu.vector_load %arg16[%get3A_489] {strides = array<i32>} : memref<16xi32, #tpu.memory_space<vmem>>, vector<16xi32>,
          %add3A_491 = arith.addi %get3A_490, %cumsum3A_488 : vector<16xi32>
          %lt3A_492 = arith.constant 48 : i32
          %lt3A_493 = vector.broadcast %lt3A_492 : i32 to vector<16xi32>
          %lt3A_494 = arith.cmpi slt, %add3A_491, %lt3A_493 : vector<16xi32>
          %and3A_495 = arith.andi %le3A_485, %lt3A_494 : vector<16xi1>
          %mul3A_496 = arith.constant 16 : i32
          %mul3A_497 = arith.muli %while3A_480, %mul3A_496 : i32
          %get3A_498 = arith.index_cast %mul3A_497 : i32 to index
          %get3A_499 = tpu.vector_load %arg15[%get3A_498] {strides = array<i32>} : memref<2064xi32, #tpu.memory_space<vmem>>, vector<16xi32>,
          tpu.vector_store_idx %arg18[%add3A_491], %get3A_499 masked %and3A_495 : memref<48xi32, #tpu.memory_space<vmem>>[vector<16xi32>], vector<16xi32>, vector<16xi1>
          %mul3A_500 = arith.constant 2048 : i32
          %mul3A_501 = arith.muli %add3A_116, %mul3A_500 : i32
          %add3A_502 = vector.broadcast %mul3A_501 : i32 to vector<16xi32>
          %add3A_503 = arith.addi %get3A_499, %add3A_502 : vector<16xi32>
          tpu.vector_store_idx %arg19[%add3A_491], %add3A_503 masked %and3A_495 : memref<48xi32, #tpu.memory_space<vmem>>[vector<16xi32>], vector<16xi32>, vector<16xi1>
          %slice3A_504 = vector.extract_strided_slice %cumsum3A_488 {offsets = [15], sizes = [1], strides = [1]} : vector<16xi32> to vector<1xi32>
          %squeeze3A_505 = vector.extract %slice3A_504[0] : i32 from vector<1xi32>
          %broadcast_in_dim3A_506 = vector.broadcast %squeeze3A_505 : i32 to vector<16xi32>
          %add3A_507 = arith.addi %get3A_490, %broadcast_in_dim3A_506 : vector<16xi32>
          %swap3A_508 = arith.constant 0 : index
          %swap3A_509 = tpu.vector_load %arg16[%swap3A_508] {strides = array<i32>} : memref<16xi32, #tpu.memory_space<vmem>>, vector<16xi32>,
          tpu.vector_store %arg16[%swap3A_508], %add3A_507 {strides = array<i32>} : memref<16xi32, #tpu.memory_space<vmem>>, vector<16xi32>,
        }
        %while3A_467 = arith.constant 1 : i32
        scf.for %while3A_480 = %while3A_465 to %while3A_461 step %while3A_467  : i32 {
          %mul3A_481 = arith.constant 16 : i32
          %mul3A_482 = arith.muli %while3A_480, %mul3A_481 : i32
          %get3A_483 = arith.index_cast %mul3A_482 : i32 to index
          %get3A_484 = tpu.vector_load %arg14[%get3A_483] {strides = array<i32>} : memref<2064xf32, #tpu.memory_space<vmem>>, vector<16xf32>,
          %le3A_485 = arith.cmpf ole, %get3A_484, %get3A_453 : vector<16xf32>
          %select_n3A_486 = arith.select %le3A_485, %broadcast_in_dim3A_3, %broadcast_in_dim3A_1 : vector<16xi1>, vector<16xi32>
          %cumsum3A = arith.constant true
          %cumsum3A_487 = vector.broadcast %cumsum3A : i1 to vector<16xi1>
          %cumsum3A_488 = tpu.scan <sum>, %select_n3A_486 masked %cumsum3A_487 : vector<16xi32>, vector<16xi1> -> vector<16xi32>
          %get3A_489 = arith.constant 0 : index
          %get3A_490 = tpu.vector_load %arg16[%get3A_489] {strides = array<i32>} : memref<16xi32, #tpu.memory_space<vmem>>, vector<16xi32>,
          %add3A_491 = arith.addi %get3A_490, %cumsum3A_488 : vector<16xi32>
          %lt3A_492 = arith.constant 48 : i32
          %lt3A_493 = vector.broadcast %lt3A_492 : i32 to vector<16xi32>
          %lt3A_494 = arith.cmpi slt, %add3A_491, %lt3A_493 : vector<16xi32>
          %and3A_495 = arith.andi %le3A_485, %lt3A_494 : vector<16xi1>
          %mul3A_496 = arith.constant 16 : i32
          %mul3A_497 = arith.muli %while3A_480, %mul3A_496 : i32
          %get3A_498 = arith.index_cast %mul3A_497 : i32 to index
          %get3A_499 = tpu.vector_load %arg15[%get3A_498] {strides = array<i32>} : memref<2064xi32, #tpu.memory_space<vmem>>, vector<16xi32>,
          tpu.vector_store_idx %arg18[%add3A_491], %get3A_499 masked %and3A_495 : memref<48xi32, #tpu.memory_space<vmem>>[vector<16xi32>], vector<16xi32>, vector<16xi1>
          %mul3A_500 = arith.constant 2048 : i32
          %mul3A_501 = arith.muli %add3A_116, %mul3A_500 : i32
          %add3A_502 = vector.broadcast %mul3A_501 : i32 to vector<16xi32>
          %add3A_503 = arith.addi %get3A_499, %add3A_502 : vector<16xi32>
          tpu.vector_store_idx %arg19[%add3A_491], %add3A_503 masked %and3A_495 : memref<48xi32, #tpu.memory_space<vmem>>[vector<16xi32>], vector<16xi32>, vector<16xi1>
          %slice3A_504 = vector.extract_strided_slice %cumsum3A_488 {offsets = [15], sizes = [1], strides = [1]} : vector<16xi32> to vector<1xi32>
          %squeeze3A_505 = vector.extract %slice3A_504[0] : i32 from vector<1xi32>
          %broadcast_in_dim3A_506 = vector.broadcast %squeeze3A_505 : i32 to vector<16xi32>
          %add3A_507 = arith.addi %get3A_490, %broadcast_in_dim3A_506 : vector<16xi32>
          %swap3A_508 = arith.constant 0 : index
          %swap3A_509 = tpu.vector_load %arg16[%swap3A_508] {strides = array<i32>} : memref<16xi32, #tpu.memory_space<vmem>>, vector<16xi32>,
          tpu.vector_store %arg16[%swap3A_508], %add3A_507 {strides = array<i32>} : memref<16xi32, #tpu.memory_space<vmem>>, vector<16xi32>,
        }
        %get3A_468 = arith.constant 0 : index
        %get3A_469 = tpu.vector_load %arg16[%get3A_468] {strides = array<i32>} : memref<16xi32, #tpu.memory_space<vmem>>, vector<16xi32>,
        %slice3A_470 = vector.extract_strided_slice %get3A_469 {offsets = [15], sizes = [1], strides = [1]} : vector<16xi32> to vector<1xi32>
        %squeeze3A_471 = vector.extract %slice3A_470[0] : i32 from vector<1xi32>
        %add3A_472 = arith.constant 1 : i32
        %add3A_473 = arith.addi %squeeze3A_471, %add3A_472 : i32
        %eq3A_474 = arith.constant 48 : i32
        %eq3A_475 = arith.cmpi eq, %add3A_473, %eq3A_474 : i32
        %convert_element_type3A_476 = arith.extui %eq3A_475 : i1 to i32
        %swap3A_477 = arith.constant 0 : i32
        %swap3A_478 = arith.index_cast %swap3A_477 : i32 to index
        %swap3A_479 = memref.load %arg17[%swap3A_478] : memref<1xi32, #tpu.memory_space<smem>>
        memref.store %convert_element_type3A_476, %arg17[%swap3A_478] : memref<1xi32, #tpu.memory_space<smem>>
      } else {
      }
      %get3A = arith.constant 0 : i32
      %get3A_177 = arith.index_cast %get3A : i32 to index
      %get3A_178 = memref.load %arg17[%get3A_177] : memref<1xi32, #tpu.memory_space<smem>>
      %eq3A = arith.constant 0 : i32
      %eq3A_179 = arith.cmpi eq, %get3A_178, %eq3A : i32
      %convert_element_type3A_180 = arith.extui %eq3A_179 : i1 to i32
      %cond3A_181 = arith.constant 0 : i32
      %cond3A_182 = arith.cmpi ne, %convert_element_type3A_180, %cond3A_181 : i32
      scf.if %cond3A_182 {
        %swap3A_424 = arith.constant 0 : index
        %swap3A_425 = tpu.vector_load %arg12[%swap3A_424] {strides = array<i32>} : memref<48xf32, #tpu.memory_space<vmem>>, vector<16xf32>,
        tpu.vector_store %arg12[%swap3A_424], %broadcast_in_dim3A_5 {strides = array<i32>} : memref<48xf32, #tpu.memory_space<vmem>>, vector<16xf32>,
        %swap3A_426 = arith.constant 16 : index
        %swap3A_427 = tpu.vector_load %arg12[%swap3A_426] {strides = array<i32>} : memref<48xf32, #tpu.memory_space<vmem>>, vector<16xf32>,
        tpu.vector_store %arg12[%swap3A_426], %broadcast_in_dim3A_5 {strides = array<i32>} : memref<48xf32, #tpu.memory_space<vmem>>, vector<16xf32>,
        %swap3A_428 = arith.constant 32 : index
        %swap3A_429 = tpu.vector_load %arg12[%swap3A_428] {strides = array<i32>} : memref<48xf32, #tpu.memory_space<vmem>>, vector<16xf32>,
        tpu.vector_store %arg12[%swap3A_428], %broadcast_in_dim3A_5 {strides = array<i32>} : memref<48xf32, #tpu.memory_space<vmem>>, vector<16xf32>,
        %swap3A_430 = arith.constant 0 : index
        %swap3A_431 = tpu.vector_load %arg13[%swap3A_430] {strides = array<i32>} : memref<16xf32, #tpu.memory_space<vmem>>, vector<16xf32>,
        tpu.vector_store %arg13[%swap3A_430], %broadcast_in_dim3A_5 {strides = array<i32>} : memref<16xf32, #tpu.memory_space<vmem>>, vector<16xf32>,
        %scan3A_432 = arith.constant 0 : i32
        %scan3A_433 = arith.constant 128 : i32
        %scan3A_434 = arith.addi %scan3A_432, %scan3A_433 : i32
        %scan3A_435 = arith.constant 1 : i32
        scf.for %scan3A_458 = %scan3A_432 to %scan3A_434 step %scan3A_435  : i32 {
          %get3A_459 = arith.constant 0 : index
          %get3A_460 = tpu.vector_load %arg13[%get3A_459] {strides = array<i32>} : memref<16xf32, #tpu.memory_space<vmem>>, vector<16xf32>,
          %mul3A_461 = arith.constant 16 : i32
          %mul3A_462 = arith.muli %scan3A_458, %mul3A_461 : i32
          %get3A_463 = arith.index_cast %mul3A_462 : i32 to index
          %get3A_464 = tpu.vector_load %arg7[%get3A_463] {strides = array<i32>} : memref<2048xf32, #tpu.memory_space<vmem>>, vector<16xf32>,
          %lt3A_465 = arith.cmpf olt, %get3A_464, %get3A_460 : vector<16xf32>
          %all_reduce_population_count3A = tpu.all_reduce %lt3A_465 {dim = 0 : i64, kind = #tpu.reduction_kind<sum>} : vector<16xi1> -> vector<16xi32>
          %slice3A_466 = vector.extract_strided_slice %all_reduce_population_count3A {offsets = [0], sizes = [1], strides = [1]} : vector<16xi32> to vector<1xi32>
          %squeeze3A_467 = vector.extract %slice3A_466[0] : i32 from vector<1xi32>
          %gt3A_468 = arith.constant 0 : i32
          %gt3A_469 = arith.cmpi sgt, %squeeze3A_467, %gt3A_468 : i32
          %convert_element_type3A_470 = arith.extui %gt3A_469 : i1 to i32
          %cond3A_471 = arith.constant 0 : i32
          %cond3A_472 = arith.cmpi ne, %convert_element_type3A_470, %cond3A_471 : i32
          scf.if %cond3A_472 {
            %sort3A = arith.constant dense<true> : vector<16xi1>
            %sort3A_473, %sort3A_474, %sort3A_475 = tpu.sort %get3A_464, %get3A_464 masked %sort3A : (vector<16xf32>, vector<16xf32>, vector<16xi1>) -> (vector<16xi1>, vector<16xf32>, vector<16xf32>)
            %rev3A = arith.constant 15 : i32
            %rev3A_476 = vector.broadcast %rev3A : i32 to vector<16xi32>
            %rev3A_477 = tpu.iota {dimensions = array<i32: 0>} : vector<16xi32>
            %rev3A_478 = arith.subi %rev3A_476, %rev3A_477 : vector<16xi32>
            %rev3A_479 = tpu.dynamic_gather %sort3A_474[%rev3A_478] in [0] : vector<16xf32>, vector<16xi32> -> vector<16xf32>
            %get3A_480 = arith.constant 0 : index
            %get3A_481 = tpu.vector_load %arg12[%get3A_480] {strides = array<i32>} : memref<48xf32, #tpu.memory_space<vmem>>, vector<16xf32>,
            %get3A_482 = arith.constant 16 : index
            %get3A_483 = tpu.vector_load %arg12[%get3A_482] {strides = array<i32>} : memref<48xf32, #tpu.memory_space<vmem>>, vector<16xf32>,
            %get3A_484 = arith.constant 32 : index
            %get3A_485 = tpu.vector_load %arg12[%get3A_484] {strides = array<i32>} : memref<48xf32, #tpu.memory_space<vmem>>, vector<16xf32>,
            %min3A = arith.minimumf %get3A_481, %get3A_485 : vector<16xf32>
            %max3A = arith.maximumf %get3A_481, %get3A_485 : vector<16xf32>
            %min3A_486 = arith.minimumf %get3A_483, %rev3A_479 : vector<16xf32>
            %max3A_487 = arith.maximumf %get3A_483, %rev3A_479 : vector<16xf32>
            %min3A_488 = arith.minimumf %min3A, %min3A_486 : vector<16xf32>
            %max3A_489 = arith.maximumf %min3A, %min3A_486 : vector<16xf32>
            %min3A_490 = arith.minimumf %max3A, %max3A_487 : vector<16xf32>
            %sort3A_491 = arith.constant dense<true> : vector<16xi1>
            %sort3A_492, %sort3A_493, %sort3A_494 = tpu.sort %min3A_490, %min3A_490 masked %sort3A_491 : (vector<16xf32>, vector<16xf32>, vector<16xi1>) -> (vector<16xi1>, vector<16xf32>, vector<16xf32>)
            %sort3A_495 = arith.constant dense<true> : vector<16xi1>
            %sort3A_496, %sort3A_497, %sort3A_498 = tpu.sort %min3A_488, %min3A_488 masked %sort3A_495 : (vector<16xf32>, vector<16xf32>, vector<16xi1>) -> (vector<16xi1>, vector<16xf32>, vector<16xf32>)
            %swap3A_499 = arith.constant 0 : index
            %swap3A_500 = tpu.vector_load %arg12[%swap3A_499] {strides = array<i32>} : memref<48xf32, #tpu.memory_space<vmem>>, vector<16xf32>,
            tpu.vector_store %arg12[%swap3A_499], %sort3A_497 {strides = array<i32>} : memref<48xf32, #tpu.memory_space<vmem>>, vector<16xf32>,
            %sort3A_501 = arith.constant dense<true> : vector<16xi1>
            %sort3A_502, %sort3A_503, %sort3A_504 = tpu.sort %max3A_489, %max3A_489 masked %sort3A_501 : (vector<16xf32>, vector<16xf32>, vector<16xi1>) -> (vector<16xi1>, vector<16xf32>, vector<16xf32>)
            %swap3A_505 = arith.constant 16 : index
            %swap3A_506 = tpu.vector_load %arg12[%swap3A_505] {strides = array<i32>} : memref<48xf32, #tpu.memory_space<vmem>>, vector<16xf32>,
            tpu.vector_store %arg12[%swap3A_505], %sort3A_503 {strides = array<i32>} : memref<48xf32, #tpu.memory_space<vmem>>, vector<16xf32>,
            %swap3A_507 = arith.constant 32 : index
            %swap3A_508 = tpu.vector_load %arg12[%swap3A_507] {strides = array<i32>} : memref<48xf32, #tpu.memory_space<vmem>>, vector<16xf32>,
            tpu.vector_store %arg12[%swap3A_507], %sort3A_493 {strides = array<i32>} : memref<48xf32, #tpu.memory_space<vmem>>, vector<16xf32>,
            %slice3A_509 = vector.extract_strided_slice %sort3A_493 {offsets = [15], sizes = [1], strides = [1]} : vector<16xf32> to vector<1xf32>
            %squeeze3A_510 = vector.extract %slice3A_509[0] : f32 from vector<1xf32>
            %broadcast_in_dim3A_511 = vector.broadcast %squeeze3A_510 : f32 to vector<16xf32>
            %swap3A_512 = arith.constant 0 : index
            %swap3A_513 = tpu.vector_load %arg13[%swap3A_512] {strides = array<i32>} : memref<16xf32, #tpu.memory_space<vmem>>, vector<16xf32>,
            tpu.vector_store %arg13[%swap3A_512], %broadcast_in_dim3A_511 {strides = array<i32>} : memref<16xf32, #tpu.memory_space<vmem>>, vector<16xf32>,
          } else {
          }
        }
        %scan3A_436 = arith.constant 128 : i32
        %get3A_437 = arith.constant 0 : index
        %get3A_438 = tpu.vector_load %arg13[%get3A_437] {strides = array<i32>} : memref<16xf32, #tpu.memory_space<vmem>>, vector<16xf32>,
        %scan3A_439 = arith.constant 0 : i32
        %scan3A_440 = arith.constant 128 : i32
        %scan3A_441 = arith.addi %scan3A_439, %scan3A_440 : i32
        %scan3A_442 = arith.constant 1 : i32
        %scan3A_443 = scf.for %scan3A_458 = %scan3A_439 to %scan3A_441 step %scan3A_442 iter_args(%scan3A_459 = %broadcast_in_dim3A_1) -> (vector<16xi32>)  : i32 {
          %mul3A_460 = arith.constant 16 : i32
          %mul3A_461 = arith.muli %scan3A_458, %mul3A_460 : i32
          %get3A_462 = arith.index_cast %mul3A_461 : i32 to index
          %get3A_463 = tpu.vector_load %arg7[%get3A_462] {strides = array<i32>} : memref<2048xf32, #tpu.memory_space<vmem>>, vector<16xf32>,
          %lt3A_464 = arith.cmpf olt, %get3A_463, %get3A_438 : vector<16xf32>
          %convert_element_type3A_465 = arith.extui %lt3A_464 : vector<16xi1> to vector<16xi32>
          %add3A_466 = arith.addi %scan3A_459, %convert_element_type3A_465 : vector<16xi32>
          scf.yield %add3A_466 : vector<16xi32>
        }
        %scan3A_444 = arith.constant 128 : i32
        %reduce_sum3A = arith.constant true
        %reduce_sum3A_445 = vector.broadcast %reduce_sum3A : i1 to vector<16xi1>
        %reduce_sum3A_446 = tpu.scan <sum>, %scan3A_443 masked %reduce_sum3A_445 : vector<16xi32>, vector<16xi1> -> vector<16xi32>
        %reduce_sum3A_447 = vector.extract %reduce_sum3A_446[15] : i32 from vector<16xi32>
        %sub3A_448 = arith.constant 48 : i32
        %sub3A_449 = arith.subi %sub3A_448, %reduce_sum3A_447 : i32
        %scan3A_450 = arith.constant 0 : i32
        %scan3A_451 = arith.constant 0 : i32
        %scan3A_452 = arith.constant 0 : i32
        %scan3A_453 = arith.constant 128 : i32
        %scan3A_454 = arith.addi %scan3A_452, %scan3A_453 : i32
        %scan3A_455 = arith.constant 1 : i32
        %scan3A_456:2 = scf.for %scan3A_458 = %scan3A_452 to %scan3A_454 step %scan3A_455 iter_args(%scan3A_459 = %scan3A_450, %scan3A_460 = %scan3A_451) -> (i32, i32)  : i32 {
          %mul3A_461 = arith.constant 16 : i32
          %mul3A_462 = arith.muli %scan3A_458, %mul3A_461 : i32
          %get3A_463 = arith.index_cast %mul3A_462 : i32 to index
          %get3A_464 = tpu.vector_load %arg7[%get3A_463] {strides = array<i32>} : memref<2048xf32, #tpu.memory_space<vmem>>, vector<16xf32>,
          %lt3A_465 = arith.cmpf olt, %get3A_464, %get3A_438 : vector<16xf32>
          %eq3A_466 = arith.cmpf oeq, %get3A_464, %get3A_438 : vector<16xf32>
          %convert_element_type3A_467 = arith.extui %eq3A_466 : vector<16xi1> to vector<16xi32>
          %cumsum3A = arith.constant true
          %cumsum3A_468 = vector.broadcast %cumsum3A : i1 to vector<16xi1>
          %cumsum3A_469 = tpu.scan <sum>, %convert_element_type3A_467 masked %cumsum3A_468 : vector<16xi32>, vector<16xi1> -> vector<16xi32>
          %add3A_470 = vector.broadcast %scan3A_460 : i32 to vector<16xi32>
          %add3A_471 = arith.addi %add3A_470, %cumsum3A_469 : vector<16xi32>
          %sub3A_472 = arith.subi %add3A_471, %convert_element_type3A_467 : vector<16xi32>
          %lt3A_473 = vector.broadcast %sub3A_449 : i32 to vector<16xi32>
          %lt3A_474 = arith.cmpi slt, %sub3A_472, %lt3A_473 : vector<16xi32>
          %and3A_475 = arith.andi %eq3A_466, %lt3A_474 : vector<16xi1>
          %or3A = arith.ori %lt3A_465, %and3A_475 : vector<16xi1>
          %convert_element_type3A_476 = arith.extui %or3A : vector<16xi1> to vector<16xi32>
          %cumsum3A_477 = arith.constant true
          %cumsum3A_478 = vector.broadcast %cumsum3A_477 : i1 to vector<16xi1>
          %cumsum3A_479 = tpu.scan <sum>, %convert_element_type3A_476 masked %cumsum3A_478 : vector<16xi32>, vector<16xi1> -> vector<16xi32>
          %add3A_480 = vector.broadcast %scan3A_459 : i32 to vector<16xi32>
          %add3A_481 = arith.addi %add3A_480, %cumsum3A_479 : vector<16xi32>
          %sub3A_482 = arith.subi %add3A_481, %convert_element_type3A_476 : vector<16xi32>
          %mul3A_483 = arith.constant 16 : i32
          %mul3A_484 = arith.muli %scan3A_458, %mul3A_483 : i32
          %add3A_485 = vector.broadcast %mul3A_484 : i32 to vector<16xi32>
          %add3A_486 = arith.addi %add3A_485, %iota3A : vector<16xi32>
          tpu.vector_store_idx %arg18[%sub3A_482], %add3A_486 masked %or3A : memref<48xi32, #tpu.memory_space<vmem>>[vector<16xi32>], vector<16xi32>, vector<16xi1>
          %mul3A_487 = arith.constant 2048 : i32
          %mul3A_488 = arith.muli %add3A_116, %mul3A_487 : i32
          %add3A_489 = vector.broadcast %mul3A_488 : i32 to vector<16xi32>
          %add3A_490 = arith.addi %add3A_486, %add3A_489 : vector<16xi32>
          tpu.vector_store_idx %arg19[%sub3A_482], %add3A_490 masked %or3A : memref<48xi32, #tpu.memory_space<vmem>>[vector<16xi32>], vector<16xi32>, vector<16xi1>
          %reduce_sum3A_491 = arith.constant true
          %reduce_sum3A_492 = vector.broadcast %reduce_sum3A_491 : i1 to vector<16xi1>
          %reduce_sum3A_493 = tpu.scan <sum>, %convert_element_type3A_476 masked %reduce_sum3A_492 : vector<16xi32>, vector<16xi1> -> vector<16xi32>
          %reduce_sum3A_494 = vector.extract %reduce_sum3A_493[15] : i32 from vector<16xi32>
          %add3A_495 = arith.addi %scan3A_459, %reduce_sum3A_494 : i32
          %reduce_sum3A_496 = arith.constant true
          %reduce_sum3A_497 = vector.broadcast %reduce_sum3A_496 : i1 to vector<16xi1>
          %reduce_sum3A_498 = tpu.scan <sum>, %convert_element_type3A_467 masked %reduce_sum3A_497 : vector<16xi32>, vector<16xi1> -> vector<16xi32>
          %reduce_sum3A_499 = vector.extract %reduce_sum3A_498[15] : i32 from vector<16xi32>
          %add3A_500 = arith.addi %scan3A_460, %reduce_sum3A_499 : i32
          scf.yield %add3A_495, %add3A_500 : i32, i32
        }
        %scan3A_457 = arith.constant 128 : i32
      } else {
      }
      %scan3A_183 = arith.constant 0 : i32
      %scan3A_184 = arith.constant 32 : i32
      %scan3A_185 = arith.addi %scan3A_183, %scan3A_184 : i32
      %scan3A_186 = arith.constant 1 : i32
      scf.for %scan3A_424 = %scan3A_183 to %scan3A_185 step %scan3A_186  : i32 {
        %mul3A_425 = arith.constant 64 : i32
        %mul3A_426 = arith.muli %scan3A_424, %mul3A_425 : i32
        %get3A_427 = arith.index_cast %mul3A_426 : i32 to index
        %get3A_428 = tpu.vector_load %arg9[%get3A_427] {strides = array<i32>} : memref<2048xi8, #tpu.memory_space<vmem>>, vector<64xi8>,
        %bitcast3A = vector.bitcast %get3A_428 : vector<64xi8> to vector<16xi32>
        %mul3A_429 = arith.constant 16 : i32
        %mul3A_430 = arith.muli %scan3A_424, %mul3A_429 : i32
        %swap3A_431 = arith.index_cast %mul3A_430 : i32 to index
        %swap3A_432 = tpu.vector_load %arg11[%swap3A_431] {strides = array<i32>} : memref<512xi32, #tpu.memory_space<vmem>>, vector<16xi32>,
        tpu.vector_store %arg11[%swap3A_431], %bitcast3A {strides = array<i32>} : memref<512xi32, #tpu.memory_space<vmem>>, vector<16xi32>,
      }
      %scan3A_187 = arith.constant 32 : i32
      %get3A_188 = arith.constant 0 : index
      %get3A_189 = tpu.vector_load %arg18[%get3A_188] {strides = array<i32>} : memref<48xi32, #tpu.memory_space<vmem>>, vector<16xi32>,
      %shift_right_arithmetic3A = arith.constant 2 : i32
      %shift_right_arithmetic3A_190 = vector.broadcast %shift_right_arithmetic3A : i32 to vector<16xi32>
      %shift_right_arithmetic3A_191 = arith.shrsi %get3A_189, %shift_right_arithmetic3A_190 : vector<16xi32>
      %gather3A = tpu.vector_load_idx %arg11[%shift_right_arithmetic3A_191] : memref<512xi32, #tpu.memory_space<vmem>>[vector<16xi32>], vector<16xi32>,
      %and3A_192 = arith.constant 3 : i32
      %and3A_193 = vector.broadcast %and3A_192 : i32 to vector<16xi32>
      %and3A_194 = arith.andi %get3A_189, %and3A_193 : vector<16xi32>
      %shift_left3A = arith.constant 3 : i32
      %shift_left3A_195 = vector.broadcast %shift_left3A : i32 to vector<16xi32>
      %shift_left3A_196 = arith.shli %and3A_194, %shift_left3A_195 : vector<16xi32>
      %shift_right_arithmetic3A_197 = arith.shrsi %gather3A, %shift_left3A_196 : vector<16xi32>
      %and3A_198 = arith.constant 1 : i32
      %and3A_199 = vector.broadcast %and3A_198 : i32 to vector<16xi32>
      %and3A_200 = arith.andi %shift_right_arithmetic3A_197, %and3A_199 : vector<16xi32>
      %swap3A_201 = arith.constant 0 : index
      %swap3A_202 = tpu.vector_load %arg21[%swap3A_201] {strides = array<i32>} : memref<48xi32, #tpu.memory_space<vmem>>, vector<16xi32>,
      tpu.vector_store %arg21[%swap3A_201], %and3A_200 {strides = array<i32>} : memref<48xi32, #tpu.memory_space<vmem>>, vector<16xi32>,
      %get3A_203 = arith.constant 16 : index
      %get3A_204 = tpu.vector_load %arg18[%get3A_203] {strides = array<i32>} : memref<48xi32, #tpu.memory_space<vmem>>, vector<16xi32>,
      %shift_right_arithmetic3A_205 = arith.constant 2 : i32
      %shift_right_arithmetic3A_206 = vector.broadcast %shift_right_arithmetic3A_205 : i32 to vector<16xi32>
      %shift_right_arithmetic3A_207 = arith.shrsi %get3A_204, %shift_right_arithmetic3A_206 : vector<16xi32>
      %gather3A_208 = tpu.vector_load_idx %arg11[%shift_right_arithmetic3A_207] : memref<512xi32, #tpu.memory_space<vmem>>[vector<16xi32>], vector<16xi32>,
      %and3A_209 = arith.constant 3 : i32
      %and3A_210 = vector.broadcast %and3A_209 : i32 to vector<16xi32>
      %and3A_211 = arith.andi %get3A_204, %and3A_210 : vector<16xi32>
      %shift_left3A_212 = arith.constant 3 : i32
      %shift_left3A_213 = vector.broadcast %shift_left3A_212 : i32 to vector<16xi32>
      %shift_left3A_214 = arith.shli %and3A_211, %shift_left3A_213 : vector<16xi32>
      %shift_right_arithmetic3A_215 = arith.shrsi %gather3A_208, %shift_left3A_214 : vector<16xi32>
      %and3A_216 = arith.constant 1 : i32
      %and3A_217 = vector.broadcast %and3A_216 : i32 to vector<16xi32>
      %and3A_218 = arith.andi %shift_right_arithmetic3A_215, %and3A_217 : vector<16xi32>
      %swap3A_219 = arith.constant 16 : index
      %swap3A_220 = tpu.vector_load %arg21[%swap3A_219] {strides = array<i32>} : memref<48xi32, #tpu.memory_space<vmem>>, vector<16xi32>,
      tpu.vector_store %arg21[%swap3A_219], %and3A_218 {strides = array<i32>} : memref<48xi32, #tpu.memory_space<vmem>>, vector<16xi32>,
      %get3A_221 = arith.constant 32 : index
      %get3A_222 = tpu.vector_load %arg18[%get3A_221] {strides = array<i32>} : memref<48xi32, #tpu.memory_space<vmem>>, vector<16xi32>,
      %shift_right_arithmetic3A_223 = arith.constant 2 : i32
      %shift_right_arithmetic3A_224 = vector.broadcast %shift_right_arithmetic3A_223 : i32 to vector<16xi32>
      %shift_right_arithmetic3A_225 = arith.shrsi %get3A_222, %shift_right_arithmetic3A_224 : vector<16xi32>
      %gather3A_226 = tpu.vector_load_idx %arg11[%shift_right_arithmetic3A_225] : memref<512xi32, #tpu.memory_space<vmem>>[vector<16xi32>], vector<16xi32>,
      %and3A_227 = arith.constant 3 : i32
      %and3A_228 = vector.broadcast %and3A_227 : i32 to vector<16xi32>
      %and3A_229 = arith.andi %get3A_222, %and3A_228 : vector<16xi32>
      %shift_left3A_230 = arith.constant 3 : i32
      %shift_left3A_231 = vector.broadcast %shift_left3A_230 : i32 to vector<16xi32>
      %shift_left3A_232 = arith.shli %and3A_229, %shift_left3A_231 : vector<16xi32>
      %shift_right_arithmetic3A_233 = arith.shrsi %gather3A_226, %shift_left3A_232 : vector<16xi32>
      %and3A_234 = arith.constant 1 : i32
      %and3A_235 = vector.broadcast %and3A_234 : i32 to vector<16xi32>
      %and3A_236 = arith.andi %shift_right_arithmetic3A_233, %and3A_235 : vector<16xi32>
      %swap3A_237 = arith.constant 32 : index
      %swap3A_238 = tpu.vector_load %arg21[%swap3A_237] {strides = array<i32>} : memref<48xi32, #tpu.memory_space<vmem>>, vector<16xi32>,
      tpu.vector_store %arg21[%swap3A_237], %and3A_236 {strides = array<i32>} : memref<48xi32, #tpu.memory_space<vmem>>, vector<16xi32>,
      %dma_start3A_239 = arith.constant 0 : i32
      %dma_start3A_240 = arith.constant 0 : i32
      %dma_start3A_241 = tpu.memref_slice %arg3[%dma_start3A_239, %dma_start3A_240] : memref<262144x256xf32, #tpu.memory_space<hbm>> -> memref<262144x256xf32, #tpu.memory_space<hbm>>
      tpu.enqueue_indirect_dma source(%dma_start3A_241 : memref<262144x256xf32, #tpu.memory_space<hbm>>) target(%arg23 : memref<48x256xf32, #tpu.memory_space<vmem>>) offsets(%arg19 : memref<48xi32, #tpu.memory_space<vmem>>) semaphore(%arg27 : memref<!tpu.dma_semaphore, #tpu.memory_space<semaphore_mem>>)
      %lt3A = arith.constant 1 : i32
      %lt3A_242 = arith.cmpi slt, %scan3A_77, %lt3A : i32
      %convert_element_type3A_243 = arith.extui %lt3A_242 : i1 to i32
      %cond3A_244 = arith.constant 0 : i32
      %cond3A_245 = arith.cmpi ne, %convert_element_type3A_243, %cond3A_244 : i32
      scf.if %cond3A_245 {
        %add3A_424 = arith.constant 2 : i32
        %add3A_425 = arith.addi %mul3A_79, %add3A_424 : i32
        %mul3A_426 = arith.constant 4 : i32
        %mul3A_427 = arith.muli %add3A, %mul3A_426 : i32
        %add3A_428 = arith.addi %mul3A_427, %add3A_425 : i32
        %dma_start3A_429 = arith.constant 0 : i32
        %dma_start3A_430 = tpu.memref_slice %arg2[%add3A_428, %dma_start3A_429] : memref<128x2048xf32, #tpu.memory_space<hbm>> -> memref<1x2048xf32, #tpu.memory_space<hbm>>
        %dma_start3A_431 = tpu.memref_squeeze %dma_start3A_430 : memref<1x2048xf32, #tpu.memory_space<hbm>> -> memref<2048xf32, #tpu.memory_space<hbm>>
        %dma_start3A_432 = arith.constant 0 : i32
        %dma_start3A_433 = tpu.memref_slice %arg2[%add3A_428, %dma_start3A_432] : memref<128x2048xf32, #tpu.memory_space<hbm>> -> memref<1x2048xf32, #tpu.memory_space<hbm>>
        %dma_start3A_434 = tpu.memref_squeeze %dma_start3A_433 : memref<1x2048xf32, #tpu.memory_space<hbm>> -> memref<2048xf32, #tpu.memory_space<hbm>>
        tpu.enqueue_dma source(%dma_start3A_434 : memref<2048xf32, #tpu.memory_space<hbm>>) target(%arg7 : memref<2048xf32, #tpu.memory_space<vmem>>) target_semaphore(%arg25 : memref<!tpu.dma_semaphore, #tpu.memory_space<semaphore_mem>>)
        %mul3A_435 = arith.constant 2048 : i32
        %mul3A_436 = arith.muli %add3A_428, %mul3A_435 : i32
        %multiple_of3A_437 = tpu.assume_multiple %mul3A_436, 2048 : i32
        %dma_start3A_438 = tpu.memref_slice %arg4[%multiple_of3A_437] : memref<262144xi8, #tpu.memory_space<hbm>> -> memref<2048xi8, #tpu.memory_space<hbm>>
        %dma_start3A_439 = tpu.memref_slice %arg4[%multiple_of3A_437] : memref<262144xi8, #tpu.memory_space<hbm>> -> memref<2048xi8, #tpu.memory_space<hbm>>
        tpu.enqueue_dma source(%dma_start3A_439 : memref<2048xi8, #tpu.memory_space<hbm>>) target(%arg9 : memref<2048xi8, #tpu.memory_space<vmem>>) target_semaphore(%arg25 : memref<!tpu.dma_semaphore, #tpu.memory_space<semaphore_mem>>)
      } else {
      }
      %dma_wait3A_246 = arith.constant 0 : i32
      %dma_wait3A_247 = arith.constant 0 : i32
      %dma_wait3A_248 = tpu.memref_slice %arg2[%dma_wait3A_246, %dma_wait3A_247] : memref<128x2048xf32, #tpu.memory_space<hbm>> -> memref<1x2048xf32, #tpu.memory_space<hbm>>
      %dma_wait3A_249 = tpu.memref_squeeze %dma_wait3A_248 : memref<1x2048xf32, #tpu.memory_space<hbm>> -> memref<2048xf32, #tpu.memory_space<hbm>>
      %dma_wait3A_250 = arith.constant 0 : i32
      %dma_wait3A_251 = tpu.memref_slice %arg2[%dma_wait3A_246, %dma_wait3A_250] : memref<128x2048xf32, #tpu.memory_space<hbm>> -> memref<1x2048xf32, #tpu.memory_space<hbm>>
      %dma_wait3A_252 = tpu.memref_squeeze %dma_wait3A_251 : memref<1x2048xf32, #tpu.memory_space<hbm>> -> memref<2048xf32, #tpu.memory_space<hbm>>
      tpu.wait_dma2 semaphore(%arg26 : memref<!tpu.dma_semaphore, #tpu.memory_space<semaphore_mem>>) src(%dma_wait3A_252 : memref<2048xf32, #tpu.memory_space<hbm>>) dst(%arg8 : memref<2048xf32, #tpu.memory_space<vmem>>)
      %dma_wait3A_253 = arith.constant 0 : i32
      %dma_wait3A_254 = tpu.memref_slice %arg4[%dma_wait3A_253] : memref<262144xi8, #tpu.memory_space<hbm>> -> memref<2048xi8, #tpu.memory_space<hbm>>
      %dma_wait3A_255 = arith.constant 0 : i32
      %dma_wait3A_256 = tpu.memref_slice %arg4[%dma_wait3A_255] : memref<262144xi8, #tpu.memory_space<hbm>> -> memref<2048xi8, #tpu.memory_space<hbm>>
      tpu.wait_dma2 semaphore(%arg26 : memref<!tpu.dma_semaphore, #tpu.memory_space<semaphore_mem>>) src(%dma_wait3A_256 : memref<2048xi8, #tpu.memory_space<hbm>>) dst(%arg10 : memref<2048xi8, #tpu.memory_space<vmem>>)
      %gt3A_257 = arith.constant 0 : i32
      %gt3A_258 = arith.cmpi sgt, %scan3A_77, %gt3A_257 : i32
      %convert_element_type3A_259 = arith.extui %gt3A_258 : i1 to i32
      %cond3A_260 = arith.constant 0 : i32
      %cond3A_261 = arith.cmpi ne, %convert_element_type3A_259, %cond3A_260 : i32
      scf.if %cond3A_261 {
        %dma_wait3A_424 = arith.constant 0 : i32
        %dma_wait3A_425 = arith.constant 0 : i32
        %dma_wait3A_426 = arith.constant 0 : i32
        %dma_wait3A_427 = tpu.memref_slice %arg5[%dma_wait3A_424, %dma_wait3A_425, %dma_wait3A_426] : memref<128x48x256xf32, #tpu.memory_space<hbm>> -> memref<1x48x256xf32, #tpu.memory_space<hbm>>
        %dma_wait3A_428 = tpu.memref_squeeze %dma_wait3A_427 : memref<1x48x256xf32, #tpu.memory_space<hbm>> -> memref<48x256xf32, #tpu.memory_space<hbm>>
        %dma_wait3A_429 = arith.constant 0 : i32
        %dma_wait3A_430 = arith.constant 0 : i32
        %dma_wait3A_431 = tpu.memref_slice %arg5[%dma_wait3A_424, %dma_wait3A_429, %dma_wait3A_430] : memref<128x48x256xf32, #tpu.memory_space<hbm>> -> memref<1x48x256xf32, #tpu.memory_space<hbm>>
        %dma_wait3A_432 = tpu.memref_squeeze %dma_wait3A_431 : memref<1x48x256xf32, #tpu.memory_space<hbm>> -> memref<48x256xf32, #tpu.memory_space<hbm>>
        tpu.wait_dma2 semaphore(%arg30 : memref<!tpu.dma_semaphore, #tpu.memory_space<semaphore_mem>>) src(%arg24 : memref<48x256xf32, #tpu.memory_space<vmem>>) dst(%dma_wait3A_432 : memref<48x256xf32, #tpu.memory_space<hbm>>)
        %dma_wait3A_433 = arith.constant 0 : i32
        %dma_wait3A_434 = arith.constant 0 : i32
        %dma_wait3A_435 = tpu.memref_slice %arg6[%dma_wait3A_433, %dma_wait3A_434] : memref<128x48xi32, #tpu.memory_space<hbm>> -> memref<1x48xi32, #tpu.memory_space<hbm>>
        %dma_wait3A_436 = tpu.memref_squeeze %dma_wait3A_435 : memref<1x48xi32, #tpu.memory_space<hbm>> -> memref<48xi32, #tpu.memory_space<hbm>>
        %dma_wait3A_437 = arith.constant 0 : i32
        %dma_wait3A_438 = tpu.memref_slice %arg6[%dma_wait3A_433, %dma_wait3A_437] : memref<128x48xi32, #tpu.memory_space<hbm>> -> memref<1x48xi32, #tpu.memory_space<hbm>>
        %dma_wait3A_439 = tpu.memref_squeeze %dma_wait3A_438 : memref<1x48xi32, #tpu.memory_space<hbm>> -> memref<48xi32, #tpu.memory_space<hbm>>
        tpu.wait_dma2 semaphore(%arg30 : memref<!tpu.dma_semaphore, #tpu.memory_space<semaphore_mem>>) src(%arg22 : memref<48xi32, #tpu.memory_space<vmem>>) dst(%dma_wait3A_439 : memref<48xi32, #tpu.memory_space<hbm>>)
      } else {
      }
      %add3A_262 = arith.constant 1 : i32
      %add3A_263 = arith.addi %mul3A_79, %add3A_262 : i32
      %mul3A_264 = arith.constant 4 : i32
      %mul3A_265 = arith.muli %add3A, %mul3A_264 : i32
      %add3A_266 = arith.addi %mul3A_265, %add3A_263 : i32
      %swap3A_267 = arith.constant 0 : index
      %swap3A_268 = tpu.vector_load %arg12[%swap3A_267] {strides = array<i32>} : memref<48xf32, #tpu.memory_space<vmem>>, vector<16xf32>,
      tpu.vector_store %arg12[%swap3A_267], %broadcast_in_dim3A_5 {strides = array<i32>} : memref<48xf32, #tpu.memory_space<vmem>>, vector<16xf32>,
      %swap3A_269 = arith.constant 16 : index
      %swap3A_270 = tpu.vector_load %arg12[%swap3A_269] {strides = array<i32>} : memref<48xf32, #tpu.memory_space<vmem>>, vector<16xf32>,
      tpu.vector_store %arg12[%swap3A_269], %broadcast_in_dim3A_5 {strides = array<i32>} : memref<48xf32, #tpu.memory_space<vmem>>, vector<16xf32>,
      %swap3A_271 = arith.constant 32 : index
      %swap3A_272 = tpu.vector_load %arg12[%swap3A_271] {strides = array<i32>} : memref<48xf32, #tpu.memory_space<vmem>>, vector<16xf32>,
      tpu.vector_store %arg12[%swap3A_271], %broadcast_in_dim3A_5 {strides = array<i32>} : memref<48xf32, #tpu.memory_space<vmem>>, vector<16xf32>,
      %swap3A_273 = arith.constant 0 : index
      %swap3A_274 = tpu.vector_load %arg13[%swap3A_273] {strides = array<i32>} : memref<16xf32, #tpu.memory_space<vmem>>, vector<16xf32>,
      tpu.vector_store %arg13[%swap3A_273], %broadcast_in_dim3A_5 {strides = array<i32>} : memref<16xf32, #tpu.memory_space<vmem>>, vector<16xf32>,
      %swap3A_275 = arith.constant 0 : index
      %swap3A_276 = tpu.vector_load %arg14[%swap3A_275] {strides = array<i32>} : memref<2064xf32, #tpu.memory_space<vmem>>, vector<16xf32>,
      tpu.vector_store %arg14[%swap3A_275], %broadcast_in_dim3A_5 {strides = array<i32>} : memref<2064xf32, #tpu.memory_space<vmem>>, vector<16xf32>,
      %swap3A_277 = arith.constant 16 : index
      %swap3A_278 = tpu.vector_load %arg14[%swap3A_277] {strides = array<i32>} : memref<2064xf32, #tpu.memory_space<vmem>>, vector<16xf32>,
      tpu.vector_store %arg14[%swap3A_277], %broadcast_in_dim3A_5 {strides = array<i32>} : memref<2064xf32, #tpu.memory_space<vmem>>, vector<16xf32>,
      %swap3A_279 = arith.constant 32 : index
      %swap3A_280 = tpu.vector_load %arg14[%swap3A_279] {strides = array<i32>} : memref<2064xf32, #tpu.memory_space<vmem>>, vector<16xf32>,
      tpu.vector_store %arg14[%swap3A_279], %broadcast_in_dim3A_5 {strides = array<i32>} : memref<2064xf32, #tpu.memory_space<vmem>>, vector<16xf32>,
      %swap3A_281 = arith.constant 48 : index
      %swap3A_282 = tpu.vector_load %arg14[%swap3A_281] {strides = array<i32>} : memref<2064xf32, #tpu.memory_space<vmem>>, vector<16xf32>,
      tpu.vector_store %arg14[%swap3A_281], %broadcast_in_dim3A_5 {strides = array<i32>} : memref<2064xf32, #tpu.memory_space<vmem>>, vector<16xf32>,
      %swap3A_283 = arith.constant 64 : index
      %swap3A_284 = tpu.vector_load %arg14[%swap3A_283] {strides = array<i32>} : memref<2064xf32, #tpu.memory_space<vmem>>, vector<16xf32>,
      tpu.vector_store %arg14[%swap3A_283], %broadcast_in_dim3A_5 {strides = array<i32>} : memref<2064xf32, #tpu.memory_space<vmem>>, vector<16xf32>,
      %swap3A_285 = arith.constant 80 : index
      %swap3A_286 = tpu.vector_load %arg14[%swap3A_285] {strides = array<i32>} : memref<2064xf32, #tpu.memory_space<vmem>>, vector<16xf32>,
      tpu.vector_store %arg14[%swap3A_285], %broadcast_in_dim3A_5 {strides = array<i32>} : memref<2064xf32, #tpu.memory_space<vmem>>, vector<16xf32>,
      %swap3A_287 = arith.constant 96 : index
      %swap3A_288 = tpu.vector_load %arg14[%swap3A_287] {strides = array<i32>} : memref<2064xf32, #tpu.memory_space<vmem>>, vector<16xf32>,
      tpu.vector_store %arg14[%swap3A_287], %broadcast_in_dim3A_5 {strides = array<i32>} : memref<2064xf32, #tpu.memory_space<vmem>>, vector<16xf32>,
      %swap3A_289 = arith.constant 112 : index
      %swap3A_290 = tpu.vector_load %arg14[%swap3A_289] {strides = array<i32>} : memref<2064xf32, #tpu.memory_space<vmem>>, vector<16xf32>,
      tpu.vector_store %arg14[%swap3A_289], %broadcast_in_dim3A_5 {strides = array<i32>} : memref<2064xf32, #tpu.memory_space<vmem>>, vector<16xf32>,
      %swap3A_291 = arith.constant 128 : index
      %swap3A_292 = tpu.vector_load %arg14[%swap3A_291] {strides = array<i32>} : memref<2064xf32, #tpu.memory_space<vmem>>, vector<16xf32>,
      tpu.vector_store %arg14[%swap3A_291], %broadcast_in_dim3A_5 {strides = array<i32>} : memref<2064xf32, #tpu.memory_space<vmem>>, vector<16xf32>,
      %swap3A_293 = arith.constant 144 : index
      %swap3A_294 = tpu.vector_load %arg14[%swap3A_293] {strides = array<i32>} : memref<2064xf32, #tpu.memory_space<vmem>>, vector<16xf32>,
      tpu.vector_store %arg14[%swap3A_293], %broadcast_in_dim3A_5 {strides = array<i32>} : memref<2064xf32, #tpu.memory_space<vmem>>, vector<16xf32>,
      %swap3A_295 = arith.constant 160 : index
      %swap3A_296 = tpu.vector_load %arg14[%swap3A_295] {strides = array<i32>} : memref<2064xf32, #tpu.memory_space<vmem>>, vector<16xf32>,
      tpu.vector_store %arg14[%swap3A_295], %broadcast_in_dim3A_5 {strides = array<i32>} : memref<2064xf32, #tpu.memory_space<vmem>>, vector<16xf32>,
      %swap3A_297 = arith.constant 176 : index
      %swap3A_298 = tpu.vector_load %arg14[%swap3A_297] {strides = array<i32>} : memref<2064xf32, #tpu.memory_space<vmem>>, vector<16xf32>,
      tpu.vector_store %arg14[%swap3A_297], %broadcast_in_dim3A_5 {strides = array<i32>} : memref<2064xf32, #tpu.memory_space<vmem>>, vector<16xf32>,
      %swap3A_299 = arith.constant 192 : index
      %swap3A_300 = tpu.vector_load %arg14[%swap3A_299] {strides = array<i32>} : memref<2064xf32, #tpu.memory_space<vmem>>, vector<16xf32>,
      tpu.vector_store %arg14[%swap3A_299], %broadcast_in_dim3A_5 {strides = array<i32>} : memref<2064xf32, #tpu.memory_space<vmem>>, vector<16xf32>,
      %swap3A_301 = arith.constant 208 : index
      %swap3A_302 = tpu.vector_load %arg14[%swap3A_301] {strides = array<i32>} : memref<2064xf32, #tpu.memory_space<vmem>>, vector<16xf32>,
      tpu.vector_store %arg14[%swap3A_301], %broadcast_in_dim3A_5 {strides = array<i32>} : memref<2064xf32, #tpu.memory_space<vmem>>, vector<16xf32>,
      %swap3A_303 = arith.constant 224 : index
      %swap3A_304 = tpu.vector_load %arg14[%swap3A_303] {strides = array<i32>} : memref<2064xf32, #tpu.memory_space<vmem>>, vector<16xf32>,
      tpu.vector_store %arg14[%swap3A_303], %broadcast_in_dim3A_5 {strides = array<i32>} : memref<2064xf32, #tpu.memory_space<vmem>>, vector<16xf32>,
      %swap3A_305 = arith.constant 240 : index
      %swap3A_306 = tpu.vector_load %arg14[%swap3A_305] {strides = array<i32>} : memref<2064xf32, #tpu.memory_space<vmem>>, vector<16xf32>,
      tpu.vector_store %arg14[%swap3A_305], %broadcast_in_dim3A_5 {strides = array<i32>} : memref<2064xf32, #tpu.memory_space<vmem>>, vector<16xf32>,
      %swap3A_307 = arith.constant 256 : index
      %swap3A_308 = tpu.vector_load %arg14[%swap3A_307] {strides = array<i32>} : memref<2064xf32, #tpu.memory_space<vmem>>, vector<16xf32>,
      tpu.vector_store %arg14[%swap3A_307], %broadcast_in_dim3A_5 {strides = array<i32>} : memref<2064xf32, #tpu.memory_space<vmem>>, vector<16xf32>,
      %swap3A_309 = arith.constant 0 : i32
      %swap3A_310 = arith.constant 0 : i32
      %swap3A_311 = arith.index_cast %swap3A_310 : i32 to index
      %swap3A_312 = memref.load %arg17[%swap3A_311] : memref<1xi32, #tpu.memory_space<smem>>
      memref.store %swap3A_309, %arg17[%swap3A_311] : memref<1xi32, #tpu.memory_space<smem>>
      %sub3A_313 = arith.constant 1 : i32
      %sub3A_314 = vector.broadcast %sub3A_313 : i32 to vector<16xi32>
      %sub3A_315 = arith.subi %broadcast_in_dim3A_1, %sub3A_314 : vector<16xi32>
      %scan3A_316 = arith.constant 0 : i32
      %scan3A_317 = arith.constant 32 : i32
      %scan3A_318 = arith.addi %scan3A_316, %scan3A_317 : i32
      %scan3A_319 = arith.constant 1 : i32
      %scan3A_320:2 = scf.for %scan3A_424 = %scan3A_316 to %scan3A_318 step %scan3A_319 iter_args(%scan3A_425 = %sub3A_315, %scan3A_426 = %iota3A) -> (vector<16xi32>, vector<16xi32>)  : i32 {
        %mul3A_427 = arith.constant 4 : i32
        %mul3A_428 = arith.muli %scan3A_424, %mul3A_427 : i32
        %add3A_429 = arith.constant 0 : i32
        %add3A_430 = arith.addi %mul3A_428, %add3A_429 : i32
        %mul3A_431 = arith.constant 16 : i32
        %mul3A_432 = arith.muli %add3A_430, %mul3A_431 : i32
        %get3A_433 = arith.index_cast %mul3A_432 : i32 to index
        %get3A_434 = tpu.vector_load %arg8[%get3A_433] {strides = array<i32>} : memref<2048xf32, #tpu.memory_space<vmem>>, vector<16xf32>,
        %le3A_435 = arith.cmpf ole, %get3A_434, %broadcast_in_dim3A_7 : vector<16xf32>
        %select_n3A = arith.select %le3A_435, %broadcast_in_dim3A_3, %broadcast_in_dim3A_1 : vector<16xi1>, vector<16xi32>
        %cumsum3A = arith.constant true
        %cumsum3A_436 = vector.broadcast %cumsum3A : i1 to vector<16xi1>
        %cumsum3A_437 = tpu.scan <sum>, %select_n3A masked %cumsum3A_436 : vector<16xi32>, vector<16xi1> -> vector<16xi32>
        %mul3A_438 = arith.constant 4 : i32
        %mul3A_439 = arith.muli %scan3A_424, %mul3A_438 : i32
        %add3A_440 = arith.constant 1 : i32
        %add3A_441 = arith.addi %mul3A_439, %add3A_440 : i32
        %mul3A_442 = arith.constant 16 : i32
        %mul3A_443 = arith.muli %add3A_441, %mul3A_442 : i32
        %get3A_444 = arith.index_cast %mul3A_443 : i32 to index
        %get3A_445 = tpu.vector_load %arg8[%get3A_444] {strides = array<i32>} : memref<2048xf32, #tpu.memory_space<vmem>>, vector<16xf32>,
        %le3A_446 = arith.cmpf ole, %get3A_445, %broadcast_in_dim3A_7 : vector<16xf32>
        %select_n3A_447 = arith.select %le3A_446, %broadcast_in_dim3A_3, %broadcast_in_dim3A_1 : vector<16xi1>, vector<16xi32>
        %cumsum3A_448 = arith.constant true
        %cumsum3A_449 = vector.broadcast %cumsum3A_448 : i1 to vector<16xi1>
        %cumsum3A_450 = tpu.scan <sum>, %select_n3A_447 masked %cumsum3A_449 : vector<16xi32>, vector<16xi1> -> vector<16xi32>
        %mul3A_451 = arith.constant 4 : i32
        %mul3A_452 = arith.muli %scan3A_424, %mul3A_451 : i32
        %add3A_453 = arith.constant 2 : i32
        %add3A_454 = arith.addi %mul3A_452, %add3A_453 : i32
        %mul3A_455 = arith.constant 16 : i32
        %mul3A_456 = arith.muli %add3A_454, %mul3A_455 : i32
        %get3A_457 = arith.index_cast %mul3A_456 : i32 to index
        %get3A_458 = tpu.vector_load %arg8[%get3A_457] {strides = array<i32>} : memref<2048xf32, #tpu.memory_space<vmem>>, vector<16xf32>,
        %le3A_459 = arith.cmpf ole, %get3A_458, %broadcast_in_dim3A_7 : vector<16xf32>
        %select_n3A_460 = arith.select %le3A_459, %broadcast_in_dim3A_3, %broadcast_in_dim3A_1 : vector<16xi1>, vector<16xi32>
        %cumsum3A_461 = arith.constant true
        %cumsum3A_462 = vector.broadcast %cumsum3A_461 : i1 to vector<16xi1>
        %cumsum3A_463 = tpu.scan <sum>, %select_n3A_460 masked %cumsum3A_462 : vector<16xi32>, vector<16xi1> -> vector<16xi32>
        %mul3A_464 = arith.constant 4 : i32
        %mul3A_465 = arith.muli %scan3A_424, %mul3A_464 : i32
        %add3A_466 = arith.constant 3 : i32
        %add3A_467 = arith.addi %mul3A_465, %add3A_466 : i32
        %mul3A_468 = arith.constant 16 : i32
        %mul3A_469 = arith.muli %add3A_467, %mul3A_468 : i32
        %get3A_470 = arith.index_cast %mul3A_469 : i32 to index
        %get3A_471 = tpu.vector_load %arg8[%get3A_470] {strides = array<i32>} : memref<2048xf32, #tpu.memory_space<vmem>>, vector<16xf32>,
        %le3A_472 = arith.cmpf ole, %get3A_471, %broadcast_in_dim3A_7 : vector<16xf32>
        %select_n3A_473 = arith.select %le3A_472, %broadcast_in_dim3A_3, %broadcast_in_dim3A_1 : vector<16xi1>, vector<16xi32>
        %cumsum3A_474 = arith.constant true
        %cumsum3A_475 = vector.broadcast %cumsum3A_474 : i1 to vector<16xi1>
        %cumsum3A_476 = tpu.scan <sum>, %select_n3A_473 masked %cumsum3A_475 : vector<16xi32>, vector<16xi1> -> vector<16xi32>
        %slice3A_477 = vector.extract_strided_slice %cumsum3A_437 {offsets = [15], sizes = [1], strides = [1]} : vector<16xi32> to vector<1xi32>
        %squeeze3A_478 = vector.extract %slice3A_477[0] : i32 from vector<1xi32>
        %broadcast_in_dim3A_479 = vector.broadcast %squeeze3A_478 : i32 to vector<16xi32>
        %add3A_480 = arith.addi %scan3A_425, %broadcast_in_dim3A_479 : vector<16xi32>
        %slice3A_481 = vector.extract_strided_slice %cumsum3A_450 {offsets = [15], sizes = [1], strides = [1]} : vector<16xi32> to vector<1xi32>
        %squeeze3A_482 = vector.extract %slice3A_481[0] : i32 from vector<1xi32>
        %broadcast_in_dim3A_483 = vector.broadcast %squeeze3A_482 : i32 to vector<16xi32>
        %add3A_484 = arith.addi %add3A_480, %broadcast_in_dim3A_483 : vector<16xi32>
        %slice3A_485 = vector.extract_strided_slice %cumsum3A_463 {offsets = [15], sizes = [1], strides = [1]} : vector<16xi32> to vector<1xi32>
        %squeeze3A_486 = vector.extract %slice3A_485[0] : i32 from vector<1xi32>
        %broadcast_in_dim3A_487 = vector.broadcast %squeeze3A_486 : i32 to vector<16xi32>
        %add3A_488 = arith.addi %add3A_484, %broadcast_in_dim3A_487 : vector<16xi32>
        %slice3A_489 = vector.extract_strided_slice %cumsum3A_476 {offsets = [15], sizes = [1], strides = [1]} : vector<16xi32> to vector<1xi32>
        %squeeze3A_490 = vector.extract %slice3A_489[0] : i32 from vector<1xi32>
        %broadcast_in_dim3A_491 = vector.broadcast %squeeze3A_490 : i32 to vector<16xi32>
        %add3A_492 = arith.addi %add3A_488, %broadcast_in_dim3A_491 : vector<16xi32>
        %add3A_493 = arith.addi %scan3A_425, %cumsum3A_437 : vector<16xi32>
        tpu.vector_store_idx %arg14[%add3A_493], %get3A_434 masked %le3A_435 : memref<2064xf32, #tpu.memory_space<vmem>>[vector<16xi32>], vector<16xf32>, vector<16xi1>
        %add3A_494 = arith.constant 0 : i32
        %add3A_495 = vector.broadcast %add3A_494 : i32 to vector<16xi32>
        %add3A_496 = arith.addi %scan3A_426, %add3A_495 : vector<16xi32>
        tpu.vector_store_idx %arg15[%add3A_493], %add3A_496 masked %le3A_435 : memref<2064xi32, #tpu.memory_space<vmem>>[vector<16xi32>], vector<16xi32>, vector<16xi1>
        %add3A_497 = arith.addi %add3A_480, %cumsum3A_450 : vector<16xi32>
        tpu.vector_store_idx %arg14[%add3A_497], %get3A_445 masked %le3A_446 : memref<2064xf32, #tpu.memory_space<vmem>>[vector<16xi32>], vector<16xf32>, vector<16xi1>
        %add3A_498 = arith.constant 16 : i32
        %add3A_499 = vector.broadcast %add3A_498 : i32 to vector<16xi32>
        %add3A_500 = arith.addi %scan3A_426, %add3A_499 : vector<16xi32>
        tpu.vector_store_idx %arg15[%add3A_497], %add3A_500 masked %le3A_446 : memref<2064xi32, #tpu.memory_space<vmem>>[vector<16xi32>], vector<16xi32>, vector<16xi1>
        %add3A_501 = arith.addi %add3A_484, %cumsum3A_463 : vector<16xi32>
        tpu.vector_store_idx %arg14[%add3A_501], %get3A_458 masked %le3A_459 : memref<2064xf32, #tpu.memory_space<vmem>>[vector<16xi32>], vector<16xf32>, vector<16xi1>
        %add3A_502 = arith.constant 32 : i32
        %add3A_503 = vector.broadcast %add3A_502 : i32 to vector<16xi32>
        %add3A_504 = arith.addi %scan3A_426, %add3A_503 : vector<16xi32>
        tpu.vector_store_idx %arg15[%add3A_501], %add3A_504 masked %le3A_459 : memref<2064xi32, #tpu.memory_space<vmem>>[vector<16xi32>], vector<16xi32>, vector<16xi1>
        %add3A_505 = arith.addi %add3A_488, %cumsum3A_476 : vector<16xi32>
        tpu.vector_store_idx %arg14[%add3A_505], %get3A_471 masked %le3A_472 : memref<2064xf32, #tpu.memory_space<vmem>>[vector<16xi32>], vector<16xf32>, vector<16xi1>
        %add3A_506 = arith.constant 48 : i32
        %add3A_507 = vector.broadcast %add3A_506 : i32 to vector<16xi32>
        %add3A_508 = arith.addi %scan3A_426, %add3A_507 : vector<16xi32>
        tpu.vector_store_idx %arg15[%add3A_505], %add3A_508 masked %le3A_472 : memref<2064xi32, #tpu.memory_space<vmem>>[vector<16xi32>], vector<16xi32>, vector<16xi1>
        %add3A_509 = arith.constant 64 : i32
        %add3A_510 = vector.broadcast %add3A_509 : i32 to vector<16xi32>
        %add3A_511 = arith.addi %scan3A_426, %add3A_510 : vector<16xi32>
        scf.yield %add3A_492, %add3A_511 : vector<16xi32>, vector<16xi32>
      }
      %scan3A_321 = arith.constant 32 : i32
      %slice3A_322 = vector.extract_strided_slice %scan3A_320#0 {offsets = [15], sizes = [1], strides = [1]} : vector<16xi32> to vector<1xi32>
      %squeeze3A_323 = vector.extract %slice3A_322[0] : i32 from vector<1xi32>
      %add3A_324 = arith.constant 1 : i32
      %add3A_325 = arith.addi %squeeze3A_323, %add3A_324 : i32
      %ge3A_326 = arith.constant 48 : i32
      %ge3A_327 = arith.cmpi sge, %add3A_325, %ge3A_326 : i32
      %le3A_328 = arith.constant 256 : i32
      %le3A_329 = arith.cmpi sle, %add3A_325, %le3A_328 : i32
      %and3A_330 = arith.andi %ge3A_327, %le3A_329 : i1
      %convert_element_type3A_331 = arith.extui %and3A_330 : i1 to i32
      %cond3A_332 = arith.constant 0 : i32
      %cond3A_333 = arith.cmpi ne, %convert_element_type3A_331, %cond3A_332 : i32
      scf.if %cond3A_333 {
        %add3A_424 = arith.constant 15 : i32
        %add3A_425 = arith.addi %add3A_325, %add3A_424 : i32
        %jit3A = arith.constant 16 : i32
        %div3A = arith.divsi %add3A_425, %jit3A : i32
        %sign3A = arith.constant 0 : i32
        %sign3A_426 = arith.cmpi sgt, %add3A_425, %sign3A : i32
        %sign3A_427 = arith.extui %sign3A_426 : i1 to i32
        %sign3A_428 = arith.constant 0 : i32
        %sign3A_429 = arith.cmpi slt, %add3A_425, %sign3A_428 : i32
        %sign3A_430 = arith.extui %sign3A_429 : i1 to i32
        %sign3A_431 = arith.subi %sign3A_427, %sign3A_430 : i32
        %sign3A_432 = arith.constant 0 : i32
        %sign3A_433 = arith.cmpi sgt, %jit3A, %sign3A_432 : i32
        %sign3A_434 = arith.extui %sign3A_433 : i1 to i32
        %sign3A_435 = arith.constant 0 : i32
        %sign3A_436 = arith.cmpi slt, %jit3A, %sign3A_435 : i32
        %sign3A_437 = arith.extui %sign3A_436 : i1 to i32
        %sign3A_438 = arith.subi %sign3A_434, %sign3A_437 : i32
        %ne3A = arith.cmpi ne, %sign3A_431, %sign3A_438 : i32
        %rem3A = arith.remsi %add3A_425, %jit3A : i32
        %ne3A_439 = arith.constant 0 : i32
        %ne3A_440 = arith.cmpi ne, %rem3A, %ne3A_439 : i32
        %and3A_441 = arith.andi %ne3A, %ne3A_440 : i1
        %sub3A_442 = arith.constant 1 : i32
        %sub3A_443 = arith.subi %div3A, %sub3A_442 : i32
        %select_n3A = arith.select %and3A_441, %sub3A_443, %div3A : i32
        %while3A = arith.constant 0 : i32
        %while3A_444 = arith.subi %select_n3A, %while3A : i32
        %while3A_445 = arith.addi %while3A, %while3A_444 : i32
        %while3A_446 = arith.constant 1 : i32
        %while3A_447 = arith.divsi %while3A_444, %while3A_446 : i32
        %while3A_448 = arith.muli %while3A_447, %while3A_446 : i32
        %while3A_449 = arith.addi %while3A, %while3A_448 : i32
        %while3A_450 = arith.constant 1 : i32
        scf.for %while3A_480 = %while3A to %while3A_449 step %while3A_450  : i32 {
          %mul3A_481 = arith.constant 16 : i32
          %mul3A_482 = arith.muli %while3A_480, %mul3A_481 : i32
          %get3A_483 = arith.index_cast %mul3A_482 : i32 to index
          %get3A_484 = tpu.vector_load %arg14[%get3A_483] {strides = array<i32>} : memref<2064xf32, #tpu.memory_space<vmem>>, vector<16xf32>,
          %sort3A = arith.constant dense<true> : vector<16xi1>
          %sort3A_485, %sort3A_486, %sort3A_487 = tpu.sort %get3A_484, %get3A_484 masked %sort3A : (vector<16xf32>, vector<16xf32>, vector<16xi1>) -> (vector<16xi1>, vector<16xf32>, vector<16xf32>)
          %rev3A = arith.constant 15 : i32
          %rev3A_488 = vector.broadcast %rev3A : i32 to vector<16xi32>
          %rev3A_489 = tpu.iota {dimensions = array<i32: 0>} : vector<16xi32>
          %rev3A_490 = arith.subi %rev3A_488, %rev3A_489 : vector<16xi32>
          %rev3A_491 = tpu.dynamic_gather %sort3A_486[%rev3A_490] in [0] : vector<16xf32>, vector<16xi32> -> vector<16xf32>
          %get3A_492 = arith.constant 0 : index
          %get3A_493 = tpu.vector_load %arg12[%get3A_492] {strides = array<i32>} : memref<48xf32, #tpu.memory_space<vmem>>, vector<16xf32>,
          %get3A_494 = arith.constant 16 : index
          %get3A_495 = tpu.vector_load %arg12[%get3A_494] {strides = array<i32>} : memref<48xf32, #tpu.memory_space<vmem>>, vector<16xf32>,
          %get3A_496 = arith.constant 32 : index
          %get3A_497 = tpu.vector_load %arg12[%get3A_496] {strides = array<i32>} : memref<48xf32, #tpu.memory_space<vmem>>, vector<16xf32>,
          %min3A = arith.minimumf %get3A_493, %get3A_497 : vector<16xf32>
          %max3A = arith.maximumf %get3A_493, %get3A_497 : vector<16xf32>
          %min3A_498 = arith.minimumf %get3A_495, %rev3A_491 : vector<16xf32>
          %max3A_499 = arith.maximumf %get3A_495, %rev3A_491 : vector<16xf32>
          %min3A_500 = arith.minimumf %min3A, %min3A_498 : vector<16xf32>
          %max3A_501 = arith.maximumf %min3A, %min3A_498 : vector<16xf32>
          %min3A_502 = arith.minimumf %max3A, %max3A_499 : vector<16xf32>
          %sort3A_503 = arith.constant dense<true> : vector<16xi1>
          %sort3A_504, %sort3A_505, %sort3A_506 = tpu.sort %min3A_502, %min3A_502 masked %sort3A_503 : (vector<16xf32>, vector<16xf32>, vector<16xi1>) -> (vector<16xi1>, vector<16xf32>, vector<16xf32>)
          %sort3A_507 = arith.constant dense<true> : vector<16xi1>
          %sort3A_508, %sort3A_509, %sort3A_510 = tpu.sort %min3A_500, %min3A_500 masked %sort3A_507 : (vector<16xf32>, vector<16xf32>, vector<16xi1>) -> (vector<16xi1>, vector<16xf32>, vector<16xf32>)
          %swap3A_511 = arith.constant 0 : index
          %swap3A_512 = tpu.vector_load %arg12[%swap3A_511] {strides = array<i32>} : memref<48xf32, #tpu.memory_space<vmem>>, vector<16xf32>,
          tpu.vector_store %arg12[%swap3A_511], %sort3A_509 {strides = array<i32>} : memref<48xf32, #tpu.memory_space<vmem>>, vector<16xf32>,
          %sort3A_513 = arith.constant dense<true> : vector<16xi1>
          %sort3A_514, %sort3A_515, %sort3A_516 = tpu.sort %max3A_501, %max3A_501 masked %sort3A_513 : (vector<16xf32>, vector<16xf32>, vector<16xi1>) -> (vector<16xi1>, vector<16xf32>, vector<16xf32>)
          %swap3A_517 = arith.constant 16 : index
          %swap3A_518 = tpu.vector_load %arg12[%swap3A_517] {strides = array<i32>} : memref<48xf32, #tpu.memory_space<vmem>>, vector<16xf32>,
          tpu.vector_store %arg12[%swap3A_517], %sort3A_515 {strides = array<i32>} : memref<48xf32, #tpu.memory_space<vmem>>, vector<16xf32>,
          %swap3A_519 = arith.constant 32 : index
          %swap3A_520 = tpu.vector_load %arg12[%swap3A_519] {strides = array<i32>} : memref<48xf32, #tpu.memory_space<vmem>>, vector<16xf32>,
          tpu.vector_store %arg12[%swap3A_519], %sort3A_505 {strides = array<i32>} : memref<48xf32, #tpu.memory_space<vmem>>, vector<16xf32>,
          %slice3A_521 = vector.extract_strided_slice %sort3A_505 {offsets = [15], sizes = [1], strides = [1]} : vector<16xf32> to vector<1xf32>
          %squeeze3A_522 = vector.extract %slice3A_521[0] : f32 from vector<1xf32>
          %broadcast_in_dim3A_523 = vector.broadcast %squeeze3A_522 : f32 to vector<16xf32>
          %swap3A_524 = arith.constant 0 : index
          %swap3A_525 = tpu.vector_load %arg13[%swap3A_524] {strides = array<i32>} : memref<16xf32, #tpu.memory_space<vmem>>, vector<16xf32>,
          tpu.vector_store %arg13[%swap3A_524], %broadcast_in_dim3A_523 {strides = array<i32>} : memref<16xf32, #tpu.memory_space<vmem>>, vector<16xf32>,
        }
        %while3A_451 = arith.constant 1 : i32
        scf.for %while3A_480 = %while3A_449 to %while3A_445 step %while3A_451  : i32 {
          %mul3A_481 = arith.constant 16 : i32
          %mul3A_482 = arith.muli %while3A_480, %mul3A_481 : i32
          %get3A_483 = arith.index_cast %mul3A_482 : i32 to index
          %get3A_484 = tpu.vector_load %arg14[%get3A_483] {strides = array<i32>} : memref<2064xf32, #tpu.memory_space<vmem>>, vector<16xf32>,
          %sort3A = arith.constant dense<true> : vector<16xi1>
          %sort3A_485, %sort3A_486, %sort3A_487 = tpu.sort %get3A_484, %get3A_484 masked %sort3A : (vector<16xf32>, vector<16xf32>, vector<16xi1>) -> (vector<16xi1>, vector<16xf32>, vector<16xf32>)
          %rev3A = arith.constant 15 : i32
          %rev3A_488 = vector.broadcast %rev3A : i32 to vector<16xi32>
          %rev3A_489 = tpu.iota {dimensions = array<i32: 0>} : vector<16xi32>
          %rev3A_490 = arith.subi %rev3A_488, %rev3A_489 : vector<16xi32>
          %rev3A_491 = tpu.dynamic_gather %sort3A_486[%rev3A_490] in [0] : vector<16xf32>, vector<16xi32> -> vector<16xf32>
          %get3A_492 = arith.constant 0 : index
          %get3A_493 = tpu.vector_load %arg12[%get3A_492] {strides = array<i32>} : memref<48xf32, #tpu.memory_space<vmem>>, vector<16xf32>,
          %get3A_494 = arith.constant 16 : index
          %get3A_495 = tpu.vector_load %arg12[%get3A_494] {strides = array<i32>} : memref<48xf32, #tpu.memory_space<vmem>>, vector<16xf32>,
          %get3A_496 = arith.constant 32 : index
          %get3A_497 = tpu.vector_load %arg12[%get3A_496] {strides = array<i32>} : memref<48xf32, #tpu.memory_space<vmem>>, vector<16xf32>,
          %min3A = arith.minimumf %get3A_493, %get3A_497 : vector<16xf32>
          %max3A = arith.maximumf %get3A_493, %get3A_497 : vector<16xf32>
          %min3A_498 = arith.minimumf %get3A_495, %rev3A_491 : vector<16xf32>
          %max3A_499 = arith.maximumf %get3A_495, %rev3A_491 : vector<16xf32>
          %min3A_500 = arith.minimumf %min3A, %min3A_498 : vector<16xf32>
          %max3A_501 = arith.maximumf %min3A, %min3A_498 : vector<16xf32>
          %min3A_502 = arith.minimumf %max3A, %max3A_499 : vector<16xf32>
          %sort3A_503 = arith.constant dense<true> : vector<16xi1>
          %sort3A_504, %sort3A_505, %sort3A_506 = tpu.sort %min3A_502, %min3A_502 masked %sort3A_503 : (vector<16xf32>, vector<16xf32>, vector<16xi1>) -> (vector<16xi1>, vector<16xf32>, vector<16xf32>)
          %sort3A_507 = arith.constant dense<true> : vector<16xi1>
          %sort3A_508, %sort3A_509, %sort3A_510 = tpu.sort %min3A_500, %min3A_500 masked %sort3A_507 : (vector<16xf32>, vector<16xf32>, vector<16xi1>) -> (vector<16xi1>, vector<16xf32>, vector<16xf32>)
          %swap3A_511 = arith.constant 0 : index
          %swap3A_512 = tpu.vector_load %arg12[%swap3A_511] {strides = array<i32>} : memref<48xf32, #tpu.memory_space<vmem>>, vector<16xf32>,
          tpu.vector_store %arg12[%swap3A_511], %sort3A_509 {strides = array<i32>} : memref<48xf32, #tpu.memory_space<vmem>>, vector<16xf32>,
          %sort3A_513 = arith.constant dense<true> : vector<16xi1>
          %sort3A_514, %sort3A_515, %sort3A_516 = tpu.sort %max3A_501, %max3A_501 masked %sort3A_513 : (vector<16xf32>, vector<16xf32>, vector<16xi1>) -> (vector<16xi1>, vector<16xf32>, vector<16xf32>)
          %swap3A_517 = arith.constant 16 : index
          %swap3A_518 = tpu.vector_load %arg12[%swap3A_517] {strides = array<i32>} : memref<48xf32, #tpu.memory_space<vmem>>, vector<16xf32>,
          tpu.vector_store %arg12[%swap3A_517], %sort3A_515 {strides = array<i32>} : memref<48xf32, #tpu.memory_space<vmem>>, vector<16xf32>,
          %swap3A_519 = arith.constant 32 : index
          %swap3A_520 = tpu.vector_load %arg12[%swap3A_519] {strides = array<i32>} : memref<48xf32, #tpu.memory_space<vmem>>, vector<16xf32>,
          tpu.vector_store %arg12[%swap3A_519], %sort3A_505 {strides = array<i32>} : memref<48xf32, #tpu.memory_space<vmem>>, vector<16xf32>,
          %slice3A_521 = vector.extract_strided_slice %sort3A_505 {offsets = [15], sizes = [1], strides = [1]} : vector<16xf32> to vector<1xf32>
          %squeeze3A_522 = vector.extract %slice3A_521[0] : f32 from vector<1xf32>
          %broadcast_in_dim3A_523 = vector.broadcast %squeeze3A_522 : f32 to vector<16xf32>
          %swap3A_524 = arith.constant 0 : index
          %swap3A_525 = tpu.vector_load %arg13[%swap3A_524] {strides = array<i32>} : memref<16xf32, #tpu.memory_space<vmem>>, vector<16xf32>,
          tpu.vector_store %arg13[%swap3A_524], %broadcast_in_dim3A_523 {strides = array<i32>} : memref<16xf32, #tpu.memory_space<vmem>>, vector<16xf32>,
        }
        %get3A_452 = arith.constant 0 : index
        %get3A_453 = tpu.vector_load %arg13[%get3A_452] {strides = array<i32>} : memref<16xf32, #tpu.memory_space<vmem>>, vector<16xf32>,
        %sub3A_454 = arith.constant 1 : i32
        %sub3A_455 = vector.broadcast %sub3A_454 : i32 to vector<16xi32>
        %sub3A_456 = arith.subi %broadcast_in_dim3A_1, %sub3A_455 : vector<16xi32>
        %swap3A_457 = arith.constant 0 : index
        %swap3A_458 = tpu.vector_load %arg16[%swap3A_457] {strides = array<i32>} : memref<16xi32, #tpu.memory_space<vmem>>, vector<16xi32>,
        tpu.vector_store %arg16[%swap3A_457], %sub3A_456 {strides = array<i32>} : memref<16xi32, #tpu.memory_space<vmem>>, vector<16xi32>,
        %while3A_459 = arith.constant 0 : i32
        %while3A_460 = arith.subi %select_n3A, %while3A_459 : i32
        %while3A_461 = arith.addi %while3A_459, %while3A_460 : i32
        %while3A_462 = arith.constant 1 : i32
        %while3A_463 = arith.divsi %while3A_460, %while3A_462 : i32
        %while3A_464 = arith.muli %while3A_463, %while3A_462 : i32
        %while3A_465 = arith.addi %while3A_459, %while3A_464 : i32
        %while3A_466 = arith.constant 1 : i32
        scf.for %while3A_480 = %while3A_459 to %while3A_465 step %while3A_466  : i32 {
          %mul3A_481 = arith.constant 16 : i32
          %mul3A_482 = arith.muli %while3A_480, %mul3A_481 : i32
          %get3A_483 = arith.index_cast %mul3A_482 : i32 to index
          %get3A_484 = tpu.vector_load %arg14[%get3A_483] {strides = array<i32>} : memref<2064xf32, #tpu.memory_space<vmem>>, vector<16xf32>,
          %le3A_485 = arith.cmpf ole, %get3A_484, %get3A_453 : vector<16xf32>
          %select_n3A_486 = arith.select %le3A_485, %broadcast_in_dim3A_3, %broadcast_in_dim3A_1 : vector<16xi1>, vector<16xi32>
          %cumsum3A = arith.constant true
          %cumsum3A_487 = vector.broadcast %cumsum3A : i1 to vector<16xi1>
          %cumsum3A_488 = tpu.scan <sum>, %select_n3A_486 masked %cumsum3A_487 : vector<16xi32>, vector<16xi1> -> vector<16xi32>
          %get3A_489 = arith.constant 0 : index
          %get3A_490 = tpu.vector_load %arg16[%get3A_489] {strides = array<i32>} : memref<16xi32, #tpu.memory_space<vmem>>, vector<16xi32>,
          %add3A_491 = arith.addi %get3A_490, %cumsum3A_488 : vector<16xi32>
          %lt3A_492 = arith.constant 48 : i32
          %lt3A_493 = vector.broadcast %lt3A_492 : i32 to vector<16xi32>
          %lt3A_494 = arith.cmpi slt, %add3A_491, %lt3A_493 : vector<16xi32>
          %and3A_495 = arith.andi %le3A_485, %lt3A_494 : vector<16xi1>
          %mul3A_496 = arith.constant 16 : i32
          %mul3A_497 = arith.muli %while3A_480, %mul3A_496 : i32
          %get3A_498 = arith.index_cast %mul3A_497 : i32 to index
          %get3A_499 = tpu.vector_load %arg15[%get3A_498] {strides = array<i32>} : memref<2064xi32, #tpu.memory_space<vmem>>, vector<16xi32>,
          tpu.vector_store_idx %arg18[%add3A_491], %get3A_499 masked %and3A_495 : memref<48xi32, #tpu.memory_space<vmem>>[vector<16xi32>], vector<16xi32>, vector<16xi1>
          %mul3A_500 = arith.constant 2048 : i32
          %mul3A_501 = arith.muli %add3A_266, %mul3A_500 : i32
          %add3A_502 = vector.broadcast %mul3A_501 : i32 to vector<16xi32>
          %add3A_503 = arith.addi %get3A_499, %add3A_502 : vector<16xi32>
          tpu.vector_store_idx %arg20[%add3A_491], %add3A_503 masked %and3A_495 : memref<48xi32, #tpu.memory_space<vmem>>[vector<16xi32>], vector<16xi32>, vector<16xi1>
          %slice3A_504 = vector.extract_strided_slice %cumsum3A_488 {offsets = [15], sizes = [1], strides = [1]} : vector<16xi32> to vector<1xi32>
          %squeeze3A_505 = vector.extract %slice3A_504[0] : i32 from vector<1xi32>
          %broadcast_in_dim3A_506 = vector.broadcast %squeeze3A_505 : i32 to vector<16xi32>
          %add3A_507 = arith.addi %get3A_490, %broadcast_in_dim3A_506 : vector<16xi32>
          %swap3A_508 = arith.constant 0 : index
          %swap3A_509 = tpu.vector_load %arg16[%swap3A_508] {strides = array<i32>} : memref<16xi32, #tpu.memory_space<vmem>>, vector<16xi32>,
          tpu.vector_store %arg16[%swap3A_508], %add3A_507 {strides = array<i32>} : memref<16xi32, #tpu.memory_space<vmem>>, vector<16xi32>,
        }
        %while3A_467 = arith.constant 1 : i32
        scf.for %while3A_480 = %while3A_465 to %while3A_461 step %while3A_467  : i32 {
          %mul3A_481 = arith.constant 16 : i32
          %mul3A_482 = arith.muli %while3A_480, %mul3A_481 : i32
          %get3A_483 = arith.index_cast %mul3A_482 : i32 to index
          %get3A_484 = tpu.vector_load %arg14[%get3A_483] {strides = array<i32>} : memref<2064xf32, #tpu.memory_space<vmem>>, vector<16xf32>,
          %le3A_485 = arith.cmpf ole, %get3A_484, %get3A_453 : vector<16xf32>
          %select_n3A_486 = arith.select %le3A_485, %broadcast_in_dim3A_3, %broadcast_in_dim3A_1 : vector<16xi1>, vector<16xi32>
          %cumsum3A = arith.constant true
          %cumsum3A_487 = vector.broadcast %cumsum3A : i1 to vector<16xi1>
          %cumsum3A_488 = tpu.scan <sum>, %select_n3A_486 masked %cumsum3A_487 : vector<16xi32>, vector<16xi1> -> vector<16xi32>
          %get3A_489 = arith.constant 0 : index
          %get3A_490 = tpu.vector_load %arg16[%get3A_489] {strides = array<i32>} : memref<16xi32, #tpu.memory_space<vmem>>, vector<16xi32>,
          %add3A_491 = arith.addi %get3A_490, %cumsum3A_488 : vector<16xi32>
          %lt3A_492 = arith.constant 48 : i32
          %lt3A_493 = vector.broadcast %lt3A_492 : i32 to vector<16xi32>
          %lt3A_494 = arith.cmpi slt, %add3A_491, %lt3A_493 : vector<16xi32>
          %and3A_495 = arith.andi %le3A_485, %lt3A_494 : vector<16xi1>
          %mul3A_496 = arith.constant 16 : i32
          %mul3A_497 = arith.muli %while3A_480, %mul3A_496 : i32
          %get3A_498 = arith.index_cast %mul3A_497 : i32 to index
          %get3A_499 = tpu.vector_load %arg15[%get3A_498] {strides = array<i32>} : memref<2064xi32, #tpu.memory_space<vmem>>, vector<16xi32>,
          tpu.vector_store_idx %arg18[%add3A_491], %get3A_499 masked %and3A_495 : memref<48xi32, #tpu.memory_space<vmem>>[vector<16xi32>], vector<16xi32>, vector<16xi1>
          %mul3A_500 = arith.constant 2048 : i32
          %mul3A_501 = arith.muli %add3A_266, %mul3A_500 : i32
          %add3A_502 = vector.broadcast %mul3A_501 : i32 to vector<16xi32>
          %add3A_503 = arith.addi %get3A_499, %add3A_502 : vector<16xi32>
          tpu.vector_store_idx %arg20[%add3A_491], %add3A_503 masked %and3A_495 : memref<48xi32, #tpu.memory_space<vmem>>[vector<16xi32>], vector<16xi32>, vector<16xi1>
          %slice3A_504 = vector.extract_strided_slice %cumsum3A_488 {offsets = [15], sizes = [1], strides = [1]} : vector<16xi32> to vector<1xi32>
          %squeeze3A_505 = vector.extract %slice3A_504[0] : i32 from vector<1xi32>
          %broadcast_in_dim3A_506 = vector.broadcast %squeeze3A_505 : i32 to vector<16xi32>
          %add3A_507 = arith.addi %get3A_490, %broadcast_in_dim3A_506 : vector<16xi32>
          %swap3A_508 = arith.constant 0 : index
          %swap3A_509 = tpu.vector_load %arg16[%swap3A_508] {strides = array<i32>} : memref<16xi32, #tpu.memory_space<vmem>>, vector<16xi32>,
          tpu.vector_store %arg16[%swap3A_508], %add3A_507 {strides = array<i32>} : memref<16xi32, #tpu.memory_space<vmem>>, vector<16xi32>,
        }
        %get3A_468 = arith.constant 0 : index
        %get3A_469 = tpu.vector_load %arg16[%get3A_468] {strides = array<i32>} : memref<16xi32, #tpu.memory_space<vmem>>, vector<16xi32>,
        %slice3A_470 = vector.extract_strided_slice %get3A_469 {offsets = [15], sizes = [1], strides = [1]} : vector<16xi32> to vector<1xi32>
        %squeeze3A_471 = vector.extract %slice3A_470[0] : i32 from vector<1xi32>
        %add3A_472 = arith.constant 1 : i32
        %add3A_473 = arith.addi %squeeze3A_471, %add3A_472 : i32
        %eq3A_474 = arith.constant 48 : i32
        %eq3A_475 = arith.cmpi eq, %add3A_473, %eq3A_474 : i32
        %convert_element_type3A_476 = arith.extui %eq3A_475 : i1 to i32
        %swap3A_477 = arith.constant 0 : i32
        %swap3A_478 = arith.index_cast %swap3A_477 : i32 to index
        %swap3A_479 = memref.load %arg17[%swap3A_478] : memref<1xi32, #tpu.memory_space<smem>>
        memref.store %convert_element_type3A_476, %arg17[%swap3A_478] : memref<1xi32, #tpu.memory_space<smem>>
      } else {
      }
      %get3A_334 = arith.constant 0 : i32
      %get3A_335 = arith.index_cast %get3A_334 : i32 to index
      %get3A_336 = memref.load %arg17[%get3A_335] : memref<1xi32, #tpu.memory_space<smem>>
      %eq3A_337 = arith.constant 0 : i32
      %eq3A_338 = arith.cmpi eq, %get3A_336, %eq3A_337 : i32
      %convert_element_type3A_339 = arith.extui %eq3A_338 : i1 to i32
      %cond3A_340 = arith.constant 0 : i32
      %cond3A_341 = arith.cmpi ne, %convert_element_type3A_339, %cond3A_340 : i32
      scf.if %cond3A_341 {
        %swap3A_424 = arith.constant 0 : index
        %swap3A_425 = tpu.vector_load %arg12[%swap3A_424] {strides = array<i32>} : memref<48xf32, #tpu.memory_space<vmem>>, vector<16xf32>,
        tpu.vector_store %arg12[%swap3A_424], %broadcast_in_dim3A_5 {strides = array<i32>} : memref<48xf32, #tpu.memory_space<vmem>>, vector<16xf32>,
        %swap3A_426 = arith.constant 16 : index
        %swap3A_427 = tpu.vector_load %arg12[%swap3A_426] {strides = array<i32>} : memref<48xf32, #tpu.memory_space<vmem>>, vector<16xf32>,
        tpu.vector_store %arg12[%swap3A_426], %broadcast_in_dim3A_5 {strides = array<i32>} : memref<48xf32, #tpu.memory_space<vmem>>, vector<16xf32>,
        %swap3A_428 = arith.constant 32 : index
        %swap3A_429 = tpu.vector_load %arg12[%swap3A_428] {strides = array<i32>} : memref<48xf32, #tpu.memory_space<vmem>>, vector<16xf32>,
        tpu.vector_store %arg12[%swap3A_428], %broadcast_in_dim3A_5 {strides = array<i32>} : memref<48xf32, #tpu.memory_space<vmem>>, vector<16xf32>,
        %swap3A_430 = arith.constant 0 : index
        %swap3A_431 = tpu.vector_load %arg13[%swap3A_430] {strides = array<i32>} : memref<16xf32, #tpu.memory_space<vmem>>, vector<16xf32>,
        tpu.vector_store %arg13[%swap3A_430], %broadcast_in_dim3A_5 {strides = array<i32>} : memref<16xf32, #tpu.memory_space<vmem>>, vector<16xf32>,
        %scan3A_432 = arith.constant 0 : i32
        %scan3A_433 = arith.constant 128 : i32
        %scan3A_434 = arith.addi %scan3A_432, %scan3A_433 : i32
        %scan3A_435 = arith.constant 1 : i32
        scf.for %scan3A_458 = %scan3A_432 to %scan3A_434 step %scan3A_435  : i32 {
          %get3A_459 = arith.constant 0 : index
          %get3A_460 = tpu.vector_load %arg13[%get3A_459] {strides = array<i32>} : memref<16xf32, #tpu.memory_space<vmem>>, vector<16xf32>,
          %mul3A_461 = arith.constant 16 : i32
          %mul3A_462 = arith.muli %scan3A_458, %mul3A_461 : i32
          %get3A_463 = arith.index_cast %mul3A_462 : i32 to index
          %get3A_464 = tpu.vector_load %arg8[%get3A_463] {strides = array<i32>} : memref<2048xf32, #tpu.memory_space<vmem>>, vector<16xf32>,
          %lt3A_465 = arith.cmpf olt, %get3A_464, %get3A_460 : vector<16xf32>
          %all_reduce_population_count3A = tpu.all_reduce %lt3A_465 {dim = 0 : i64, kind = #tpu.reduction_kind<sum>} : vector<16xi1> -> vector<16xi32>
          %slice3A_466 = vector.extract_strided_slice %all_reduce_population_count3A {offsets = [0], sizes = [1], strides = [1]} : vector<16xi32> to vector<1xi32>
          %squeeze3A_467 = vector.extract %slice3A_466[0] : i32 from vector<1xi32>
          %gt3A_468 = arith.constant 0 : i32
          %gt3A_469 = arith.cmpi sgt, %squeeze3A_467, %gt3A_468 : i32
          %convert_element_type3A_470 = arith.extui %gt3A_469 : i1 to i32
          %cond3A_471 = arith.constant 0 : i32
          %cond3A_472 = arith.cmpi ne, %convert_element_type3A_470, %cond3A_471 : i32
          scf.if %cond3A_472 {
            %sort3A = arith.constant dense<true> : vector<16xi1>
            %sort3A_473, %sort3A_474, %sort3A_475 = tpu.sort %get3A_464, %get3A_464 masked %sort3A : (vector<16xf32>, vector<16xf32>, vector<16xi1>) -> (vector<16xi1>, vector<16xf32>, vector<16xf32>)
            %rev3A = arith.constant 15 : i32
            %rev3A_476 = vector.broadcast %rev3A : i32 to vector<16xi32>
            %rev3A_477 = tpu.iota {dimensions = array<i32: 0>} : vector<16xi32>
            %rev3A_478 = arith.subi %rev3A_476, %rev3A_477 : vector<16xi32>
            %rev3A_479 = tpu.dynamic_gather %sort3A_474[%rev3A_478] in [0] : vector<16xf32>, vector<16xi32> -> vector<16xf32>
            %get3A_480 = arith.constant 0 : index
            %get3A_481 = tpu.vector_load %arg12[%get3A_480] {strides = array<i32>} : memref<48xf32, #tpu.memory_space<vmem>>, vector<16xf32>,
            %get3A_482 = arith.constant 16 : index
            %get3A_483 = tpu.vector_load %arg12[%get3A_482] {strides = array<i32>} : memref<48xf32, #tpu.memory_space<vmem>>, vector<16xf32>,
            %get3A_484 = arith.constant 32 : index
            %get3A_485 = tpu.vector_load %arg12[%get3A_484] {strides = array<i32>} : memref<48xf32, #tpu.memory_space<vmem>>, vector<16xf32>,
            %min3A = arith.minimumf %get3A_481, %get3A_485 : vector<16xf32>
            %max3A = arith.maximumf %get3A_481, %get3A_485 : vector<16xf32>
            %min3A_486 = arith.minimumf %get3A_483, %rev3A_479 : vector<16xf32>
            %max3A_487 = arith.maximumf %get3A_483, %rev3A_479 : vector<16xf32>
            %min3A_488 = arith.minimumf %min3A, %min3A_486 : vector<16xf32>
            %max3A_489 = arith.maximumf %min3A, %min3A_486 : vector<16xf32>
            %min3A_490 = arith.minimumf %max3A, %max3A_487 : vector<16xf32>
            %sort3A_491 = arith.constant dense<true> : vector<16xi1>
            %sort3A_492, %sort3A_493, %sort3A_494 = tpu.sort %min3A_490, %min3A_490 masked %sort3A_491 : (vector<16xf32>, vector<16xf32>, vector<16xi1>) -> (vector<16xi1>, vector<16xf32>, vector<16xf32>)
            %sort3A_495 = arith.constant dense<true> : vector<16xi1>
            %sort3A_496, %sort3A_497, %sort3A_498 = tpu.sort %min3A_488, %min3A_488 masked %sort3A_495 : (vector<16xf32>, vector<16xf32>, vector<16xi1>) -> (vector<16xi1>, vector<16xf32>, vector<16xf32>)
            %swap3A_499 = arith.constant 0 : index
            %swap3A_500 = tpu.vector_load %arg12[%swap3A_499] {strides = array<i32>} : memref<48xf32, #tpu.memory_space<vmem>>, vector<16xf32>,
            tpu.vector_store %arg12[%swap3A_499], %sort3A_497 {strides = array<i32>} : memref<48xf32, #tpu.memory_space<vmem>>, vector<16xf32>,
            %sort3A_501 = arith.constant dense<true> : vector<16xi1>
            %sort3A_502, %sort3A_503, %sort3A_504 = tpu.sort %max3A_489, %max3A_489 masked %sort3A_501 : (vector<16xf32>, vector<16xf32>, vector<16xi1>) -> (vector<16xi1>, vector<16xf32>, vector<16xf32>)
            %swap3A_505 = arith.constant 16 : index
            %swap3A_506 = tpu.vector_load %arg12[%swap3A_505] {strides = array<i32>} : memref<48xf32, #tpu.memory_space<vmem>>, vector<16xf32>,
            tpu.vector_store %arg12[%swap3A_505], %sort3A_503 {strides = array<i32>} : memref<48xf32, #tpu.memory_space<vmem>>, vector<16xf32>,
            %swap3A_507 = arith.constant 32 : index
            %swap3A_508 = tpu.vector_load %arg12[%swap3A_507] {strides = array<i32>} : memref<48xf32, #tpu.memory_space<vmem>>, vector<16xf32>,
            tpu.vector_store %arg12[%swap3A_507], %sort3A_493 {strides = array<i32>} : memref<48xf32, #tpu.memory_space<vmem>>, vector<16xf32>,
            %slice3A_509 = vector.extract_strided_slice %sort3A_493 {offsets = [15], sizes = [1], strides = [1]} : vector<16xf32> to vector<1xf32>
            %squeeze3A_510 = vector.extract %slice3A_509[0] : f32 from vector<1xf32>
            %broadcast_in_dim3A_511 = vector.broadcast %squeeze3A_510 : f32 to vector<16xf32>
            %swap3A_512 = arith.constant 0 : index
            %swap3A_513 = tpu.vector_load %arg13[%swap3A_512] {strides = array<i32>} : memref<16xf32, #tpu.memory_space<vmem>>, vector<16xf32>,
            tpu.vector_store %arg13[%swap3A_512], %broadcast_in_dim3A_511 {strides = array<i32>} : memref<16xf32, #tpu.memory_space<vmem>>, vector<16xf32>,
          } else {
          }
        }
        %scan3A_436 = arith.constant 128 : i32
        %get3A_437 = arith.constant 0 : index
        %get3A_438 = tpu.vector_load %arg13[%get3A_437] {strides = array<i32>} : memref<16xf32, #tpu.memory_space<vmem>>, vector<16xf32>,
        %scan3A_439 = arith.constant 0 : i32
        %scan3A_440 = arith.constant 128 : i32
        %scan3A_441 = arith.addi %scan3A_439, %scan3A_440 : i32
        %scan3A_442 = arith.constant 1 : i32
        %scan3A_443 = scf.for %scan3A_458 = %scan3A_439 to %scan3A_441 step %scan3A_442 iter_args(%scan3A_459 = %broadcast_in_dim3A_1) -> (vector<16xi32>)  : i32 {
          %mul3A_460 = arith.constant 16 : i32
          %mul3A_461 = arith.muli %scan3A_458, %mul3A_460 : i32
          %get3A_462 = arith.index_cast %mul3A_461 : i32 to index
          %get3A_463 = tpu.vector_load %arg8[%get3A_462] {strides = array<i32>} : memref<2048xf32, #tpu.memory_space<vmem>>, vector<16xf32>,
          %lt3A_464 = arith.cmpf olt, %get3A_463, %get3A_438 : vector<16xf32>
          %convert_element_type3A_465 = arith.extui %lt3A_464 : vector<16xi1> to vector<16xi32>
          %add3A_466 = arith.addi %scan3A_459, %convert_element_type3A_465 : vector<16xi32>
          scf.yield %add3A_466 : vector<16xi32>
        }
        %scan3A_444 = arith.constant 128 : i32
        %reduce_sum3A = arith.constant true
        %reduce_sum3A_445 = vector.broadcast %reduce_sum3A : i1 to vector<16xi1>
        %reduce_sum3A_446 = tpu.scan <sum>, %scan3A_443 masked %reduce_sum3A_445 : vector<16xi32>, vector<16xi1> -> vector<16xi32>
        %reduce_sum3A_447 = vector.extract %reduce_sum3A_446[15] : i32 from vector<16xi32>
        %sub3A_448 = arith.constant 48 : i32
        %sub3A_449 = arith.subi %sub3A_448, %reduce_sum3A_447 : i32
        %scan3A_450 = arith.constant 0 : i32
        %scan3A_451 = arith.constant 0 : i32
        %scan3A_452 = arith.constant 0 : i32
        %scan3A_453 = arith.constant 128 : i32
        %scan3A_454 = arith.addi %scan3A_452, %scan3A_453 : i32
        %scan3A_455 = arith.constant 1 : i32
        %scan3A_456:2 = scf.for %scan3A_458 = %scan3A_452 to %scan3A_454 step %scan3A_455 iter_args(%scan3A_459 = %scan3A_450, %scan3A_460 = %scan3A_451) -> (i32, i32)  : i32 {
          %mul3A_461 = arith.constant 16 : i32
          %mul3A_462 = arith.muli %scan3A_458, %mul3A_461 : i32
          %get3A_463 = arith.index_cast %mul3A_462 : i32 to index
          %get3A_464 = tpu.vector_load %arg8[%get3A_463] {strides = array<i32>} : memref<2048xf32, #tpu.memory_space<vmem>>, vector<16xf32>,
          %lt3A_465 = arith.cmpf olt, %get3A_464, %get3A_438 : vector<16xf32>
          %eq3A_466 = arith.cmpf oeq, %get3A_464, %get3A_438 : vector<16xf32>
          %convert_element_type3A_467 = arith.extui %eq3A_466 : vector<16xi1> to vector<16xi32>
          %cumsum3A = arith.constant true
          %cumsum3A_468 = vector.broadcast %cumsum3A : i1 to vector<16xi1>
          %cumsum3A_469 = tpu.scan <sum>, %convert_element_type3A_467 masked %cumsum3A_468 : vector<16xi32>, vector<16xi1> -> vector<16xi32>
          %add3A_470 = vector.broadcast %scan3A_460 : i32 to vector<16xi32>
          %add3A_471 = arith.addi %add3A_470, %cumsum3A_469 : vector<16xi32>
          %sub3A_472 = arith.subi %add3A_471, %convert_element_type3A_467 : vector<16xi32>
          %lt3A_473 = vector.broadcast %sub3A_449 : i32 to vector<16xi32>
          %lt3A_474 = arith.cmpi slt, %sub3A_472, %lt3A_473 : vector<16xi32>
          %and3A_475 = arith.andi %eq3A_466, %lt3A_474 : vector<16xi1>
          %or3A = arith.ori %lt3A_465, %and3A_475 : vector<16xi1>
          %convert_element_type3A_476 = arith.extui %or3A : vector<16xi1> to vector<16xi32>
          %cumsum3A_477 = arith.constant true
          %cumsum3A_478 = vector.broadcast %cumsum3A_477 : i1 to vector<16xi1>
          %cumsum3A_479 = tpu.scan <sum>, %convert_element_type3A_476 masked %cumsum3A_478 : vector<16xi32>, vector<16xi1> -> vector<16xi32>
          %add3A_480 = vector.broadcast %scan3A_459 : i32 to vector<16xi32>
          %add3A_481 = arith.addi %add3A_480, %cumsum3A_479 : vector<16xi32>
          %sub3A_482 = arith.subi %add3A_481, %convert_element_type3A_476 : vector<16xi32>
          %mul3A_483 = arith.constant 16 : i32
          %mul3A_484 = arith.muli %scan3A_458, %mul3A_483 : i32
          %add3A_485 = vector.broadcast %mul3A_484 : i32 to vector<16xi32>
          %add3A_486 = arith.addi %add3A_485, %iota3A : vector<16xi32>
          tpu.vector_store_idx %arg18[%sub3A_482], %add3A_486 masked %or3A : memref<48xi32, #tpu.memory_space<vmem>>[vector<16xi32>], vector<16xi32>, vector<16xi1>
          %mul3A_487 = arith.constant 2048 : i32
          %mul3A_488 = arith.muli %add3A_266, %mul3A_487 : i32
          %add3A_489 = vector.broadcast %mul3A_488 : i32 to vector<16xi32>
          %add3A_490 = arith.addi %add3A_486, %add3A_489 : vector<16xi32>
          tpu.vector_store_idx %arg20[%sub3A_482], %add3A_490 masked %or3A : memref<48xi32, #tpu.memory_space<vmem>>[vector<16xi32>], vector<16xi32>, vector<16xi1>
          %reduce_sum3A_491 = arith.constant true
          %reduce_sum3A_492 = vector.broadcast %reduce_sum3A_491 : i1 to vector<16xi1>
          %reduce_sum3A_493 = tpu.scan <sum>, %convert_element_type3A_476 masked %reduce_sum3A_492 : vector<16xi32>, vector<16xi1> -> vector<16xi32>
          %reduce_sum3A_494 = vector.extract %reduce_sum3A_493[15] : i32 from vector<16xi32>
          %add3A_495 = arith.addi %scan3A_459, %reduce_sum3A_494 : i32
          %reduce_sum3A_496 = arith.constant true
          %reduce_sum3A_497 = vector.broadcast %reduce_sum3A_496 : i1 to vector<16xi1>
          %reduce_sum3A_498 = tpu.scan <sum>, %convert_element_type3A_467 masked %reduce_sum3A_497 : vector<16xi32>, vector<16xi1> -> vector<16xi32>
          %reduce_sum3A_499 = vector.extract %reduce_sum3A_498[15] : i32 from vector<16xi32>
          %add3A_500 = arith.addi %scan3A_460, %reduce_sum3A_499 : i32
          scf.yield %add3A_495, %add3A_500 : i32, i32
        }
        %scan3A_457 = arith.constant 128 : i32
      } else {
      }
      %scan3A_342 = arith.constant 0 : i32
      %scan3A_343 = arith.constant 32 : i32
      %scan3A_344 = arith.addi %scan3A_342, %scan3A_343 : i32
      %scan3A_345 = arith.constant 1 : i32
      scf.for %scan3A_424 = %scan3A_342 to %scan3A_344 step %scan3A_345  : i32 {
        %mul3A_425 = arith.constant 64 : i32
        %mul3A_426 = arith.muli %scan3A_424, %mul3A_425 : i32
        %get3A_427 = arith.index_cast %mul3A_426 : i32 to index
        %get3A_428 = tpu.vector_load %arg10[%get3A_427] {strides = array<i32>} : memref<2048xi8, #tpu.memory_space<vmem>>, vector<64xi8>,
        %bitcast3A = vector.bitcast %get3A_428 : vector<64xi8> to vector<16xi32>
        %mul3A_429 = arith.constant 16 : i32
        %mul3A_430 = arith.muli %scan3A_424, %mul3A_429 : i32
        %swap3A_431 = arith.index_cast %mul3A_430 : i32 to index
        %swap3A_432 = tpu.vector_load %arg11[%swap3A_431] {strides = array<i32>} : memref<512xi32, #tpu.memory_space<vmem>>, vector<16xi32>,
        tpu.vector_store %arg11[%swap3A_431], %bitcast3A {strides = array<i32>} : memref<512xi32, #tpu.memory_space<vmem>>, vector<16xi32>,
      }
      %scan3A_346 = arith.constant 32 : i32
      %get3A_347 = arith.constant 0 : index
      %get3A_348 = tpu.vector_load %arg18[%get3A_347] {strides = array<i32>} : memref<48xi32, #tpu.memory_space<vmem>>, vector<16xi32>,
      %shift_right_arithmetic3A_349 = arith.constant 2 : i32
      %shift_right_arithmetic3A_350 = vector.broadcast %shift_right_arithmetic3A_349 : i32 to vector<16xi32>
      %shift_right_arithmetic3A_351 = arith.shrsi %get3A_348, %shift_right_arithmetic3A_350 : vector<16xi32>
      %gather3A_352 = tpu.vector_load_idx %arg11[%shift_right_arithmetic3A_351] : memref<512xi32, #tpu.memory_space<vmem>>[vector<16xi32>], vector<16xi32>,
      %and3A_353 = arith.constant 3 : i32
      %and3A_354 = vector.broadcast %and3A_353 : i32 to vector<16xi32>
      %and3A_355 = arith.andi %get3A_348, %and3A_354 : vector<16xi32>
      %shift_left3A_356 = arith.constant 3 : i32
      %shift_left3A_357 = vector.broadcast %shift_left3A_356 : i32 to vector<16xi32>
      %shift_left3A_358 = arith.shli %and3A_355, %shift_left3A_357 : vector<16xi32>
      %shift_right_arithmetic3A_359 = arith.shrsi %gather3A_352, %shift_left3A_358 : vector<16xi32>
      %and3A_360 = arith.constant 1 : i32
      %and3A_361 = vector.broadcast %and3A_360 : i32 to vector<16xi32>
      %and3A_362 = arith.andi %shift_right_arithmetic3A_359, %and3A_361 : vector<16xi32>
      %swap3A_363 = arith.constant 0 : index
      %swap3A_364 = tpu.vector_load %arg22[%swap3A_363] {strides = array<i32>} : memref<48xi32, #tpu.memory_space<vmem>>, vector<16xi32>,
      tpu.vector_store %arg22[%swap3A_363], %and3A_362 {strides = array<i32>} : memref<48xi32, #tpu.memory_space<vmem>>, vector<16xi32>,
      %get3A_365 = arith.constant 16 : index
      %get3A_366 = tpu.vector_load %arg18[%get3A_365] {strides = array<i32>} : memref<48xi32, #tpu.memory_space<vmem>>, vector<16xi32>,
      %shift_right_arithmetic3A_367 = arith.constant 2 : i32
      %shift_right_arithmetic3A_368 = vector.broadcast %shift_right_arithmetic3A_367 : i32 to vector<16xi32>
      %shift_right_arithmetic3A_369 = arith.shrsi %get3A_366, %shift_right_arithmetic3A_368 : vector<16xi32>
      %gather3A_370 = tpu.vector_load_idx %arg11[%shift_right_arithmetic3A_369] : memref<512xi32, #tpu.memory_space<vmem>>[vector<16xi32>], vector<16xi32>,
      %and3A_371 = arith.constant 3 : i32
      %and3A_372 = vector.broadcast %and3A_371 : i32 to vector<16xi32>
      %and3A_373 = arith.andi %get3A_366, %and3A_372 : vector<16xi32>
      %shift_left3A_374 = arith.constant 3 : i32
      %shift_left3A_375 = vector.broadcast %shift_left3A_374 : i32 to vector<16xi32>
      %shift_left3A_376 = arith.shli %and3A_373, %shift_left3A_375 : vector<16xi32>
      %shift_right_arithmetic3A_377 = arith.shrsi %gather3A_370, %shift_left3A_376 : vector<16xi32>
      %and3A_378 = arith.constant 1 : i32
      %and3A_379 = vector.broadcast %and3A_378 : i32 to vector<16xi32>
      %and3A_380 = arith.andi %shift_right_arithmetic3A_377, %and3A_379 : vector<16xi32>
      %swap3A_381 = arith.constant 16 : index
      %swap3A_382 = tpu.vector_load %arg22[%swap3A_381] {strides = array<i32>} : memref<48xi32, #tpu.memory_space<vmem>>, vector<16xi32>,
      tpu.vector_store %arg22[%swap3A_381], %and3A_380 {strides = array<i32>} : memref<48xi32, #tpu.memory_space<vmem>>, vector<16xi32>,
      %get3A_383 = arith.constant 32 : index
      %get3A_384 = tpu.vector_load %arg18[%get3A_383] {strides = array<i32>} : memref<48xi32, #tpu.memory_space<vmem>>, vector<16xi32>,
      %shift_right_arithmetic3A_385 = arith.constant 2 : i32
      %shift_right_arithmetic3A_386 = vector.broadcast %shift_right_arithmetic3A_385 : i32 to vector<16xi32>
      %shift_right_arithmetic3A_387 = arith.shrsi %get3A_384, %shift_right_arithmetic3A_386 : vector<16xi32>
      %gather3A_388 = tpu.vector_load_idx %arg11[%shift_right_arithmetic3A_387] : memref<512xi32, #tpu.memory_space<vmem>>[vector<16xi32>], vector<16xi32>,
      %and3A_389 = arith.constant 3 : i32
      %and3A_390 = vector.broadcast %and3A_389 : i32 to vector<16xi32>
      %and3A_391 = arith.andi %get3A_384, %and3A_390 : vector<16xi32>
      %shift_left3A_392 = arith.constant 3 : i32
      %shift_left3A_393 = vector.broadcast %shift_left3A_392 : i32 to vector<16xi32>
      %shift_left3A_394 = arith.shli %and3A_391, %shift_left3A_393 : vector<16xi32>
      %shift_right_arithmetic3A_395 = arith.shrsi %gather3A_388, %shift_left3A_394 : vector<16xi32>
      %and3A_396 = arith.constant 1 : i32
      %and3A_397 = vector.broadcast %and3A_396 : i32 to vector<16xi32>
      %and3A_398 = arith.andi %shift_right_arithmetic3A_395, %and3A_397 : vector<16xi32>
      %swap3A_399 = arith.constant 32 : index
      %swap3A_400 = tpu.vector_load %arg22[%swap3A_399] {strides = array<i32>} : memref<48xi32, #tpu.memory_space<vmem>>, vector<16xi32>,
      tpu.vector_store %arg22[%swap3A_399], %and3A_398 {strides = array<i32>} : memref<48xi32, #tpu.memory_space<vmem>>, vector<16xi32>,
      %dma_start3A_401 = arith.constant 0 : i32
      %dma_start3A_402 = arith.constant 0 : i32
      %dma_start3A_403 = tpu.memref_slice %arg3[%dma_start3A_401, %dma_start3A_402] : memref<262144x256xf32, #tpu.memory_space<hbm>> -> memref<262144x256xf32, #tpu.memory_space<hbm>>
      tpu.enqueue_indirect_dma source(%dma_start3A_403 : memref<262144x256xf32, #tpu.memory_space<hbm>>) target(%arg24 : memref<48x256xf32, #tpu.memory_space<vmem>>) offsets(%arg20 : memref<48xi32, #tpu.memory_space<vmem>>) semaphore(%arg28 : memref<!tpu.dma_semaphore, #tpu.memory_space<semaphore_mem>>)
      %dma_wait3A_404 = arith.constant 0 : i32
      %dma_wait3A_405 = arith.constant 0 : i32
      %dma_wait3A_406 = tpu.memref_slice %arg3[%dma_wait3A_404, %dma_wait3A_405] : memref<262144x256xf32, #tpu.memory_space<hbm>> -> memref<262144x256xf32, #tpu.memory_space<hbm>>
      tpu.wait_indirect_dma semaphore(%arg27 : memref<!tpu.dma_semaphore, #tpu.memory_space<semaphore_mem>>) src(%dma_wait3A_406 : memref<262144x256xf32, #tpu.memory_space<hbm>>) dst(%arg23 : memref<48x256xf32, #tpu.memory_space<vmem>>)
      %mul3A_407 = arith.constant 4 : i32
      %mul3A_408 = arith.muli %add3A, %mul3A_407 : i32
      %add3A_409 = arith.addi %mul3A_408, %mul3A_79 : i32
      %dma_start3A_410 = arith.constant 0 : i32
      %dma_start3A_411 = arith.constant 0 : i32
      %dma_start3A_412 = tpu.memref_slice %arg5[%add3A_409, %dma_start3A_410, %dma_start3A_411] : memref<128x48x256xf32, #tpu.memory_space<hbm>> -> memref<1x48x256xf32, #tpu.memory_space<hbm>>
      %dma_start3A_413 = tpu.memref_squeeze %dma_start3A_412 : memref<1x48x256xf32, #tpu.memory_space<hbm>> -> memref<48x256xf32, #tpu.memory_space<hbm>>
      %dma_start3A_414 = arith.constant 0 : i32
      %dma_start3A_415 = arith.constant 0 : i32
      %dma_start3A_416 = tpu.memref_slice %arg5[%add3A_409, %dma_start3A_414, %dma_start3A_415] : memref<128x48x256xf32, #tpu.memory_space<hbm>> -> memref<1x48x256xf32, #tpu.memory_space<hbm>>
      %dma_start3A_417 = tpu.memref_squeeze %dma_start3A_416 : memref<1x48x256xf32, #tpu.memory_space<hbm>> -> memref<48x256xf32, #tpu.memory_space<hbm>>
      tpu.enqueue_dma source(%arg23 : memref<48x256xf32, #tpu.memory_space<vmem>>) target(%dma_start3A_417 : memref<48x256xf32, #tpu.memory_space<hbm>>) target_semaphore(%arg29 : memref<!tpu.dma_semaphore, #tpu.memory_space<semaphore_mem>>)
      %dma_start3A_418 = arith.constant 0 : i32
      %dma_start3A_419 = tpu.memref_slice %arg6[%add3A_409, %dma_start3A_418] : memref<128x48xi32, #tpu.memory_space<hbm>> -> memref<1x48xi32, #tpu.memory_space<hbm>>
      %dma_start3A_420 = tpu.memref_squeeze %dma_start3A_419 : memref<1x48xi32, #tpu.memory_space<hbm>> -> memref<48xi32, #tpu.memory_space<hbm>>
      %dma_start3A_421 = arith.constant 0 : i32
      %dma_start3A_422 = tpu.memref_slice %arg6[%add3A_409, %dma_start3A_421] : memref<128x48xi32, #tpu.memory_space<hbm>> -> memref<1x48xi32, #tpu.memory_space<hbm>>
      %dma_start3A_423 = tpu.memref_squeeze %dma_start3A_422 : memref<1x48xi32, #tpu.memory_space<hbm>> -> memref<48xi32, #tpu.memory_space<hbm>>
      tpu.enqueue_dma source(%arg21 : memref<48xi32, #tpu.memory_space<vmem>>) target(%dma_start3A_423 : memref<48xi32, #tpu.memory_space<hbm>>) target_semaphore(%arg29 : memref<!tpu.dma_semaphore, #tpu.memory_space<semaphore_mem>>)
    }
    %scan3A_24 = arith.constant 2 : i32
    %dma_wait3A = arith.constant 0 : i32
    %dma_wait3A_25 = arith.constant 0 : i32
    %dma_wait3A_26 = tpu.memref_slice %arg3[%dma_wait3A, %dma_wait3A_25] : memref<262144x256xf32, #tpu.memory_space<hbm>> -> memref<262144x256xf32, #tpu.memory_space<hbm>>
    tpu.wait_indirect_dma semaphore(%arg28 : memref<!tpu.dma_semaphore, #tpu.memory_space<semaphore_mem>>) src(%dma_wait3A_26 : memref<262144x256xf32, #tpu.memory_space<hbm>>) dst(%arg24 : memref<48x256xf32, #tpu.memory_space<vmem>>)
    %mul3A_27 = arith.constant 4 : i32
    %mul3A_28 = arith.muli %add3A, %mul3A_27 : i32
    %add3A_29 = arith.constant 3 : i32
    %add3A_30 = arith.addi %mul3A_28, %add3A_29 : i32
    %dma_start3A_31 = arith.constant 0 : i32
    %dma_start3A_32 = arith.constant 0 : i32
    %dma_start3A_33 = tpu.memref_slice %arg5[%add3A_30, %dma_start3A_31, %dma_start3A_32] : memref<128x48x256xf32, #tpu.memory_space<hbm>> -> memref<1x48x256xf32, #tpu.memory_space<hbm>>
    %dma_start3A_34 = tpu.memref_squeeze %dma_start3A_33 : memref<1x48x256xf32, #tpu.memory_space<hbm>> -> memref<48x256xf32, #tpu.memory_space<hbm>>
    %dma_start3A_35 = arith.constant 0 : i32
    %dma_start3A_36 = arith.constant 0 : i32
    %dma_start3A_37 = tpu.memref_slice %arg5[%add3A_30, %dma_start3A_35, %dma_start3A_36] : memref<128x48x256xf32, #tpu.memory_space<hbm>> -> memref<1x48x256xf32, #tpu.memory_space<hbm>>
    %dma_start3A_38 = tpu.memref_squeeze %dma_start3A_37 : memref<1x48x256xf32, #tpu.memory_space<hbm>> -> memref<48x256xf32, #tpu.memory_space<hbm>>
    tpu.enqueue_dma source(%arg24 : memref<48x256xf32, #tpu.memory_space<vmem>>) target(%dma_start3A_38 : memref<48x256xf32, #tpu.memory_space<hbm>>) target_semaphore(%arg30 : memref<!tpu.dma_semaphore, #tpu.memory_space<semaphore_mem>>)
    %dma_start3A_39 = arith.constant 0 : i32
    %dma_start3A_40 = tpu.memref_slice %arg6[%add3A_30, %dma_start3A_39] : memref<128x48xi32, #tpu.memory_space<hbm>> -> memref<1x48xi32, #tpu.memory_space<hbm>>
    %dma_start3A_41 = tpu.memref_squeeze %dma_start3A_40 : memref<1x48xi32, #tpu.memory_space<hbm>> -> memref<48xi32, #tpu.memory_space<hbm>>
    %dma_start3A_42 = arith.constant 0 : i32
    %dma_start3A_43 = tpu.memref_slice %arg6[%add3A_30, %dma_start3A_42] : memref<128x48xi32, #tpu.memory_space<hbm>> -> memref<1x48xi32, #tpu.memory_space<hbm>>
    %dma_start3A_44 = tpu.memref_squeeze %dma_start3A_43 : memref<1x48xi32, #tpu.memory_space<hbm>> -> memref<48xi32, #tpu.memory_space<hbm>>
    tpu.enqueue_dma source(%arg22 : memref<48xi32, #tpu.memory_space<vmem>>) target(%dma_start3A_44 : memref<48xi32, #tpu.memory_space<hbm>>) target_semaphore(%arg30 : memref<!tpu.dma_semaphore, #tpu.memory_space<semaphore_mem>>)
    %dma_wait3A_45 = arith.constant 0 : i32
    %dma_wait3A_46 = arith.constant 0 : i32
    %dma_wait3A_47 = arith.constant 0 : i32
    %dma_wait3A_48 = tpu.memref_slice %arg5[%dma_wait3A_45, %dma_wait3A_46, %dma_wait3A_47] : memref<128x48x256xf32, #tpu.memory_space<hbm>> -> memref<1x48x256xf32, #tpu.memory_space<hbm>>
    %dma_wait3A_49 = tpu.memref_squeeze %dma_wait3A_48 : memref<1x48x256xf32, #tpu.memory_space<hbm>> -> memref<48x256xf32, #tpu.memory_space<hbm>>
    %dma_wait3A_50 = arith.constant 0 : i32
    %dma_wait3A_51 = arith.constant 0 : i32
    %dma_wait3A_52 = tpu.memref_slice %arg5[%dma_wait3A_45, %dma_wait3A_50, %dma_wait3A_51] : memref<128x48x256xf32, #tpu.memory_space<hbm>> -> memref<1x48x256xf32, #tpu.memory_space<hbm>>
    %dma_wait3A_53 = tpu.memref_squeeze %dma_wait3A_52 : memref<1x48x256xf32, #tpu.memory_space<hbm>> -> memref<48x256xf32, #tpu.memory_space<hbm>>
    tpu.wait_dma2 semaphore(%arg29 : memref<!tpu.dma_semaphore, #tpu.memory_space<semaphore_mem>>) src(%arg23 : memref<48x256xf32, #tpu.memory_space<vmem>>) dst(%dma_wait3A_53 : memref<48x256xf32, #tpu.memory_space<hbm>>)
    %dma_wait3A_54 = arith.constant 0 : i32
    %dma_wait3A_55 = arith.constant 0 : i32
    %dma_wait3A_56 = tpu.memref_slice %arg6[%dma_wait3A_54, %dma_wait3A_55] : memref<128x48xi32, #tpu.memory_space<hbm>> -> memref<1x48xi32, #tpu.memory_space<hbm>>
    %dma_wait3A_57 = tpu.memref_squeeze %dma_wait3A_56 : memref<1x48xi32, #tpu.memory_space<hbm>> -> memref<48xi32, #tpu.memory_space<hbm>>
    %dma_wait3A_58 = arith.constant 0 : i32
    %dma_wait3A_59 = tpu.memref_slice %arg6[%dma_wait3A_54, %dma_wait3A_58] : memref<128x48xi32, #tpu.memory_space<hbm>> -> memref<1x48xi32, #tpu.memory_space<hbm>>
    %dma_wait3A_60 = tpu.memref_squeeze %dma_wait3A_59 : memref<1x48xi32, #tpu.memory_space<hbm>> -> memref<48xi32, #tpu.memory_space<hbm>>
    tpu.wait_dma2 semaphore(%arg29 : memref<!tpu.dma_semaphore, #tpu.memory_space<semaphore_mem>>) src(%arg21 : memref<48xi32, #tpu.memory_space<vmem>>) dst(%dma_wait3A_60 : memref<48xi32, #tpu.memory_space<hbm>>)
    %dma_wait3A_61 = arith.constant 0 : i32
    %dma_wait3A_62 = arith.constant 0 : i32
    %dma_wait3A_63 = arith.constant 0 : i32
    %dma_wait3A_64 = tpu.memref_slice %arg5[%dma_wait3A_61, %dma_wait3A_62, %dma_wait3A_63] : memref<128x48x256xf32, #tpu.memory_space<hbm>> -> memref<1x48x256xf32, #tpu.memory_space<hbm>>
    %dma_wait3A_65 = tpu.memref_squeeze %dma_wait3A_64 : memref<1x48x256xf32, #tpu.memory_space<hbm>> -> memref<48x256xf32, #tpu.memory_space<hbm>>
    %dma_wait3A_66 = arith.constant 0 : i32
    %dma_wait3A_67 = arith.constant 0 : i32
    %dma_wait3A_68 = tpu.memref_slice %arg5[%dma_wait3A_61, %dma_wait3A_66, %dma_wait3A_67] : memref<128x48x256xf32, #tpu.memory_space<hbm>> -> memref<1x48x256xf32, #tpu.memory_space<hbm>>
    %dma_wait3A_69 = tpu.memref_squeeze %dma_wait3A_68 : memref<1x48x256xf32, #tpu.memory_space<hbm>> -> memref<48x256xf32, #tpu.memory_space<hbm>>
    tpu.wait_dma2 semaphore(%arg30 : memref<!tpu.dma_semaphore, #tpu.memory_space<semaphore_mem>>) src(%arg24 : memref<48x256xf32, #tpu.memory_space<vmem>>) dst(%dma_wait3A_69 : memref<48x256xf32, #tpu.memory_space<hbm>>)
    %dma_wait3A_70 = arith.constant 0 : i32
    %dma_wait3A_71 = arith.constant 0 : i32
    %dma_wait3A_72 = tpu.memref_slice %arg6[%dma_wait3A_70, %dma_wait3A_71] : memref<128x48xi32, #tpu.memory_space<hbm>> -> memref<1x48xi32, #tpu.memory_space<hbm>>
    %dma_wait3A_73 = tpu.memref_squeeze %dma_wait3A_72 : memref<1x48xi32, #tpu.memory_space<hbm>> -> memref<48xi32, #tpu.memory_space<hbm>>
    %dma_wait3A_74 = arith.constant 0 : i32
    %dma_wait3A_75 = tpu.memref_slice %arg6[%dma_wait3A_70, %dma_wait3A_74] : memref<128x48xi32, #tpu.memory_space<hbm>> -> memref<1x48xi32, #tpu.memory_space<hbm>>
    %dma_wait3A_76 = tpu.memref_squeeze %dma_wait3A_75 : memref<1x48xi32, #tpu.memory_space<hbm>> -> memref<48xi32, #tpu.memory_space<hbm>>
    tpu.wait_dma2 semaphore(%arg30 : memref<!tpu.dma_semaphore, #tpu.memory_space<semaphore_mem>>) src(%arg22 : memref<48xi32, #tpu.memory_space<vmem>>) dst(%dma_wait3A_76 : memref<48xi32, #tpu.memory_space<hbm>>)
    return
  }
}

</mosaic_0001>

<sc_bundles>
// kernel: kernel.3.cloned.1.call-start
scs
__scs_entry_jumppad:
0x0: {  	(pc) =	sbr.rel $0x88, $3  }
0x1: {  	(tag) =	ssettag $0x0;
	lr =	simm.s32 $0x1  }
0x2: {  	[smem:$0x3F9E] =	sst lr;
	_ =	strace $0xD0000000  }
0x3: {  	_ = 	snop  }
0x4: {  	_ = 	snop  }
0x5: {  	_ = 	snop  }
0x6: {  	_ = 	snop  }
0x7: {  	_ = 	snop  }
__scs_overlays_trampoline_lowered:
0x8: {  	[smem:$0x3FAD] =	sst s0  }
0x9: {  	[smem:$0x3FAE] =	sst s1  }
0xa: {  	[smem:$0x3FAF] =	sst s2  }
0xb: {  	[smem:$0x3FB0] =	sst s3  }
0xc: {  	[smem:$0x3FB1] =	sst s4  }
0xd: {  	[smem:$0x3FB2] =	sst s5  }
0xe: {  	[smem:$0x3FB3] =	sst s6  }
0xf: {  	[smem:$0x3FB4] =	sst s7  }
0x10: {  	[smem:$0x3FB5] =	sst s8  }
0x11: {  	[smem:$0x3FB6] =	sst s9;
	s0 =	simm.s32 @!p0 $0x0  }
0x12: {  	s1 =	sld [smem:$0x3F9C];
	s0 =	simm.s32 @p0 $0x1  }
0x13: {  	[smem:$0x3FB7] =	sst s0;
	s0 =	simm.s32 @!p1 $0x0  }
0x14: {  	s2 =	sld [smem:$0x3F9B];
	s0 =	simm.s32 @p1 $0x1  }
0x15: {  	[smem:$0x3FB8] =	sst s0;
	s0 =	simm.s32 @!p2 $0x0  }
0x16: {  	s3 =	sld [smem:$0x3FDB];
	s0 =	simm.s32 @p2 $0x1  }
0x17: {  	s4 =	simm.s32 $0x1BF5;
	[smem:$0x3FBA] =	sst s0  }
0x18: {  	s0 =	sld [smem:$0x3F9D];
	_ =	swait.ge [sflag:s4], $0x0  }
0x19: {  	s7 =	sld [smem:$0x3F9E]  }
0x1a: {  	s8 =	sadd.s32 $0xFFFFE003, lr  }
0x1b: {  	s9 =	sadd.s32 $0xFFFFFEF7, lr;
	s5 =	simm.s32 $0xFFFFFFFF;
	p2 =	slt.u32 s8, $0xFFFFF086  }
0x1c: {  	p1 =	slt.u32 s9, $0xF7A;
	s5 =	simm.s32 @!p2 $0x0  }
0x1d: {  	s5 =	simm.s32 @p1 $0x1;
	p0 =	seq.s32 s7, s2  }
0x1e: {  	s7 =	smul.u32 @!p0 $0xF7A, s2;
	p2 =	seq.s32 @!p0 s5, $0x0  }
0x1f: {  	s9 =	smul.u32 $0xF7A, s1;
	s8 =	simm.s32 @!p0 $0x1BF5;
	p2 =	por !p2, p0  }
0x20: {  	[sflag:s8] =	ssyncset.s32 @!p0 $0xFFFFF086;
	s6 =	sadd.s32 @!p0 s3, s7;
	s7 =	simm.s32 @!p0 $0x108  }
0x21: {  	s3 =	sadd.s32 s3, s9;
	s6 =	sadd.s32 @!p0 $0x88, s6;
	s7 =	simm.s32 @p2 $0x1082  }
0x22: {  	[simem:s7], [sflag:s8] =	dma.local @!p0 [hbm:s6], $0xF7A  }
0x23: {  	s9 =	sor.u32 $0xD0000000, s2;
	s6 =	simm.s32 $0x108;
	_ =	swait.ge @!p0 [sflag:s8], $0x0  }
0x24: {  	s3 =	sadd.s32 $0x88, s3;
	s6 =	simm.s32 @!p1 $0x1082;
	[sflag:s4] =	ssyncset.s32 $0xFFFFF086  }
0x25: {  	[simem:s6], [sflag:s4] =	dma.local [hbm:s3], $0xF7A  }
0x26: {  	[smem:$0x3F9E] =	sst s1;
	(tag) =	ssettag s2;
	_ =	strace s9  }
0x27: {  	s1 =	sld [smem:$0x3FAE]  }
0x28: {  	s2 =	sld [smem:$0x3FAF]  }
0x29: {  	s4 =	sld [smem:$0x3FB1]  }
0x2a: {  	p0 =	seq.s32 s5, $0x0;
	s5 =	sld [smem:$0x3FB2]  }
0x2b: {  	s6 =	sld [smem:$0x3FB3]  }
0x2c: {  	s7 =	sld [smem:$0x3FB4]  }
0x2d: {  	s3 =	simm.s32 $0x108;
	s8 =	sld [smem:$0x3FB5]  }
0x2e: {  	s3 =	simm.s32 @!p0 $0x1082;
	s9 =	sld [smem:$0x3FB6]  }
0x2f: {  	lr =	sadd.s32 s0, s3;
	s0 =	sld [smem:$0x3FAD]  }
0x30: {  	s3 =	sld [smem:$0x3FB0]  }
0x31: {  	[smem:$0x3FB9] =	sst s10  }
0x32: {  	s10 =	sld [smem:$0x3FB7];
	_ =	sdelay $0x3  }
0x33: {  	p0 =	seq.s32 s10, $0x1;
	s10 =	sld [smem:$0x3FB9];
	_ =	sdelay $0x3  }
0x34: {  	[smem:$0x3FB9] =	sst s10  }
0x35: {  	s10 =	sld [smem:$0x3FB8];
	_ =	sdelay $0x3  }
0x36: {  	p1 =	seq.s32 s10, $0x1;
	s10 =	sld [smem:$0x3FB9];
	_ =	sdelay $0x3  }
0x37: {  	[smem:$0x3FB9] =	sst s10  }
0x38: {  	s10 =	sld [smem:$0x3FBA]  }
0x39: {  	_ = 	snop;
	(pc) =	sbr.ind lr, $3  }
0x3a: {  	_ = 	snop  }
0x3b: {  	_ = 	snop  }
0x3c: {  	p2 =	seq.s32 s10, $0x1;
	s10 =	sld [smem:$0x3FB9]  }
0x3d: {  	_ =	shalt  }
0x3e: {  	_ =	shalt  }
0x3f: {  	_ =	shalt  }
0x40: {  	_ =	shalt  }
0x41: {  	_ =	shalt  }
0x42: {  	_ =	shalt  }
0x43: {  	_ =	shalt  }
0x44: {  	_ =	shalt  }
0x45: {  	_ =	shalt  }
0x46: {  	_ =	shalt  }
0x47: {  	_ =	shalt  }
0x48: {  	_ =	shalt  }
0x49: {  	_ =	shalt  }
0x4a: {  	_ =	shalt  }
0x4b: {  	_ =	shalt  }
0x4c: {  	_ =	shalt  }
0x4d: {  	_ =	shalt  }
0x4e: {  	_ =	shalt  }
0x4f: {  	_ =	shalt  }
0x50: {  	_ =	shalt  }
0x51: {  	_ =	shalt  }
0x52: {  	_ =	shalt  }
0x53: {  	_ =	shalt  }
0x54: {  	_ =	shalt  }
0x55: {  	_ =	shalt  }
0x56: {  	_ =	shalt  }
0x57: {  	_ =	shalt  }
0x58: {  	_ =	shalt  }
0x59: {  	_ =	shalt  }
0x5a: {  	_ =	shalt  }
0x5b: {  	_ =	shalt  }
0x5c: {  	_ =	shalt  }
0x5d: {  	_ =	shalt  }
0x5e: {  	_ =	shalt  }
0x5f: {  	_ =	shalt  }
0x60: {  	_ =	shalt  }
0x61: {  	_ =	shalt  }
0x62: {  	_ =	shalt  }
0x63: {  	_ =	shalt  }
0x64: {  	_ =	shalt  }
0x65: {  	_ =	shalt  }
0x66: {  	_ =	shalt  }
0x67: {  	_ =	shalt  }
0x68: {  	_ =	shalt  }
0x69: {  	_ =	shalt  }
0x6a: {  	_ =	shalt  }
0x6b: {  	_ =	shalt  }
0x6c: {  	_ =	shalt  }
0x6d: {  	_ =	shalt  }
0x6e: {  	_ =	shalt  }
0x6f: {  	_ =	shalt  }
0x70: {  	_ =	shalt  }
0x71: {  	_ =	shalt  }
0x72: {  	_ =	shalt  }
0x73: {  	_ =	shalt  }
0x74: {  	_ =	shalt  }
0x75: {  	_ =	shalt  }
0x76: {  	_ =	shalt  }
0x77: {  	_ =	shalt  }
0x78: {  	_ =	shalt  }
0x79: {  	_ =	shalt  }
0x7a: {  	_ =	shalt  }
0x7b: {  	_ =	shalt  }
0x7c: {  	_ =	shalt  }
0x7d: {  	_ =	shalt  }
0x7e: {  	_ =	shalt  }
0x7f: {  	_ =	shalt  }
0x80: {  	_ =	shalt  }
0x81: {  	_ =	shalt  }
0x82: {  	_ =	shalt  }
0x83: {  	_ =	shalt  }
0x84: {  	_ =	shalt  }
0x85: {  	_ =	shalt  }
0x86: {  	_ =	shalt  }
0x87: {  	_ =	shalt  }
.Lfunc_end0:
.L_simem_size_0:
called_computation_lowered:
.L_overlay_start_0:
0x88: {  	s2 =	sld [smem:$0x3FD9]  }
0x89: {  	s3 =	sld [smem:$0x3FFE];
	_ =	sdelay $0x1  }
0x8a: {  	s1 =	srdreg.scid  }
0x8b: {  	s0 =	sand.u32 $0x1, s1  }
0x8c: {  	s14 =	sshll.u32 s0, $0xA;
	s2 =	sadd.s32 s3, s2  }
0x8d: {  	s2 =	sadd.s32 s2, s14  }
0x8e: {  	[smem:$0x3FC5] =	sst s2  }
0x8f: {  	_ = 	snop  }
0x90: {  	s2 =	sld [smem:$0x3FD0];
	_ =	sdelay $0x1  }
0x91: {  	s15 =	sld [smem:$0x3FC9]  }
0x92: {  	s5 =	simm.s32 $0xA;
	s6 =	simm.s32 $0x10;
	s4 =	sld [smem:$0x3FC8]  }
0x93: {  	[smem:s6], [sflag:s5] =	dma.local [hbm:s2], $0x1  }
0x94: {  	_ =	swait.eq [sflag:s5], $0x1  }
0x95: {  	[sflag:s5] =	ssyncset.done $0x0  }
0x96: {  	[sflag:s5] =	ssyncadd.s32 $0xFFFFFFFF  }
0x97: {  	s16 =	sld [smem:$0x10];
	(tm) =	ssettm $0x1  }
0x98: {  	s17 =	sld [smem:$0x3FFB];
	_ =	sdelay $0x3  }
0x99: {  	_ =	strace s17  }
0x9a: {  	s5 =	sld [smem:$0x3FFC];
	_ =	sdelay $0x3  }
0x9b: {  	_ =	strace s5  }
0x9c: {  	s5 =	sld [smem:$0x3FFD];
	_ =	sdelay $0x3  }
0x9d: {  	_ =	strace s5  }
0x9e: {  	_ =	strace $0x8FFFFFFF  }
0x9f: {  	s18 =	sld [smem:$0x3FDB];
	_ =	sdelay $0x1  }
0xa0: {  	s19 =	simm.s32 $_scs_section_size  }
0xa1: {  	s7 =	simm.s32 $_size__tile_overlayer_lowered;
	s8 =	simm.s32 $_tile_overlayer_lowered  }
0xa2: {  	s22 =	simm.s32 $0x1BFF;
	s21 =	sshll.u32 s8, $0x1;
	s5 =	sadd.s32 s19, s18  }
0xa3: {  	s9 =	simm.s32 $0x0;
	s20 =	sshll.u32 s7, $0x1;
	s7 =	sadd.s32 s21, s5  }
0xa4: {  	[timem:s9], [sflag:s22] =	dma.local [hbm:s7], s20  }
0xa5: {  	_ =	swait.ge [sflag:s22], s20  }
0xa6: {  	s6 =	ssub.s32 $0x0, s20;
	[sflag:s22] =	ssyncset.done $0x0  }
0xa7: {  	[sflag:s22] =	ssyncadd.s32 s6;
	_ =	sdelay $0x1  }
0xa8: {  	s23 =	simm.s32 $0x1B8B  }
0xa9: {  	_ =	swait.ge [sflag:s23], $0x1  }
0xaa: {  	[sflag:s23] =	ssyncset.done $0x0  }
0xab: {  	s25 =	simm.s32 $0x1B8E;
	s24 =	sld [smem:$0x3FFE];
	[sflag:s23] =	ssyncadd.s32 $0xFFFFFFFF  }
0xac: {  	s26 =	simm.s32 $execute0_lowered;
	[smem:$0x3FD2] =	sst s25  }
0xad: {  	s7 =	sshll.u32 s26, $0x1;
	_ =	strace $0x80000046;
	[dreg:$0x1] =	wrdreg $0xFFFFFFFF  }
0xae: {  	s28 =	simm.s32 $_size_execute0_lowered;
	s5 =	sadd.s32 s5, s7;
	[dreg:$0x0] =	wrdreg $0x0  }
0xaf: {  	s7 =	sshll.u32 s28, $0x1;
	[dreg:$0x2] =	wrdreg s5  }
0xb0: {  	[dreg:$0x3] =	wrdreg s7  }
0xb1: {  	[dreg:$0x4] =	wrdreg $0xC0  }
0xb2: {  	_ =	task [dreg:s9], $0x5FFFF  }
0xb3: {  	[dreg:$0x1] =	wrdreg $0xFFFFFFFF  }
0xb4: {  	[dreg:$0x0] =	wrdreg $0x60  }
0xb5: {  	[dreg:$0x2] =	wrdreg s15  }
0xb6: {  	[dreg:$0x3] =	wrdreg s4  }
0xb7: {  	[dreg:$0x4] =	wrdreg s24  }
0xb8: {  	[dreg:$0x5] =	wrdreg s16  }
0xb9: {  	[dreg:$0x6] =	wrdreg $0x9  }
0xba: {  	_ =	task.clear_ibuf [dreg:s9], $0x7FFFF;
	_ =	strace $0x90000046  }
0xbb: {  	s29 =	simm.s32 $0x9;
	_ =	strace $0x80000048  }
0xbc: {  	_ =	swait.ge [sflag:s29], $0x1  }
0xbd: {  	[sflag:s29] =	ssyncadd.s32 $0xFFFFFFFF  }
0xbe: {  	_ =	strace $0x90000048  }
0xbf: {  	_ =	sfence  }
0xc0: {  	s30 =	sld [smem:$0x0];
	_ =	sdelay $0x2  }
0xc1: {  	s31 =	sshll.u32 s1, $0xD;
	s1 =	sshrl.u32 s1, $0x2  }
0xc2: {  	s3 =	sand.u32 $0x4000, s31;
	s1 =	sadd.s32 s1, s30  }
0xc3: {  	s0 =	sor.u32 s3, s0;
	s1 =	sshll.u32 s1, $0x11  }
0xc4: {  	s0 =	sor.u32 s1, s0  }
0xc5: {  	s0 =	sadd.s32 $0x8F2B, s0  }
0xc6: {  	[sflag:s0] =	ssyncadd.remote.s32 $0x1  }
0xc7: {  	_ =	sfence.sel $0xFFFF  }
0xc8: {  	[dreg:$0x0] =	wrdreg $0xFFFFFFFF;
	(pc) =	sbr.abs _section_cstart, $3  }
0xc9: {  	[dreg:$0x1] =	wrdreg $0xFFFFFFFF  }
0xca: {  	_ =	task.clear_ibuf [dreg:s9], $0x2FFFF;
	_ =	strace $0x9FFFFFFF  }
0xcb: {  	(tm) =	ssettm $0x7FFFFFFF  }
tec
execute0_lowered:
.L_overlay_start_1:
0x0: {  	(tag) =	ssettag $0x1  }
0x1: {  	s13 =	rddreg [dreg:$0x0]  }
0x2: {  	s2 =	rddreg [dreg:$0x1]  }
0x3: {  	s0 =	rddreg [dreg:$0x2]  }
0x4: {  	s15 =	rddreg [dreg:$0x3];
	s5 =	simm.s32 $0x0  }
0x5: {  	s9 =	stileid.u32;
	s1 =	srdreg.scid;
	s18 =	simm.s32 $0x80  }
0x6: {  	s19 =	simm.s32 $0x400;
	s28 =	simm.s32 $0x2900;
	s29 =	simm.s32 $0x1400  }
0x7: {  	s30 =	simm.s32 $0x2B00;
	[smem:$0x7FF] =	sst s5;
	s6 =	sadd.s32 $0x800, s0  }
0x8: {  	s1 =	sand.u32 $0x1, s1;
	s3 =	sshll.u32 s9, $0x1;
	s4 =	sshll.u32 s9, $0x7  }
0x9: {  	s9 =	sshll.u32 s9, $0xB;
	_ =	strace $0x80000047;
	s8 =	ssub.s32 $0x2, s1  }
0xa: {  	s3 =	sor.u32 s1, s3;
	s0 =	sadd.s32 s4, s0;
	s1 =	sshll.u32 s1, $0x6  }
0xb: {  	s21 =	sshrl.u32 s8, $0x1;
	s7 =	sshll.u32 s3, $0x2;
	s1 =	sadd.s32 s13, s1  }
0xc: {  	s10 =	sshll.u32 s3, $0x8;
	s3 =	sshllo.u32 s3, $0x2;
	s13 =	sadd.s32 s13, s9  }
0xd: {  	s11 =	sor.u32 $0x1, s7;
	s4 =	ssub.s32 s8, s21;
	s1 =	sadd.s32 s9, s1  }
0xe: {  	s22 =	sadd.s32 s6, s10;
	s24 =	smul.u32 $0x600, s3;
	s25 =	sshll.u32 s3, $0x4  }
0xf: {  	s14 =	sor.u32 $0x2, s7;
	s9 =	simm.s32 $0x2980;
	[dreg:$0x5] =	wrdreg s1  }
0x10: {  	s3 =	simm.s32 $0x0;
	s12 =	smul.u32 $0x600, s11;
	[dreg:$0x6] =	wrdreg s22  }
0x11: {  	s23 =	sshll.u32 s11, $0x4;
	s11 =	sadd.s32 $0x2800, s0;
	s26 =	sand.u32 $0x70, s25  }
0x12: {  	s31 =	smax.u32 s4, $0x1;
	s25 =	simm.s32 $0x1F80;
	s22 =	simm.s32 $0x3  }
0x13: {  	v0 =	vlaneseq.u32;
	s1 =	sand.u32 $0x50, s23;
	s0 =	sadd.s32 s15, s24;
	[dreg:$0x9] =	wrdreg s31  }
0x14: {  	v1 =	vimm.f32 $+Inf;
	v2 =	vimm.s32 $0x0;
	v3 =	vmul.u32 $0xFFFFFFFF, v0;
	s23 =	simm.s32 $0x1;
	s24 =	simm.s32 $0x1700;
	s10 =	sadd.s32 s15, s12  }
0x15: {  	vm0 =	vmmov $0xffff;
	v5 =	vshrl.u32 v0, $0x3;
	v4 =	vand.u32 $0x7, v0;
	s12 =	sadd.s32 s1, s11;
	[dreg:$0x7] =	wrdreg s0;
	s0 =	sadd.s32 s26, s11  }
0x16: {  	v6 =	vor.u32 $0x8, v0;
	v5 =	vmul.u32 $0x8, v5;
	v3 =	vadd.s32 $0xF, v3;
	s26 =	simm.s32 $0x2880;
	s15 =	simm.s32 $0x5B00;
	[dreg:$0x8] =	wrdreg s0  }
.LBB2_1:
0x17: {  	[dreg:$0xa] =	wrdreg s3  }
0x18: {  	s0 =	rddreg [dreg:$0x5]  }
0x19: {  	s31 =	rddreg [dreg:$0x6];
	s1 =	simm.s32 $0x1000  }
0x1a: {  	[tilespmem:s5], [sflag:$0x1] =	stream.strided.gather [hbm4b:s0+s18], $0x800, s19, s18, $0x38;
	[tilespmem:$0x8B00] =	vst v63  }
0x1b: {  	p2 =	por $0x1, $0x1;
	p1 =	por $0x0, $0x0;
	s20 =	simm.s32 $0x0  }
0x1c: {  	[tilespmem:s1], [sflag:$0x1] =	stream.linear.gather [hbm4b:s31+s5], $0x200, $0x38;
	[tilespmem:$0x8B00] =	vst v63  }
.LBB2_2:
0x1d: {  	s0 =	simm.s32 @p1 $0x4  }
0x1e: {  	_ =	swait.ge @p1 [sflag:s0], $0x3000  }
0x1f: {  	[sflag:s0] =	ssyncset.done @p1 $0x0  }
0x20: {  	s1 =	simm.s32 @p1 $0x5B00;
	[sflag:s0] =	ssyncadd.s32 @p1 $0xFFFFD000;
	s0 =	simm.s32 @p1 $0x0  }
0x21: {  	[hbm4b:s10+s0] =	stream.linear.scatter @p1 [tilespmem:s1], [sflag:$0x6], $0x3000, $0x38;
	[tilespmem:$0x8B00] =	vst v63  }
0x22: {  	s1 =	simm.s32 @p1 $0x2A80  }
0x23: {  	[hbm4b:s12+s0] =	stream.linear.scatter @p1 [tilespmem:s1], [sflag:$0x6], $0x80, $0x38;
	[tilespmem:$0x8B00] =	vst v63  }
0x24: {  	s0 =	sor.u32 s20, s7  }
0x25: {  	s4 =	sor.u32 $0x1, s0  }
0x26: {  	s8 =	sshll.u32 s4, $0x4  }
0x27: {  	s1 =	sand.u32 $0x70, s8  }
0x28: {  	s3 =	simm.s32 $0x800;
	s16 =	sshll.u32 s4, $0x6;
	s1 =	sadd.s32 s1, s13  }
0x29: {  	[tilespmem:s3], [sflag:$0x2] =	stream.strided.gather [hbm4b:s1+s18], $0x800, s19, s18, $0x38;
	[tilespmem:$0x8B00] =	vst v63  }
0x2a: {  	s17 =	simm.s32 $0x1200;
	s1 =	sadd.s32 s6, s16  }
0x2b: {  	[tilespmem:s17], [sflag:$0x2] =	stream.linear.gather [hbm4b:s1+s5], $0x200, $0x38;
	[tilespmem:$0x8B00] =	vst v63  }
0x2c: {  	_ =	swait.ge [sflag:s23], $0x800  }
0x2d: {  	[sflag:s23] =	ssyncset.done $0x0  }
0x2e: {  	[sflag:s23] =	ssyncadd.s32 $0xFFFFF800  }
0x2f: {  	_ =	swait.ge [sflag:s23], $0x200  }
0x30: {  	[sflag:s23] =	ssyncset.done $0x0  }
0x31: {  	s1 =	simm.s32 @p1 $0x5;
	[sflag:s23] =	ssyncadd.s32 $0xFFFFFE00  }
0x32: {  	_ =	swait.ge @p1 [sflag:s1], $0x3000  }
0x33: {  	[sflag:s1] =	ssyncset.done @p1 $0x0  }
0x34: {  	[sflag:s1] =	ssyncadd.s32 @p1 $0xFFFFD000  }
0x35: {  	_ =	swait.ge @p1 [sflag:s1], $0x80  }
0x36: {  	[sflag:s1] =	ssyncset.done @p1 $0x0  }
0x37: {  	[sflag:s1] =	ssyncadd.s32 @p1 $0xFFFFFF80  }
0x38: {  	[tilespmem:$0x1600] =	vst v1  }
0x39: {  	[tilespmem:$0x1610] =	vst v1  }
0x3a: {  	[tilespmem:$0x1620] =	vst v1  }
0x3b: {  	[tilespmem:$0x1680] =	vst v1  }
0x3c: {  	[tilespmem:$0x1700] =	vst v1  }
0x3d: {  	[tilespmem:$0x1710] =	vst v1  }
0x3e: {  	[tilespmem:$0x1720] =	vst v1  }
0x3f: {  	[tilespmem:$0x1730] =	vst v1  }
0x40: {  	[tilespmem:$0x1740] =	vst v1  }
0x41: {  	[tilespmem:$0x1750] =	vst v1  }
0x42: {  	[tilespmem:$0x1760] =	vst v1  }
0x43: {  	[tilespmem:$0x1770] =	vst v1  }
0x44: {  	[tilespmem:$0x1780] =	vst v1  }
0x45: {  	[tilespmem:$0x1790] =	vst v1  }
0x46: {  	[tilespmem:$0x17A0] =	vst v1  }
0x47: {  	[tilespmem:$0x17B0] =	vst v1  }
0x48: {  	[tilespmem:$0x17C0] =	vst v1  }
0x49: {  	[tilespmem:$0x17D0] =	vst v1  }
0x4a: {  	[tilespmem:$0x17E0] =	vst v1  }
0x4b: {  	[tilespmem:$0x17F0] =	vst v1  }
0x4c: {  	s21 =	simm.s32 $0x0;
	[tilespmem:$0x1800] =	vst v1  }
0x4d: {  	v8 =	vld [tilespmem:s21+$0x0];
	_ =	sdelay $0x1  }
0x4e: {  	v10 =	vld [tilespmem:s21+$0x10];
	_ =	sdelay $0x1  }
0x4f: {  	v11 =	vld [tilespmem:s21+$0x20]  }
0x50: {  	vm3 =	vle.f32 v8, $5.000000070e-02  }
0x51: {  	v12 =	vld [tilespmem:s21+$0x30];
	v7 =	vsel vm3, $0x1, v2  }
0x52: {  	vm4 =	vle.f32 v10, $5.000000070e-02;
	(xrf0) =	vadd.scan.msk.s32 $0xffff, v7  }
0x53: {  	v7 =	vsel vm4, $0x1, v2  }
0x54: {  	vm2 =	vle.f32 v11, $5.000000070e-02;
	(xrf0) =	vadd.scan.msk.s32 $0xffff, v7  }
0x55: {  	v7 =	vsel vm2, $0x1, v2  }
0x56: {  	vm1 =	vle.f32 v12, $5.000000070e-02;
	(xrf0) =	vadd.scan.msk.s32 $0xffff, v7  }
0x57: {  	v7 =	vsel vm1, $0x1, v2  }
0x58: {  	v9, _, _ =	vpop (xrf0)  }
0x59: {  	v13 =	vimm.s32 $0xFFFFFFFF;
	(xrf0) =	vadd.scan.msk.s32 $0xffff, v7;
	v14 =	vbroadcast v9, $0xF  }
0x5a: {  	v9 =	vadd.s32 v13, v9;
	v7, _, _ =	vpop (xrf0)  }
0x5b: {  	v63 =	vbroadcast v7, $0xF;
	v13 =	vadd.s32 v13, v14  }
0x5c: {  	v15, _, _ =	vpop (xrf0);
	v16 =	vadd.s32 v7, v13  }
0x5d: {  	v17 =	vbroadcast v15, $0xF;
	v13 =	vadd.s32 v63, v13  }
0x5e: {  	v14 =	vadd.s32 v15, v13  }
0x5f: {  	v7 =	vlaneseq.u32;
	v13 =	vadd.s32 v17, v13;
	[tilespmem:v9+s24+$0x0] =	vst.idx.msk vm3, v8;
	v8, _, _ =	vpop (xrf0)  }
0x60: {  	[tilespmem:v9+s25+$0x0] =	vst.idx.msk vm3, v7;
	v9 =	vadd.s32 v8, v13  }
0x61: {  	[tilespmem:v16+s24+$0x0] =	vst.idx.msk vm4, v10;
	v10 =	vadd.s32 $0x10, v7  }
0x62: {  	[tilespmem:v16+s25+$0x0] =	vst.idx.msk vm4, v10  }
0x63: {  	v8 =	vbroadcast v8, $0xF;
	v10 =	vadd.s32 $0x20, v7;
	[tilespmem:v14+s24+$0x0] =	vst.idx.msk vm2, v11  }
0x64: {  	s31 =	simm.s32 $0x0;
	p0 =	por p2, p2;
	s4 =	sshll.u32 s4, $0xB;
	[tilespmem:v14+s25+$0x0] =	vst.idx.msk vm2, v10  }
0x65: {  	s8 =	simm.s32 $0x200;
	s16 =	simm.s32 $0x100;
	[smem:$0x0] =	sst s31;
	v8 =	vadd.s32 v8, v13;
	v10 =	vadd.s32 $0x30, v7;
	[tilespmem:v9+s24+$0x0] =	vst.idx.msk vm1, v12  }
.LBB2_3:
0x66: {  	p2 =	sne.s32 s8, $0x1F00  }
0x67: {  	s1 =	sshra.s32 s16, $0x2;
	[tilespmem:v9+s25+$0x0] =	vst.idx.msk vm1, v10;
	v7 =	vadd.s32 $0x40, v7;
	s16 =	smov.u32 s8;
	s8 =	sadd.s32 $0x100, s8  }
0x68: {  	v9 =	vld [tilespmem:s1+$0x0]  }
0x69: {  	v10 =	vld [tilespmem:s1+$0x10];
	_ =	sdelay $0x1  }
0x6a: {  	v11 =	vld [tilespmem:s1+$0x20];
	_ =	sdelay $0x1  }
0x6b: {  	vm4 =	vle.f32 v9, $5.000000070e-02  }
0x6c: {  	v12 =	vsel vm4, $0x1, v2  }
0x6d: {  	vm2 =	vle.f32 v10, $5.000000070e-02;
	v13 =	vld [tilespmem:s1+$0x30];
	(xrf0) =	vadd.scan.msk.s32 $0xffff, v12  }
0x6e: {  	v12 =	vsel vm2, $0x1, v2;
	vm3 =	vle.f32 v11, $5.000000070e-02  }
0x6f: {  	v14 =	vsel vm3, $0x1, v2;
	(xrf0) =	vadd.scan.msk.s32 $0xffff, v12  }
0x70: {  	(xrf0) =	vadd.scan.msk.s32 $0xffff, v14;
	_ =	sdelay $0x1  }
0x71: {  	vm1 =	vle.f32 v13, $5.000000070e-02  }
0x72: {  	v16 =	vsel vm1, $0x1, v2;
	v14, _, _ =	vpop (xrf0)  }
0x73: {  	v15 =	vbroadcast v14, $0xF;
	v14 =	vadd.s32 v8, v14;
	(xrf0) =	vadd.scan.msk.s32 $0xffff, v16  }
0x74: {  	v12, _, _ =	vpop (xrf0)  }
0x75: {  	v8 =	vadd.s32 v8, v15;
	v15 =	vbroadcast v12, $0xF;
	v16, _, _ =	vpop (xrf0)  }
0x76: {  	v17 =	vbroadcast v16, $0xF;
	v12 =	vadd.s32 v12, v8  }
0x77: {  	v18 =	vadd.s32 v15, v8  }
0x78: {  	v15 =	vadd.s32 v17, v18;
	v16 =	vadd.s32 v16, v18  }
0x79: {  	[tilespmem:v14+s24+$0x0] =	vst.idx.msk vm4, v9;
	v8, _, _ =	vpop (xrf0)  }
0x7a: {  	v17 =	vbroadcast v8, $0xF;
	[tilespmem:v14+s25+$0x0] =	vst.idx.msk vm4, v7;
	v9 =	vadd.s32 v8, v15  }
.Ltmp0:
0x7b: {  	[tilespmem:v12+s24+$0x0] =	vst.idx.msk vm2, v10;
	v10 =	vadd.s32 $0x10, v7;
	(pc) =	sbr.rel @p2 .LBB2_3-.Ltmp0, $4  }
0x7c: {  	v8 =	vadd.s32 v17, v15;
	[tilespmem:v12+s25+$0x0] =	vst.idx.msk vm2, v10  }
0x7d: {  	v10 =	vadd.s32 $0x20, v7;
	[tilespmem:v16+s24+$0x0] =	vst.idx.msk vm3, v11  }
0x7e: {  	[tilespmem:v16+s25+$0x0] =	vst.idx.msk vm3, v10  }
0x7f: {  	v10 =	vadd.s32 $0x30, v7;
	[tilespmem:v9+s24+$0x0] =	vst.idx.msk vm1, v13  }
0x80: {  	_ =	sdelay $0x4  }
0x81: {  	s1 =	sshra.s32 s16, $0x2;
	[tilespmem:v9+s25+$0x0] =	vst.idx.msk vm1, v10  }
0x82: {  	v9 =	vld [tilespmem:s1+$0x0]  }
0x83: {  	v10 =	vld [tilespmem:s1+$0x10]  }
0x84: {  	v11 =	vld [tilespmem:s1+$0x20]  }
0x85: {  	v12 =	vld [tilespmem:s1+$0x30];
	_ =	sdelay $0x1  }
0x86: {  	vm3 =	vle.f32 v9, $5.000000070e-02  }
0x87: {  	vm4 =	vle.f32 v10, $5.000000070e-02;
	v13 =	vsel vm3, $0x1, v2  }
0x88: {  	vm2 =	vle.f32 v11, $5.000000070e-02;
	v56 =	vsel vm4, $0x1, v2;
	(xrf0) =	vadd.scan.msk.s32 $0xffff, v13  }
0x89: {  	vm1 =	vle.f32 v12, $5.000000070e-02;
	v14 =	vsel vm2, $0x1, v2;
	(xrf0) =	vadd.scan.msk.s32 $0xffff, v56  }
0x8a: {  	v57 =	vsel vm1, $0x1, v2;
	(xrf0) =	vadd.scan.msk.s32 $0xffff, v14  }
0x8b: {  	(xrf0) =	vadd.scan.msk.s32 $0xffff, v57;
	_ =	sdelay $0x2  }
0x8c: {  	v58, _, _ =	vpop (xrf0)  }
0x8d: {  	v59 =	vbroadcast v58, $0xF;
	v15, _, _ =	vpop (xrf0)  }
0x8e: {  	v16 =	vbroadcast v15, $0xF;
	v17, _, _ =	vpop (xrf0)  }
0x8f: {  	v14 =	vadd.s32 v8, v59;
	v18 =	vbroadcast v17, $0xF;
	v19, _, _ =	vpop (xrf0)  }
0x90: {  	v16 =	vadd.s32 v16, v14;
	v20 =	vbroadcast v19, $0xF  }
0x91: {  	v18 =	vadd.s32 v18, v16  }
0x92: {  	v20 =	vadd.s32 v20, v18  }
0x93: {  	(v2sf) =	vpush v20, $0xF;
	_ =	sdelay $0x9  }
0x94: {  	v8 =	vadd.s32 v8, v58;
	_ =	sdelay $0x1  }
0x95: {  	v60 =	vadd.s32 v15, v14;
	_ =	sdelay $0x1  }
0x96: {  	v61 =	vadd.s32 v17, v16  }
0x97: {  	v7 =	vadd.s32 $0x40, v7;
	[tilespmem:v8+s24+$0x0] =	vst.idx.msk vm3, v9;
	s1 =	spop (v2sf)  }
0x98: {  	[tilespmem:v8+s25+$0x0] =	vst.idx.msk vm3, v7;
	v8 =	vadd.s32 v19, v18;
	s3 =	sadd.s32 $0xFFFFFFD1, s1  }
0x99: {  	v62 =	vadd.s32 $0x10, v7;
	[tilespmem:v60+s24+$0x0] =	vst.idx.msk vm4, v10;
	p2 =	sgt.u32 s3, $0xD0  }
.Ltmp1:
0x9a: {  	[tilespmem:v60+s25+$0x0] =	vst.idx.msk vm4, v62;
	(pc) =	sbr.rel @p2 .LBB2_10-.Ltmp1, $4  }
0x9b: {  	v63 =	vadd.s32 $0x20, v7;
	[tilespmem:v61+s24+$0x0] =	vst.idx.msk vm2, v11  }
0x9c: {  	[tilespmem:v61+s25+$0x0] =	vst.idx.msk vm2, v63  }
0x9d: {  	v7 =	vadd.s32 $0x30, v7;
	[tilespmem:v8+s24+$0x0] =	vst.idx.msk vm1, v12  }
0x9e: {  	[tilespmem:v8+s25+$0x0] =	vst.idx.msk vm1, v7  }
0x9f: {  	s1 =	sadd.s32 $0x10, s1  }
0xa0: {  	s16 =	sshrl.u32 s1, $0x4  }
0xa1: {  	p2 =	sne.s32 s16, $0x1  }
.Ltmp2:
0xa2: {  	_ = 	snop;
	(pc) =	sbr.rel @!p2 .LBB2_7-.Ltmp2, $3  }
0xa3: {  	_ =	sdelay $0x1  }
0xa4: {  	s8 =	simm.s32 $0x1700  }
0xa5: {  	v7 =	vld [tilespmem:s8+$0x0];
	s1 =	simm.s32 $0x1700;
	s17 =	sadd.s32 $0xFFFFFFFF, s16  }
.LBB2_6:
0xa6: {  	p3 =	sne.s32 s17, $0x1;
	_ =	sdelay $0x3  }
0xa7: {  	(xrf1) =	vsort.ascd.msk.f32 $0xffff, v7, v7;
	_ =	sdelay $0x9  }
0xa8: {  	v7 =	vld [tilespmem:$0x1620]  }
0xa9: {  	v8 =	vld [tilespmem:$0x1600]  }
0xaa: {  	v9 =	vld [tilespmem:$0x1610];
	_ =	sdelay $0x1  }
0xab: {  	v10, _, _ =	vpop (xrf1)  }
0xac: {  	v10 =	vperm.xlane v10, v3  }
0xad: {  	v11 =	vmax.f32 v8, v7  }
0xae: {  	v7 =	vmin.f32 v8, v7;
	v8 =	vmin.f32 v9, v10;
	v9 =	vmax.f32 v9, v10  }
0xaf: {  	v10 =	vmin.f32 v7, v8;
	v7 =	vmax.f32 v7, v8;
	v8 =	vmin.f32 v11, v9  }
0xb0: {  	(xrf1) =	vsort.ascd.msk.f32 $0xffff, v8, v8  }
0xb1: {  	(xrf1) =	vsort.ascd.msk.f32 $0xffff, v10, v10  }
0xb2: {  	(xrf1) =	vsort.ascd.msk.f32 $0xffff, v7, v7;
	_ =	sdelay $0xb  }
0xb3: {  	v7, _, _ =	vpop (xrf1)  }
.Ltmp3:
0xb4: {  	[tilespmem:$0x1620] =	vst v7;
	v7 =	vbroadcast v7, $0xF;
	v8, _, _ =	vpop (xrf1);
	(pc) =	sbr.rel @p3 .LBB2_6-.Ltmp3, $4  }
0xb5: {  	[tilespmem:$0x1600] =	vst v8;
	v8, _, _ =	vpop (xrf1)  }
0xb6: {  	[tilespmem:$0x1680] =	vst v7  }
0xb7: {  	s1 =	sadd.s32 $0x10, s1;
	[tilespmem:$0x1610] =	vst v8  }
0xb8: {  	s17 =	sadd.s32 $0xFFFFFFFF, s17;
	v7 =	vld [tilespmem:s1+$0x0]  }
.LBB2_7:
0xb9: {  	_ =	sdelay $0x3  }
0xba: {  	(xrf1) =	vsort.ascd.msk.f32 $0xffff, v7, v7;
	_ =	sdelay $0x9  }
0xbb: {  	v8 =	vld [tilespmem:$0x1600]  }
0xbc: {  	v9 =	vld [tilespmem:$0x1610]  }
0xbd: {  	v7 =	vld [tilespmem:$0x1620];
	_ =	sdelay $0x1  }
0xbe: {  	v10, _, _ =	vpop (xrf1)  }
0xbf: {  	v10 =	vperm.xlane v10, v3;
	_ =	sdelay $0x1  }
0xc0: {  	v11 =	vmax.f32 v8, v7;
	v12 =	vmax.f32 v9, v10  }
0xc1: {  	v7 =	vmin.f32 v8, v7;
	v8 =	vmin.f32 v9, v10;
	v9 =	vmin.f32 v11, v12  }
0xc2: {  	v10 =	vmin.f32 v7, v8;
	(xrf1) =	vsort.ascd.msk.f32 $0xffff, v9, v9  }
0xc3: {  	(xrf1) =	vsort.ascd.msk.f32 $0xffff, v10, v10  }
0xc4: {  	v7 =	vmax.f32 v7, v8  }
0xc5: {  	(xrf1) =	vsort.ascd.msk.f32 $0xffff, v7, v7;
	_ =	sdelay $0x9  }
0xc6: {  	v8 =	vimm.s32 $0xFFFFFFFF  }
0xc7: {  	[tilespmem:$0x2800] =	vst v8;
	v7, _, _ =	vpop (xrf1)  }
0xc8: {  	[tilespmem:$0x1620] =	vst v7;
	v9 =	vbroadcast v7, $0xF;
	v7, _, _ =	vpop (xrf1)  }
0xc9: {  	[tilespmem:$0x1600] =	vst v7  }
.Ltmp4:
0xca: {  	v7, _, _ =	vpop (xrf1);
	[tilespmem:$0x1680] =	vst v9;
	(pc) =	sbr.rel @!p2 .LBB2_9-.Ltmp4, $4  }
0xcb: {  	[tilespmem:$0x1610] =	vst v7  }
0xcc: {  	v11 =	vld [tilespmem:s8+$0x0]  }
0xcd: {  	s3 =	sshll.u32 s0, $0xB;
	s1 =	simm.s32 $0x1F80  }
0xce: {  	v7 =	vmov s3;
	s3 =	sadd.s32 $0xFFFFFFFF, s16;
	v10 =	vld [tilespmem:s1+$0x0]  }
.LBB2_8:
0xcf: {  	p2 =	sne.s32 s3, $0x1;
	_ =	sdelay $0x1  }
0xd0: {  	vm1 =	vle.f32 v11, v9  }
0xd1: {  	v11 =	vsel vm1, $0x1, v2  }
0xd2: {  	(xrf0) =	vadd.scan.msk.s32 $0xffff, v11;
	_ =	sdelay $0x5  }
0xd3: {  	v11, _, _ =	vpop (xrf0)  }
0xd4: {  	v12 =	vadd.s32 v8, v11  }
0xd5: {  	vm2 =	vlt.s32 v12, $0x30  }
0xd6: {  	vm1 =	vmand vm1, vm2;
	_ =	sdelay $0x4  }
0xd7: {  	v11 =	vbroadcast v11, $0xF  }
0xd8: {  	[tilespmem:v12+s26+$0x0] =	vst.idx.msk vm1, v10;
	v10 =	vadd.s32 v7, v10  }
.Ltmp5:
0xd9: {  	v8 =	vadd.s32 v8, v11;
	[tilespmem:v12+s28+$0x0] =	vst.idx.msk vm1, v10;
	(pc) =	sbr.rel @p2 .LBB2_8-.Ltmp5, $4  }
0xda: {  	s8 =	sadd.s32 $0x10, s8;
	[tilespmem:$0x2800] =	vst v8  }
0xdb: {  	s1 =	sadd.s32 $0x10, s1;
	v11 =	vld [tilespmem:s8+$0x0]  }
0xdc: {  	v10 =	vld [tilespmem:s1+$0x0]  }
0xdd: {  	s3 =	sadd.s32 $0xFFFFFFFF, s3  }
.LBB2_9:
0xde: {  	_ =	sdelay $0x1  }
0xdf: {  	vm1 =	vle.f32 v11, v9  }
0xe0: {  	v9 =	vsel vm1, $0x1, v2  }
0xe1: {  	(xrf0) =	vadd.scan.msk.s32 $0xffff, v9;
	_ =	sdelay $0x5  }
0xe2: {  	v9, _, _ =	vpop (xrf0)  }
0xe3: {  	v63 =	vbroadcast v9, $0xF;
	_ =	sdelay $0x1  }
0xe4: {  	v11 =	vadd.s32 v8, v63  }
0xe5: {  	(v2sf) =	vpush v11, $0xF;
	_ =	sdelay $0xa  }
0xe6: {  	v8 =	vadd.s32 v8, v9  }
0xe7: {  	vm2 =	vlt.s32 v8, $0x30  }
0xe8: {  	vm1 =	vmand vm1, vm2;
	_ =	sdelay $0x1  }
0xe9: {  	s1 =	spop (v2sf)  }
0xea: {  	p2 =	seq.s32 s1, $0x2F  }
.Ltmp6:
0xeb: {  	_ = 	snop;
	(pc) =	sbr.rel @p2 .LBB2_17-.Ltmp6, $4  }
0xec: {  	_ = 	snop  }
0xed: {  	v7 =	vadd.s32 v7, v10;
	[tilespmem:v8+s26+$0x0] =	vst.idx.msk vm1, v10;
	s1 =	simm.s32 $0x1  }
0xee: {  	[tilespmem:v8+s28+$0x0] =	vst.idx.msk vm1, v7;
	s1 =	simm.s32 @!p2 $0x0  }
0xef: {  	[tilespmem:$0x2800] =	vst v11;
	[smem:$0x0] =	sst s1  }
.LBB2_10:
0xf0: {  	v7 =	vimm.f32 $+Inf  }
0xf1: {  	[tilespmem:$0x1600] =	vst v7  }
0xf2: {  	[tilespmem:$0x1610] =	vst v7  }
0xf3: {  	[tilespmem:$0x1620] =	vst v7  }
0xf4: {  	s8 =	simm.s32 $0x0;
	[tilespmem:$0x1680] =	vst v7  }
0xf5: {  	v8 =	vld [tilespmem:s8+$0x0];
	_ =	sdelay $0x4  }
0xf6: {  	vm1 =	vlt.f32 v8, v7  }
0xf7: {  	v9 =	vmpcnt.ones.xlane vm1;
	_ =	sdelay $0x1  }
0xf8: {  	(v2sf) =	vpush v9, $0x0;
	_ =	sdelay $0xe  }
0xf9: {  	s1 =	spop (v2sf)  }
0xfa: {  	p2 =	slt.s32 s1, $0x1  }
0xfb: {  	(xrf1) =	vsort.ascd.msk.f32 @!p2 $0xffff, v8, v8;
	_ =	sdelay $0x9  }
0xfc: {  	v8 =	vld @!p2 [tilespmem:$0x1600]  }
0xfd: {  	v9 =	vlaneseq.u32 @!p2;
	v10 =	vld @!p2 [tilespmem:$0x1610]  }
0xfe: {  	v11 =	vld @!p2 [tilespmem:$0x1620];
	v9 =	vmul.u32 @!p2 $0xFFFFFFFF, v9;
	_ =	sdelay $0x1  }
0xff: {  	v9 =	vadd.s32 @!p2 $0xF, v9;
	v12, _, _ =	vpop @!p2 (xrf1)  }
0x100: {  	v9 =	vperm.xlane @!p2 v12, v9;
	_ =	sdelay $0x1  }
0x101: {  	v12 =	vmax.f32 @!p2 v8, v11;
	v13 =	vmax.f32 @!p2 v10, v9  }
0x102: {  	v8 =	vmin.f32 @!p2 v8, v11;
	v9 =	vmin.f32 @!p2 v10, v9;
	v10 =	vmin.f32 @!p2 v12, v13  }
0x103: {  	v11 =	vmin.f32 @!p2 v8, v9;
	(xrf1) =	vsort.ascd.msk.f32 @!p2 $0xffff, v10, v10  }
0x104: {  	(xrf1) =	vsort.ascd.msk.f32 @!p2 $0xffff, v11, v11  }
0x105: {  	v8 =	vmax.f32 @!p2 v8, v9  }
0x106: {  	(xrf1) =	vsort.ascd.msk.f32 @!p2 $0xffff, v8, v8;
	_ =	sdelay $0xa  }
0x107: {  	v8, _, _ =	vpop @!p2 (xrf1)  }
0x108: {  	[tilespmem:$0x1620] =	vst @!p2 v8;
	v9 =	vbroadcast @!p2 v8, $0xF;
	v8, _, _ =	vpop @!p2 (xrf1)  }
0x109: {  	[tilespmem:$0x1600] =	vst @!p2 v8  }
0x10a: {  	s16 =	simm.s32 $0x40;
	v8, _, _ =	vpop @!p2 (xrf1);
	[tilespmem:$0x1680] =	vst @!p2 v9;
	v7 =	vpsel p2, v7, v9  }
.LBB2_11:
0x10b: {  	s1 =	sshra.s32 s16, $0x2;
	s16 =	sadd.s32 $0x40, s16;
	[tilespmem:$0x1610] =	vst @!p2 v8  }
0x10c: {  	v8 =	vld [tilespmem:s1+$0x0];
	p3 =	sne.s32 s16, $0x2000;
	_ =	sdelay $0x4  }
0x10d: {  	vm1 =	vlt.f32 v8, v7  }
0x10e: {  	v9 =	vmpcnt.ones.xlane vm1;
	_ =	sdelay $0x1  }
0x10f: {  	(v2sf) =	vpush v9, $0x0;
	_ =	sdelay $0xe  }
0x110: {  	s1 =	spop (v2sf)  }
0x111: {  	p2 =	slt.s32 s1, $0x1  }
0x112: {  	(xrf1) =	vsort.ascd.msk.f32 @!p2 $0xffff, v8, v8;
	_ =	sdelay $0x9  }
0x113: {  	v8 =	vld @!p2 [tilespmem:$0x1600]  }
0x114: {  	v9 =	vlaneseq.u32 @!p2;
	v10 =	vld @!p2 [tilespmem:$0x1610]  }
0x115: {  	v9 =	vmul.u32 @!p2 $0xFFFFFFFF, v9;
	v11 =	vld @!p2 [tilespmem:$0x1620];
	_ =	sdelay $0x1  }
0x116: {  	v9 =	vadd.s32 @!p2 $0xF, v9;
	v12, _, _ =	vpop @!p2 (xrf1)  }
0x117: {  	v9 =	vperm.xlane @!p2 v12, v9;
	_ =	sdelay $0x1  }
0x118: {  	v12 =	vmax.f32 @!p2 v8, v11;
	v13 =	vmin.f32 @!p2 v10, v9;
	v9 =	vmax.f32 @!p2 v10, v9  }
0x119: {  	v8 =	vmin.f32 @!p2 v8, v11;
	v9 =	vmin.f32 @!p2 v12, v9  }
0x11a: {  	v10 =	vmin.f32 @!p2 v8, v13;
	v8 =	vmax.f32 @!p2 v8, v13;
	(xrf1) =	vsort.ascd.msk.f32 @!p2 $0xffff, v9, v9  }
0x11b: {  	(xrf1) =	vsort.ascd.msk.f32 @!p2 $0xffff, v10, v10  }
0x11c: {  	(xrf1) =	vsort.ascd.msk.f32 @!p2 $0xffff, v8, v8;
	_ =	sdelay $0xa  }
.Ltmp7:
0x11d: {  	(pc) =	sbr.rel @p3 .LBB2_11-.Ltmp7, $4  }
0x11e: {  	v8, _, _ =	vpop @!p2 (xrf1)  }
0x11f: {  	[tilespmem:$0x1620] =	vst @!p2 v8;
	v9 =	vbroadcast @!p2 v8, $0xF;
	v8, _, _ =	vpop @!p2 (xrf1)  }
0x120: {  	[tilespmem:$0x1600] =	vst @!p2 v8;
	v8, _, _ =	vpop @!p2 (xrf1)  }
0x121: {  	[tilespmem:$0x1680] =	vst @!p2 v9;
	v7 =	vpsel p2, v7, v9  }
0x122: {  	[tilespmem:$0x1610] =	vst @!p2 v8  }
0x123: {  	v9 =	vld [tilespmem:s8+$0x0]  }
0x124: {  	v8 =	vimm.s32 $0x0;
	s1 =	simm.s32 $0x40  }
.LBB2_13:
0x125: {  	p2 =	sne.s32 s1, $0x1FC0  }
.Ltmp8:
0x126: {  	_ = 	snop;
	(pc) =	sbr.rel @p2 .LBB2_13-.Ltmp8, $4  }
0x127: {  	_ = 	snop  }
0x128: {  	s3 =	sshra.s32 s1, $0x2;
	s1 =	sadd.s32 $0x40, s1;
	vm1 =	vlt.f32 v9, v7  }
0x129: {  	v9 =	vld [tilespmem:s3+$0x0];
	v10 =	vsel vm1, $0x1, v2  }
0x12a: {  	v8 =	vadd.s32 v10, v8  }
0x12b: {  	_ =	sdelay $0x2  }
0x12c: {  	vm1 =	vlt.f32 v9, v7  }
0x12d: {  	v9 =	vsel vm1, $0x1, v2  }
0x12e: {  	v8 =	vadd.s32 v9, v8  }
0x12f: {  	(xrf0) =	vadd.scan.msk.s32 $0xffff, v8;
	_ =	sdelay $0x5  }
0x130: {  	v8, _, _ =	vpop (xrf0)  }
0x131: {  	(v2sf) =	vpush v8, $0xF;
	_ =	sdelay $0x1  }
0x132: {  	s8 =	simm.s32 $0x0  }
0x133: {  	v8 =	vld [tilespmem:s8+$0x0];
	_ =	sdelay $0x4  }
0x134: {  	vm1 =	veq.f32 v8, v7  }
0x135: {  	v9 =	vsel vm1, $0x1, v2  }
0x136: {  	(xrf0) =	vadd.scan.msk.s32 $0xffff, v9;
	_ =	sdelay $0x4  }
0x137: {  	v9 =	vsel vm1, $0xFFFFFFFF, v2;
	s1 =	spop (v2sf)  }
0x138: {  	v10 =	vadd.s32 s8, v9;
	v11, _, _ =	vpop (xrf0);
	s1 =	ssub.s32 $0x30, s1  }
0x139: {  	v10 =	vadd.s32 v11, v10;
	v9 =	vmov s1  }
0x13a: {  	vm2 =	vlt.s32 v10, v9  }
0x13b: {  	vm3 =	vlt.f32 v8, v7;
	vm1 =	vmand vm1, vm2  }
0x13c: {  	vm1 =	vmor vm3, vm1  }
0x13d: {  	v8 =	vsel vm1, $0x1, v2  }
0x13e: {  	(xrf0) =	vadd.scan.msk.s32 $0xffff, v8;
	_ =	sdelay $0x5  }
0x13f: {  	(v2sf) =	vpush v11, $0xF;
	v8 =	vsel vm1, $0xFFFFFFFF, v2;
	v10, _, _ =	vpop (xrf0)  }
0x140: {  	v8 =	vadd.s32 s8, v8;
	(v2sf) =	vpush v10, $0xF  }
0x141: {  	v10 =	vadd.s32 v10, v8;
	_ =	sdelay $0x2  }
0x142: {  	s31 =	sshll.u32 s0, $0xB  }
0x143: {  	v11 =	vor.u32 s8, v0;
	v8 =	vor.u32 s31, v0  }
0x144: {  	[tilespmem:v10+s26+$0x0] =	vst.idx.msk vm1, v11;
	v11 =	vor.u32 s8, v8  }
0x145: {  	s16 =	simm.s32 $0x10;
	[tilespmem:v10+s28+$0x0] =	vst.idx.msk vm1, v11  }
0x146: {  	v10 =	vld [tilespmem:s16+$0x0];
	_ =	sdelay $0x4  }
0x147: {  	vm1 =	veq.f32 v10, v7  }
0x148: {  	s1 =	simm.s32 $0x20;
	s3 =	spop (v2sf);
	v12 =	vsel vm1, $0x1, v2  }
0x149: {  	s17 =	sadd.s32 $0x0, s3;
	s3 =	simm.s32 $0x10;
	v11 =	vsel vm1, $0xFFFFFFFF, v2;
	(xrf0) =	vadd.scan.msk.s32 $0xffff, v12;
	s21 =	spop (v2sf)  }
.LBB2_15:
0x14a: {  	p2 =	sne.s32 s1, $0x7F0  }
0x14b: {  	s8 =	sadd.s32 s8, s21;
	s21 =	smov.u32 s1;
	s1 =	sadd.s32 $0x10, s1  }
0x14c: {  	_ =	sdelay $0x2  }
0x14d: {  	v11 =	vadd.s32 s17, v11;
	v12, _, _ =	vpop (xrf0)  }
0x14e: {  	v11 =	vadd.s32 v12, v11;
	(v2sf) =	vpush v12, $0xF  }
0x14f: {  	vm2 =	vlt.s32 v11, v9  }
0x150: {  	vm3 =	vlt.f32 v10, v7;
	vm1 =	vmand vm1, vm2  }
0x151: {  	vm1 =	vmor vm3, vm1  }
0x152: {  	v10 =	vsel vm1, $0xFFFFFFFF, v2;
	v11 =	vsel vm1, $0x1, v2  }
0x153: {  	(xrf0) =	vadd.scan.msk.s32 $0xffff, v11;
	_ =	sdelay $0x5  }
0x154: {  	v10 =	vadd.s32 s8, v10;
	v11, _, _ =	vpop (xrf0)  }
0x155: {  	v10 =	vadd.s32 v11, v10;
	(v2sf) =	vpush v11, $0xF;
	_ =	sdelay $0x2  }
0x156: {  	s31 =	spop (v2sf)  }
0x157: {  	v11 =	vor.u32 s16, v0;
	s17 =	sadd.s32 s17, s31  }
0x158: {  	[tilespmem:v10+s26+$0x0] =	vst.idx.msk vm1, v11;
	v11 =	vor.u32 s16, v8;
	s16 =	smov.u32 s21  }
0x159: {  	s3 =	sadd.s32 $0x10, s3;
	[tilespmem:v10+s28+$0x0] =	vst.idx.msk vm1, v11  }
0x15a: {  	v10 =	vld [tilespmem:s3+$0x0];
	_ =	sdelay $0x3  }
.Ltmp9:
0x15b: {  	(pc) =	sbr.rel @p2 .LBB2_15-.Ltmp9, $4  }
0x15c: {  	vm1 =	veq.f32 v10, v7  }
0x15d: {  	v11 =	vsel vm1, $0xFFFFFFFF, v2;
	v12 =	vsel vm1, $0x1, v2  }
0x15e: {  	(xrf0) =	vadd.scan.msk.s32 $0xffff, v12  }
0x15f: {  	s21 =	spop (v2sf)  }
0x160: {  	_ =	sdelay $0x3  }
0x161: {  	v11 =	vadd.s32 s17, v11;
	v12, _, _ =	vpop (xrf0)  }
0x162: {  	v11 =	vadd.s32 v12, v11  }
0x163: {  	vm2 =	vlt.s32 v11, v9  }
0x164: {  	vm3 =	vlt.f32 v10, v7;
	vm1 =	vmand vm1, vm2  }
0x165: {  	vm1 =	vmor vm3, vm1  }
0x166: {  	v7 =	vsel vm1, $0x1, v2  }
0x167: {  	(xrf0) =	vadd.scan.msk.s32 $0xffff, v7;
	_ =	sdelay $0x5  }
0x168: {  	(v2sf) =	vpush v12, $0xF;
	v7, _, _ =	vpop (xrf0)  }
0x169: {  	(v2sf) =	vpush v7, $0xF;
	_ =	sdelay $0x6  }
0x16a: {  	s1 =	sadd.s32 s8, s21;
	v62 =	vsel vm1, $0xFFFFFFFF, v2  }
0x16b: {  	v9 =	vadd.s32 s1, v62  }
0x16c: {  	v7 =	vadd.s32 v7, v9;
	_ =	sdelay $0x3  }
0x16d: {  	v63 =	vor.u32 s16, v0  }
0x16e: {  	v8 =	vor.u32 s16, v8;
	s21 =	spop (v2sf);
	[tilespmem:v7+s26+$0x0] =	vst.idx.msk vm1, v63  }
0x16f: {  	[tilespmem:v7+s28+$0x0] =	vst.idx.msk vm1, v8;
	s31 =	spop (v2sf)  }
.LBB2_17:
0x170: {  	s1 =	simm.s32 $0x0  }
0x171: {  	s3 =	sand.u32 $0x600, s1;
	s8 =	sand.u32 $0x100, s1  }
0x172: {  	s3 =	sor.u32 s8, s3  }
0x173: {  	s8 =	sshrl.u32 s3, $0x2  }
0x174: {  	v7 =	vld [tilespmem:s8+$0x1000]  }
0x175: {  	s16 =	simm.s32 $0x0;
	s3 =	simm.s32 $0x1;
	s8 =	simm.s32 $0x40  }
.LBB2_18:
0x176: {  	s17 =	sand.u32 $0x600, s8;
	s1 =	sadd.s32 $0x100, s1;
	p2 =	sne.s32 s3, $0x1F  }
.Ltmp10:
0x177: {  	s3 =	sadd.s32 $0x1, s3;
	s21 =	sand.u32 $0x100, s1;
	(pc) =	sbr.rel @p2 .LBB2_18-.Ltmp10, $4  }
0x178: {  	s17 =	sor.u32 s21, s17;
	s21 =	sshra.s32 s16, $0x2;
	s16 =	smov.u32 s8  }
0x179: {  	s17 =	sshrl.u32 s17, $0x2;
	[tilespmem:s21+$0x1400] =	vst v7  }
0x17a: {  	v7 =	vld [tilespmem:s17+$0x1000]  }
0x17b: {  	s8 =	sadd.s32 $0x40, s8  }
0x17c: {  	_ =	sdelay $0x1  }
0x17d: {  	s1 =	sshra.s32 s16, $0x2  }
0x17e: {  	[tilespmem:s1+$0x1400] =	vst v7  }
0x17f: {  	v7 =	vld [tilespmem:$0x2880];
	_ =	sdelay $0x4  }
0x180: {  	v8 =	vshra.s32 v7, $0x2;
	_ =	sdelay $0x2  }
0x181: {  	v9 =	vld [tilespmem:$0x2890];
	_ =	sdelay $0x1  }
0x182: {  	v8 =	vld.idx.msk [tilespmem:v8+s29+$0x0], $0xffff;
	_ =	sdelay $0x2  }
0x183: {  	v7 =	vshll.u32 v7, $0x3;
	v10 =	vshra.s32 v9, $0x2  }
0x184: {  	v7 =	vand.u32 $0x18, v7  }
0x185: {  	v7 =	vshrl.u32 v8, v7  }
0x186: {  	v8 =	vld [tilespmem:$0x28A0];
	v7 =	vand.u32 $0x1, v7  }
0x187: {  	[tilespmem:$0x2A00] =	vst v7  }
0x188: {  	v7 =	vld.idx.msk [tilespmem:v10+s29+$0x0], $0xffff  }
0x189: {  	v10 =	vld [tilespmem:$0x2900];
	_ =	sdelay $0x1  }
0x18a: {  	v9 =	vshll.u32 v9, $0x3;
	v11 =	vshra.s32 v8, $0x2  }
0x18b: {  	v9 =	vand.u32 $0x18, v9  }
0x18c: {  	v7 =	vshrl.u32 v7, v9  }
0x18d: {  	v9 =	vshll.u32 v10, $0x1;
	v7 =	vand.u32 $0x1, v7  }
0x18e: {  	v9 =	vand.u32 $0xFFFFFFF0, v9;
	[tilespmem:$0x2A10] =	vst v7;
	v7 =	vand.u32 $0x7, v10  }
0x18f: {  	v10 =	vld.idx.msk [tilespmem:v11+s29+$0x0], $0xffff;
	v7 =	vor.u32 v7, v9  }
0x190: {  	v9 =	vperm.xlane v7, v4;
	_ =	sdelay $0x1  }
0x191: {  	v8 =	vshll.u32 v8, $0x3;
	v7 =	vperm.xlane v7, v6;
	v9 =	vadd.s32 v5, v9  }
0x192: {  	v8 =	vand.u32 $0x18, v8  }
0x193: {  	v7 =	vadd.s32 v5, v7;
	v8 =	vshrl.u32 v10, v8  }
0x194: {  	v8 =	vand.u32 $0x1, v8  }
0x195: {  	[tilespmem:$0x2A20] =	vst v8  }
0x196: {  	[tilespmem:s30], [sflag:$0x3] =	stream.indirect_vreg.gather [hbm4b:s2+s5], $0x80, v9, vm0, $0xb8;
	[tilespmem:$0x8B00] =	vst v63  }
0x197: {  	s31 =	simm.s32 $0x3300  }
0x198: {  	[tilespmem:s31], [sflag:$0x3] =	stream.indirect_vreg.gather [hbm4b:s2+s5], $0x80, v7, vm0, $0xb8;
	[tilespmem:$0x8B00] =	vst v63  }
0x199: {  	v7 =	vld [tilespmem:$0x2910];
	_ =	sdelay $0x4  }
0x19a: {  	v8 =	vshll.u32 v7, $0x1  }
0x19b: {  	v7 =	vand.u32 $0x7, v7;
	v8 =	vand.u32 $0xFFFFFFF0, v8  }
0x19c: {  	v7 =	vor.u32 v7, v8  }
0x19d: {  	v8 =	vperm.xlane v7, v4;
	_ =	sdelay $0x1  }
0x19e: {  	v7 =	vperm.xlane v7, v6;
	v8 =	vadd.s32 v5, v8;
	_ =	sdelay $0x1  }
0x19f: {  	v7 =	vadd.s32 v5, v7;
	_ =	sdelay $0x1  }
0x1a0: {  	s3 =	simm.s32 $0x3B00  }
0x1a1: {  	[tilespmem:s3], [sflag:$0x3] =	stream.indirect_vreg.gather [hbm4b:s2+s5], $0x80, v8, vm0, $0xb8;
	[tilespmem:$0x8B00] =	vst v63  }
0x1a2: {  	s8 =	simm.s32 $0x4300  }
0x1a3: {  	[tilespmem:s8], [sflag:$0x3] =	stream.indirect_vreg.gather [hbm4b:s2+s5], $0x80, v7, vm0, $0xb8;
	[tilespmem:$0x8B00] =	vst v63  }
0x1a4: {  	v7 =	vld [tilespmem:$0x2920];
	_ =	sdelay $0x4  }
0x1a5: {  	v8 =	vshll.u32 v7, $0x1  }
0x1a6: {  	v7 =	vand.u32 $0x7, v7;
	v8 =	vand.u32 $0xFFFFFFF0, v8  }
0x1a7: {  	v7 =	vor.u32 v7, v8  }
0x1a8: {  	v8 =	vperm.xlane v7, v4;
	_ =	sdelay $0x1  }
0x1a9: {  	v7 =	vperm.xlane v7, v6;
	v8 =	vadd.s32 v5, v8;
	_ =	sdelay $0x1  }
0x1aa: {  	v7 =	vadd.s32 v5, v7;
	_ =	sdelay $0x1  }
0x1ab: {  	s16 =	simm.s32 $0x4B00  }
0x1ac: {  	[tilespmem:s16], [sflag:$0x3] =	stream.indirect_vreg.gather [hbm4b:s2+s5], $0x80, v8, vm0, $0xb8;
	[tilespmem:$0x8B00] =	vst v63  }
0x1ad: {  	s17 =	simm.s32 $0x5300;
	s1 =	simm.s32 @p1 $0x2  }
0x1ae: {  	[tilespmem:s17], [sflag:$0x3] =	stream.indirect_vreg.gather [hbm4b:s2+s5], $0x80, v7, vm0, $0xb8;
	[tilespmem:$0x8B00] =	vst v63  }
0x1af: {  	_ =	swait.ge @p1 [sflag:s1], $0x800  }
0x1b0: {  	[sflag:s1] =	ssyncset.done @p1 $0x0  }
0x1b1: {  	[sflag:s1] =	ssyncadd.s32 @p1 $0xFFFFF800  }
0x1b2: {  	_ =	swait.ge @p1 [sflag:s1], $0x200  }
0x1b3: {  	[sflag:s1] =	ssyncset.done @p1 $0x0  }
0x1b4: {  	[sflag:s1] =	ssyncadd.s32 @p1 $0xFFFFFE00;
	s1 =	simm.s32 @p1 $0x6  }
0x1b5: {  	_ =	swait.ge @p1 [sflag:s1], $0x3000  }
0x1b6: {  	[sflag:s1] =	ssyncset.done @p1 $0x0  }
0x1b7: {  	[sflag:s1] =	ssyncadd.s32 @p1 $0xFFFFD000  }
0x1b8: {  	s3 =	sadd.s32 @!p1 s20, s14;
	_ =	swait.ge @p1 [sflag:s1], $0x80  }
0x1b9: {  	s8 =	sshll.u32 @!p1 s3, $0x4;
	s16 =	sshll.u32 @!p1 s3, $0x8;
	[sflag:s1] =	ssyncset.done @p1 $0x0  }
0x1ba: {  	s8 =	sand.u32 @!p1 $0x60, s8;
	s16 =	sand.u32 @!p1 $0xFFFF800, s16;
	s17 =	rddreg [dreg:$0x0]  }
0x1bb: {  	[sflag:s1] =	ssyncadd.s32 @p1 $0xFFFFFF80;
	s8 =	sadd.s32 @!p1 s17, s8;
	s17 =	simm.s32 @!p1 $0x0  }
0x1bc: {  	s1 =	sadd.s32 @!p1 s16, s8;
	s8 =	simm.s32 @!p1 $0x80;
	s16 =	simm.s32 @!p1 $0x400  }
0x1bd: {  	[tilespmem:s17], [sflag:$0x1] =	stream.strided.gather @!p1 [hbm4b:s1+s8], $0x800, s16, s8, $0x38;
	[tilespmem:$0x8B00] =	vst v63  }
0x1be: {  	s1 =	sshll.u32 @!p1 s3, $0x6  }
0x1bf: {  	s1 =	sand.u32 @!p1 $0x7FFFF80, s1  }
0x1c0: {  	s3 =	simm.s32 @!p1 $0x1000;
	s1 =	sadd.s32 @!p1 s6, s1  }
0x1c1: {  	[tilespmem:s3], [sflag:$0x1] =	stream.linear.gather @!p1 [hbm4b:s1+s17], $0x200, $0x38;
	[tilespmem:$0x8B00] =	vst v63  }
0x1c2: {  	s1 =	simm.s32 @!p1 $0x2  }
0x1c3: {  	_ =	swait.ge @!p1 [sflag:s1], $0x800  }
0x1c4: {  	[sflag:s1] =	ssyncset.done @!p1 $0x0  }
0x1c5: {  	[sflag:s1] =	ssyncadd.s32 @!p1 $0xFFFFF800  }
0x1c6: {  	_ =	swait.ge @!p1 [sflag:s1], $0x200  }
0x1c7: {  	[sflag:s1] =	ssyncset.done @!p1 $0x0  }
0x1c8: {  	[sflag:s1] =	ssyncadd.s32 @!p1 $0xFFFFFE00  }
0x1c9: {  	[tilespmem:$0x1600] =	vst v1  }
0x1ca: {  	[tilespmem:$0x1610] =	vst v1  }
0x1cb: {  	[tilespmem:$0x1620] =	vst v1  }
0x1cc: {  	[tilespmem:$0x1680] =	vst v1  }
0x1cd: {  	[tilespmem:$0x1700] =	vst v1  }
0x1ce: {  	[tilespmem:$0x1710] =	vst v1  }
0x1cf: {  	[tilespmem:$0x1720] =	vst v1  }
0x1d0: {  	[tilespmem:$0x1730] =	vst v1  }
0x1d1: {  	[tilespmem:$0x1740] =	vst v1  }
0x1d2: {  	[tilespmem:$0x1750] =	vst v1  }
0x1d3: {  	[tilespmem:$0x1760] =	vst v1  }
0x1d4: {  	[tilespmem:$0x1770] =	vst v1  }
0x1d5: {  	[tilespmem:$0x1780] =	vst v1  }
0x1d6: {  	[tilespmem:$0x1790] =	vst v1  }
0x1d7: {  	[tilespmem:$0x17A0] =	vst v1  }
0x1d8: {  	[tilespmem:$0x17B0] =	vst v1  }
0x1d9: {  	[tilespmem:$0x17C0] =	vst v1  }
0x1da: {  	[tilespmem:$0x17D0] =	vst v1  }
0x1db: {  	[tilespmem:$0x17E0] =	vst v1  }
0x1dc: {  	[tilespmem:$0x17F0] =	vst v1  }
0x1dd: {  	s21 =	simm.s32 $0x0;
	[tilespmem:$0x1800] =	vst v1  }
0x1de: {  	v8 =	vld [tilespmem:s21+$0x800];
	_ =	sdelay $0x1  }
0x1df: {  	v10 =	vld [tilespmem:s21+$0x810];
	_ =	sdelay $0x1  }
0x1e0: {  	v11 =	vld [tilespmem:s21+$0x820]  }
0x1e1: {  	vm2 =	vle.f32 v8, $5.000000070e-02  }
0x1e2: {  	v12 =	vld [tilespmem:s21+$0x830];
	v7 =	vsel vm2, $0x1, v2  }
0x1e3: {  	vm3 =	vle.f32 v10, $5.000000070e-02;
	(xrf0) =	vadd.scan.msk.s32 $0xffff, v7  }
0x1e4: {  	v7 =	vsel vm3, $0x1, v2  }
0x1e5: {  	vm4 =	vle.f32 v11, $5.000000070e-02;
	(xrf0) =	vadd.scan.msk.s32 $0xffff, v7  }
0x1e6: {  	v7 =	vsel vm4, $0x1, v2  }
0x1e7: {  	vm1 =	vle.f32 v12, $5.000000070e-02;
	(xrf0) =	vadd.scan.msk.s32 $0xffff, v7  }
0x1e8: {  	v7 =	vsel vm1, $0x1, v2  }
0x1e9: {  	v9, _, _ =	vpop (xrf0)  }
0x1ea: {  	v13 =	vimm.s32 $0xFFFFFFFF;
	(xrf0) =	vadd.scan.msk.s32 $0xffff, v7;
	v14 =	vbroadcast v9, $0xF  }
0x1eb: {  	v9 =	vadd.s32 v13, v9;
	v7, _, _ =	vpop (xrf0)  }
0x1ec: {  	v63 =	vbroadcast v7, $0xF;
	v13 =	vadd.s32 v13, v14  }
0x1ed: {  	v15, _, _ =	vpop (xrf0);
	v16 =	vadd.s32 v7, v13  }
0x1ee: {  	v17 =	vbroadcast v15, $0xF;
	v13 =	vadd.s32 v63, v13  }
0x1ef: {  	v14 =	vadd.s32 v15, v13  }
0x1f0: {  	v7 =	vlaneseq.u32;
	v13 =	vadd.s32 v17, v13;
	[tilespmem:v9+s24+$0x0] =	vst.idx.msk vm2, v8;
	v8, _, _ =	vpop (xrf0)  }
0x1f1: {  	[tilespmem:v9+s25+$0x0] =	vst.idx.msk vm2, v7;
	v9 =	vadd.s32 v8, v13  }
0x1f2: {  	[tilespmem:v16+s24+$0x0] =	vst.idx.msk vm3, v10;
	v10 =	vadd.s32 $0x10, v7  }
0x1f3: {  	[tilespmem:v16+s25+$0x0] =	vst.idx.msk vm3, v10  }
0x1f4: {  	v8 =	vbroadcast v8, $0xF;
	v10 =	vadd.s32 $0x20, v7;
	[tilespmem:v14+s24+$0x0] =	vst.idx.msk vm4, v11  }
0x1f5: {  	s31 =	simm.s32 $0x0;
	[tilespmem:v14+s25+$0x0] =	vst.idx.msk vm4, v10  }
0x1f6: {  	s16 =	simm.s32 $0x100;
	s8 =	simm.s32 $0x200;
	[smem:$0x0] =	sst s31;
	v8 =	vadd.s32 v8, v13;
	v10 =	vadd.s32 $0x30, v7;
	[tilespmem:v9+s24+$0x0] =	vst.idx.msk vm1, v12  }
.LBB2_20:
0x1f7: {  	p1 =	sne.s32 s8, $0x1F00  }
0x1f8: {  	s1 =	sshra.s32 s16, $0x2;
	[tilespmem:v9+s25+$0x0] =	vst.idx.msk vm1, v10;
	v7 =	vadd.s32 $0x40, v7;
	s16 =	smov.u32 s8;
	s8 =	sadd.s32 $0x100, s8  }
0x1f9: {  	v9 =	vld [tilespmem:s1+$0x800]  }
0x1fa: {  	v10 =	vld [tilespmem:s1+$0x810];
	_ =	sdelay $0x1  }
0x1fb: {  	v11 =	vld [tilespmem:s1+$0x820];
	_ =	sdelay $0x1  }
0x1fc: {  	vm4 =	vle.f32 v9, $5.000000070e-02  }
0x1fd: {  	v12 =	vsel vm4, $0x1, v2  }
0x1fe: {  	vm2 =	vle.f32 v10, $5.000000070e-02;
	v13 =	vld [tilespmem:s1+$0x830];
	(xrf0) =	vadd.scan.msk.s32 $0xffff, v12  }
0x1ff: {  	v12 =	vsel vm2, $0x1, v2;
	vm3 =	vle.f32 v11, $5.000000070e-02  }
0x200: {  	v14 =	vsel vm3, $0x1, v2;
	(xrf0) =	vadd.scan.msk.s32 $0xffff, v12  }
0x201: {  	(xrf0) =	vadd.scan.msk.s32 $0xffff, v14;
	_ =	sdelay $0x1  }
0x202: {  	vm1 =	vle.f32 v13, $5.000000070e-02  }
0x203: {  	v16 =	vsel vm1, $0x1, v2;
	v14, _, _ =	vpop (xrf0)  }
0x204: {  	v15 =	vbroadcast v14, $0xF;
	v14 =	vadd.s32 v8, v14;
	(xrf0) =	vadd.scan.msk.s32 $0xffff, v16  }
0x205: {  	v12, _, _ =	vpop (xrf0)  }
0x206: {  	v8 =	vadd.s32 v8, v15;
	v15 =	vbroadcast v12, $0xF;
	v16, _, _ =	vpop (xrf0)  }
0x207: {  	v17 =	vbroadcast v16, $0xF;
	v12 =	vadd.s32 v12, v8  }
0x208: {  	v18 =	vadd.s32 v15, v8  }
0x209: {  	v15 =	vadd.s32 v17, v18;
	v16 =	vadd.s32 v16, v18  }
0x20a: {  	[tilespmem:v14+s24+$0x0] =	vst.idx.msk vm4, v9;
	v8, _, _ =	vpop (xrf0)  }
0x20b: {  	v17 =	vbroadcast v8, $0xF;
	[tilespmem:v14+s25+$0x0] =	vst.idx.msk vm4, v7;
	v9 =	vadd.s32 v8, v15  }
.Ltmp11:
0x20c: {  	[tilespmem:v12+s24+$0x0] =	vst.idx.msk vm2, v10;
	v10 =	vadd.s32 $0x10, v7;
	(pc) =	sbr.rel @p1 .LBB2_20-.Ltmp11, $4  }
0x20d: {  	v8 =	vadd.s32 v17, v15;
	[tilespmem:v12+s25+$0x0] =	vst.idx.msk vm2, v10  }
0x20e: {  	v10 =	vadd.s32 $0x20, v7;
	[tilespmem:v16+s24+$0x0] =	vst.idx.msk vm3, v11  }
0x20f: {  	[tilespmem:v16+s25+$0x0] =	vst.idx.msk vm3, v10  }
0x210: {  	v10 =	vadd.s32 $0x30, v7;
	[tilespmem:v9+s24+$0x0] =	vst.idx.msk vm1, v13  }
0x211: {  	_ =	sdelay $0x4  }
0x212: {  	s1 =	sshra.s32 s16, $0x2;
	[tilespmem:v9+s25+$0x0] =	vst.idx.msk vm1, v10  }
0x213: {  	v9 =	vld [tilespmem:s1+$0x800]  }
0x214: {  	v10 =	vld [tilespmem:s1+$0x810]  }
0x215: {  	v11 =	vld [tilespmem:s1+$0x820]  }
0x216: {  	v12 =	vld [tilespmem:s1+$0x830];
	_ =	sdelay $0x1  }
0x217: {  	vm3 =	vle.f32 v9, $5.000000070e-02  }
0x218: {  	vm4 =	vle.f32 v10, $5.000000070e-02;
	v13 =	vsel vm3, $0x1, v2  }
0x219: {  	vm2 =	vle.f32 v11, $5.000000070e-02;
	v56 =	vsel vm4, $0x1, v2;
	(xrf0) =	vadd.scan.msk.s32 $0xffff, v13  }
0x21a: {  	vm1 =	vle.f32 v12, $5.000000070e-02;
	v14 =	vsel vm2, $0x1, v2;
	(xrf0) =	vadd.scan.msk.s32 $0xffff, v56  }
0x21b: {  	v57 =	vsel vm1, $0x1, v2;
	(xrf0) =	vadd.scan.msk.s32 $0xffff, v14  }
0x21c: {  	(xrf0) =	vadd.scan.msk.s32 $0xffff, v57;
	_ =	sdelay $0x2  }
0x21d: {  	v58, _, _ =	vpop (xrf0)  }
0x21e: {  	v59 =	vbroadcast v58, $0xF;
	v15, _, _ =	vpop (xrf0)  }
0x21f: {  	v16 =	vbroadcast v15, $0xF;
	v17, _, _ =	vpop (xrf0)  }
0x220: {  	v14 =	vadd.s32 v8, v59;
	v18 =	vbroadcast v17, $0xF;
	v19, _, _ =	vpop (xrf0)  }
0x221: {  	v16 =	vadd.s32 v16, v14;
	v20 =	vbroadcast v19, $0xF  }
0x222: {  	v18 =	vadd.s32 v18, v16  }
0x223: {  	v20 =	vadd.s32 v20, v18  }
0x224: {  	(v2sf) =	vpush v20, $0xF;
	_ =	sdelay $0x9  }
0x225: {  	v8 =	vadd.s32 v8, v58;
	_ =	sdelay $0x1  }
0x226: {  	v60 =	vadd.s32 v15, v14;
	_ =	sdelay $0x1  }
0x227: {  	v61 =	vadd.s32 v17, v16  }
0x228: {  	v7 =	vadd.s32 $0x40, v7;
	[tilespmem:v8+s24+$0x0] =	vst.idx.msk vm3, v9;
	s1 =	spop (v2sf)  }
0x229: {  	[tilespmem:v8+s25+$0x0] =	vst.idx.msk vm3, v7;
	v8 =	vadd.s32 v19, v18;
	s3 =	sadd.s32 $0xFFFFFFD1, s1  }
0x22a: {  	v62 =	vadd.s32 $0x10, v7;
	[tilespmem:v60+s24+$0x0] =	vst.idx.msk vm4, v10;
	p1 =	sgt.u32 s3, $0xD0  }
.Ltmp12:
0x22b: {  	[tilespmem:v60+s25+$0x0] =	vst.idx.msk vm4, v62;
	(pc) =	sbr.rel @p1 .LBB2_27-.Ltmp12, $4  }
0x22c: {  	v63 =	vadd.s32 $0x20, v7;
	[tilespmem:v61+s24+$0x0] =	vst.idx.msk vm2, v11  }
0x22d: {  	[tilespmem:v61+s25+$0x0] =	vst.idx.msk vm2, v63  }
0x22e: {  	v7 =	vadd.s32 $0x30, v7;
	[tilespmem:v8+s24+$0x0] =	vst.idx.msk vm1, v12  }
0x22f: {  	[tilespmem:v8+s25+$0x0] =	vst.idx.msk vm1, v7  }
0x230: {  	s1 =	sadd.s32 $0x10, s1  }
0x231: {  	s16 =	sshrl.u32 s1, $0x4  }
0x232: {  	p1 =	sne.s32 s16, $0x1  }
.Ltmp13:
0x233: {  	_ = 	snop;
	(pc) =	sbr.rel @!p1 .LBB2_24-.Ltmp13, $3  }
0x234: {  	_ =	sdelay $0x1  }
0x235: {  	s8 =	simm.s32 $0x1700  }
0x236: {  	v7 =	vld [tilespmem:s8+$0x0];
	s1 =	simm.s32 $0x1700;
	s17 =	sadd.s32 $0xFFFFFFFF, s16  }
.LBB2_23:
0x237: {  	p2 =	sne.s32 s17, $0x1;
	_ =	sdelay $0x3  }
0x238: {  	(xrf1) =	vsort.ascd.msk.f32 $0xffff, v7, v7;
	_ =	sdelay $0x9  }
0x239: {  	v7 =	vld [tilespmem:$0x1620]  }
0x23a: {  	v8 =	vld [tilespmem:$0x1600]  }
0x23b: {  	v9 =	vld [tilespmem:$0x1610];
	_ =	sdelay $0x1  }
0x23c: {  	v10, _, _ =	vpop (xrf1)  }
0x23d: {  	v10 =	vperm.xlane v10, v3  }
0x23e: {  	v11 =	vmax.f32 v8, v7  }
0x23f: {  	v7 =	vmin.f32 v8, v7;
	v8 =	vmin.f32 v9, v10;
	v9 =	vmax.f32 v9, v10  }
0x240: {  	v10 =	vmin.f32 v7, v8;
	v7 =	vmax.f32 v7, v8;
	v8 =	vmin.f32 v11, v9  }
0x241: {  	(xrf1) =	vsort.ascd.msk.f32 $0xffff, v8, v8  }
0x242: {  	(xrf1) =	vsort.ascd.msk.f32 $0xffff, v10, v10  }
0x243: {  	(xrf1) =	vsort.ascd.msk.f32 $0xffff, v7, v7;
	_ =	sdelay $0xb  }
0x244: {  	v7, _, _ =	vpop (xrf1)  }
.Ltmp14:
0x245: {  	[tilespmem:$0x1620] =	vst v7;
	v7 =	vbroadcast v7, $0xF;
	v8, _, _ =	vpop (xrf1);
	(pc) =	sbr.rel @p2 .LBB2_23-.Ltmp14, $4  }
0x246: {  	[tilespmem:$0x1600] =	vst v8;
	v8, _, _ =	vpop (xrf1)  }
0x247: {  	[tilespmem:$0x1680] =	vst v7  }
0x248: {  	s1 =	sadd.s32 $0x10, s1;
	[tilespmem:$0x1610] =	vst v8  }
0x249: {  	s17 =	sadd.s32 $0xFFFFFFFF, s17;
	v7 =	vld [tilespmem:s1+$0x0]  }
.LBB2_24:
0x24a: {  	_ =	sdelay $0x3  }
0x24b: {  	(xrf1) =	vsort.ascd.msk.f32 $0xffff, v7, v7;
	_ =	sdelay $0x9  }
0x24c: {  	v8 =	vld [tilespmem:$0x1600]  }
0x24d: {  	v9 =	vld [tilespmem:$0x1610]  }
0x24e: {  	v7 =	vld [tilespmem:$0x1620];
	_ =	sdelay $0x1  }
0x24f: {  	v10, _, _ =	vpop (xrf1)  }
0x250: {  	v10 =	vperm.xlane v10, v3;
	_ =	sdelay $0x1  }
0x251: {  	v11 =	vmax.f32 v8, v7;
	v12 =	vmax.f32 v9, v10  }
0x252: {  	v7 =	vmin.f32 v8, v7;
	v8 =	vmin.f32 v9, v10;
	v9 =	vmin.f32 v11, v12  }
0x253: {  	v10 =	vmin.f32 v7, v8;
	(xrf1) =	vsort.ascd.msk.f32 $0xffff, v9, v9  }
0x254: {  	(xrf1) =	vsort.ascd.msk.f32 $0xffff, v10, v10  }
0x255: {  	v7 =	vmax.f32 v7, v8  }
0x256: {  	(xrf1) =	vsort.ascd.msk.f32 $0xffff, v7, v7;
	_ =	sdelay $0x9  }
0x257: {  	v8 =	vimm.s32 $0xFFFFFFFF  }
0x258: {  	[tilespmem:$0x2800] =	vst v8;
	v7, _, _ =	vpop (xrf1)  }
0x259: {  	[tilespmem:$0x1620] =	vst v7;
	v9 =	vbroadcast v7, $0xF;
	v7, _, _ =	vpop (xrf1)  }
0x25a: {  	[tilespmem:$0x1600] =	vst v7  }
.Ltmp15:
0x25b: {  	v7, _, _ =	vpop (xrf1);
	[tilespmem:$0x1680] =	vst v9;
	(pc) =	sbr.rel @!p1 .LBB2_26-.Ltmp15, $4  }
0x25c: {  	[tilespmem:$0x1610] =	vst v7  }
0x25d: {  	v11 =	vld [tilespmem:s8+$0x0]  }
0x25e: {  	s1 =	simm.s32 $0x1F80  }
0x25f: {  	s3 =	sadd.s32 $0xFFFFFFFF, s16;
	v7 =	vmov s4;
	v10 =	vld [tilespmem:s1+$0x0]  }
.LBB2_25:
0x260: {  	p1 =	sne.s32 s3, $0x1;
	_ =	sdelay $0x1  }
0x261: {  	vm1 =	vle.f32 v11, v9  }
0x262: {  	v11 =	vsel vm1, $0x1, v2  }
0x263: {  	(xrf0) =	vadd.scan.msk.s32 $0xffff, v11;
	_ =	sdelay $0x5  }
0x264: {  	v11, _, _ =	vpop (xrf0)  }
0x265: {  	v12 =	vadd.s32 v8, v11  }
0x266: {  	vm2 =	vlt.s32 v12, $0x30  }
0x267: {  	vm1 =	vmand vm1, vm2;
	_ =	sdelay $0x4  }
0x268: {  	v11 =	vbroadcast v11, $0xF  }
0x269: {  	[tilespmem:v12+s26+$0x0] =	vst.idx.msk vm1, v10;
	v10 =	vadd.s32 v7, v10  }
.Ltmp16:
0x26a: {  	v8 =	vadd.s32 v8, v11;
	[tilespmem:v12+s9+$0x0] =	vst.idx.msk vm1, v10;
	(pc) =	sbr.rel @p1 .LBB2_25-.Ltmp16, $4  }
0x26b: {  	s8 =	sadd.s32 $0x10, s8;
	[tilespmem:$0x2800] =	vst v8  }
0x26c: {  	s1 =	sadd.s32 $0x10, s1;
	v11 =	vld [tilespmem:s8+$0x0]  }
0x26d: {  	v10 =	vld [tilespmem:s1+$0x0]  }
0x26e: {  	s3 =	sadd.s32 $0xFFFFFFFF, s3  }
.LBB2_26:
0x26f: {  	_ =	sdelay $0x1  }
0x270: {  	vm1 =	vle.f32 v11, v9  }
0x271: {  	v9 =	vsel vm1, $0x1, v2  }
0x272: {  	(xrf0) =	vadd.scan.msk.s32 $0xffff, v9;
	_ =	sdelay $0x5  }
0x273: {  	v9, _, _ =	vpop (xrf0)  }
0x274: {  	v63 =	vbroadcast v9, $0xF;
	_ =	sdelay $0x1  }
0x275: {  	v11 =	vadd.s32 v8, v63  }
0x276: {  	(v2sf) =	vpush v11, $0xF;
	_ =	sdelay $0xa  }
0x277: {  	v8 =	vadd.s32 v8, v9  }
0x278: {  	vm2 =	vlt.s32 v8, $0x30  }
0x279: {  	vm1 =	vmand vm1, vm2;
	_ =	sdelay $0x1  }
0x27a: {  	s1 =	spop (v2sf)  }
0x27b: {  	p1 =	seq.s32 s1, $0x2F  }
.Ltmp17:
0x27c: {  	_ = 	snop;
	(pc) =	sbr.rel @p1 .LBB2_34-.Ltmp17, $4  }
0x27d: {  	_ = 	snop  }
0x27e: {  	v7 =	vadd.s32 v7, v10;
	[tilespmem:v8+s26+$0x0] =	vst.idx.msk vm1, v10;
	s1 =	simm.s32 $0x1  }
0x27f: {  	[tilespmem:v8+s9+$0x0] =	vst.idx.msk vm1, v7;
	s1 =	simm.s32 @!p1 $0x0  }
0x280: {  	[tilespmem:$0x2800] =	vst v11;
	[smem:$0x0] =	sst s1  }
.LBB2_27:
0x281: {  	v7 =	vimm.f32 $+Inf  }
0x282: {  	[tilespmem:$0x1600] =	vst v7  }
0x283: {  	[tilespmem:$0x1610] =	vst v7  }
0x284: {  	[tilespmem:$0x1620] =	vst v7  }
0x285: {  	s8 =	simm.s32 $0x0;
	[tilespmem:$0x1680] =	vst v7  }
0x286: {  	v8 =	vld [tilespmem:s8+$0x800];
	_ =	sdelay $0x4  }
0x287: {  	vm1 =	vlt.f32 v8, v7  }
0x288: {  	v9 =	vmpcnt.ones.xlane vm1;
	_ =	sdelay $0x1  }
0x289: {  	(v2sf) =	vpush v9, $0x0;
	_ =	sdelay $0xe  }
0x28a: {  	s1 =	spop (v2sf)  }
0x28b: {  	p1 =	slt.s32 s1, $0x1  }
0x28c: {  	(xrf1) =	vsort.ascd.msk.f32 @!p1 $0xffff, v8, v8;
	_ =	sdelay $0x9  }
0x28d: {  	v8 =	vld @!p1 [tilespmem:$0x1600]  }
0x28e: {  	v9 =	vlaneseq.u32 @!p1;
	v10 =	vld @!p1 [tilespmem:$0x1610]  }
0x28f: {  	v11 =	vld @!p1 [tilespmem:$0x1620];
	v9 =	vmul.u32 @!p1 $0xFFFFFFFF, v9;
	_ =	sdelay $0x1  }
0x290: {  	v9 =	vadd.s32 @!p1 $0xF, v9;
	v12, _, _ =	vpop @!p1 (xrf1)  }
0x291: {  	v9 =	vperm.xlane @!p1 v12, v9;
	_ =	sdelay $0x1  }
0x292: {  	v12 =	vmax.f32 @!p1 v8, v11;
	v13 =	vmax.f32 @!p1 v10, v9  }
0x293: {  	v8 =	vmin.f32 @!p1 v8, v11;
	v9 =	vmin.f32 @!p1 v10, v9;
	v10 =	vmin.f32 @!p1 v12, v13  }
0x294: {  	v11 =	vmin.f32 @!p1 v8, v9;
	(xrf1) =	vsort.ascd.msk.f32 @!p1 $0xffff, v10, v10  }
0x295: {  	(xrf1) =	vsort.ascd.msk.f32 @!p1 $0xffff, v11, v11  }
0x296: {  	v8 =	vmax.f32 @!p1 v8, v9  }
0x297: {  	(xrf1) =	vsort.ascd.msk.f32 @!p1 $0xffff, v8, v8;
	_ =	sdelay $0xa  }
0x298: {  	v8, _, _ =	vpop @!p1 (xrf1)  }
0x299: {  	[tilespmem:$0x1620] =	vst @!p1 v8;
	v9 =	vbroadcast @!p1 v8, $0xF;
	v8, _, _ =	vpop @!p1 (xrf1)  }
0x29a: {  	[tilespmem:$0x1600] =	vst @!p1 v8  }
0x29b: {  	s16 =	simm.s32 $0x40;
	v8, _, _ =	vpop @!p1 (xrf1);
	[tilespmem:$0x1680] =	vst @!p1 v9;
	v7 =	vpsel p1, v7, v9  }
.LBB2_28:
0x29c: {  	s1 =	sshra.s32 s16, $0x2;
	s16 =	sadd.s32 $0x40, s16;
	[tilespmem:$0x1610] =	vst @!p1 v8  }
0x29d: {  	v8 =	vld [tilespmem:s1+$0x800];
	p2 =	sne.s32 s16, $0x2000;
	_ =	sdelay $0x4  }
0x29e: {  	vm1 =	vlt.f32 v8, v7  }
0x29f: {  	v9 =	vmpcnt.ones.xlane vm1;
	_ =	sdelay $0x1  }
0x2a0: {  	(v2sf) =	vpush v9, $0x0;
	_ =	sdelay $0xe  }
0x2a1: {  	s1 =	spop (v2sf)  }
0x2a2: {  	p1 =	slt.s32 s1, $0x1  }
0x2a3: {  	(xrf1) =	vsort.ascd.msk.f32 @!p1 $0xffff, v8, v8;
	_ =	sdelay $0x9  }
0x2a4: {  	v8 =	vld @!p1 [tilespmem:$0x1600]  }
0x2a5: {  	v9 =	vlaneseq.u32 @!p1;
	v10 =	vld @!p1 [tilespmem:$0x1610]  }
0x2a6: {  	v9 =	vmul.u32 @!p1 $0xFFFFFFFF, v9;
	v11 =	vld @!p1 [tilespmem:$0x1620];
	_ =	sdelay $0x1  }
0x2a7: {  	v9 =	vadd.s32 @!p1 $0xF, v9;
	v12, _, _ =	vpop @!p1 (xrf1)  }
0x2a8: {  	v9 =	vperm.xlane @!p1 v12, v9;
	_ =	sdelay $0x1  }
0x2a9: {  	v12 =	vmax.f32 @!p1 v8, v11;
	v13 =	vmin.f32 @!p1 v10, v9;
	v9 =	vmax.f32 @!p1 v10, v9  }
0x2aa: {  	v8 =	vmin.f32 @!p1 v8, v11;
	v9 =	vmin.f32 @!p1 v12, v9  }
0x2ab: {  	v10 =	vmin.f32 @!p1 v8, v13;
	v8 =	vmax.f32 @!p1 v8, v13;
	(xrf1) =	vsort.ascd.msk.f32 @!p1 $0xffff, v9, v9  }
0x2ac: {  	(xrf1) =	vsort.ascd.msk.f32 @!p1 $0xffff, v10, v10  }
0x2ad: {  	(xrf1) =	vsort.ascd.msk.f32 @!p1 $0xffff, v8, v8;
	_ =	sdelay $0xa  }
.Ltmp18:
0x2ae: {  	(pc) =	sbr.rel @p2 .LBB2_28-.Ltmp18, $4  }
0x2af: {  	v8, _, _ =	vpop @!p1 (xrf1)  }
0x2b0: {  	[tilespmem:$0x1620] =	vst @!p1 v8;
	v9 =	vbroadcast @!p1 v8, $0xF;
	v8, _, _ =	vpop @!p1 (xrf1)  }
0x2b1: {  	[tilespmem:$0x1600] =	vst @!p1 v8;
	v8, _, _ =	vpop @!p1 (xrf1)  }
0x2b2: {  	[tilespmem:$0x1680] =	vst @!p1 v9;
	v7 =	vpsel p1, v7, v9  }
0x2b3: {  	[tilespmem:$0x1610] =	vst @!p1 v8  }
0x2b4: {  	v9 =	vld [tilespmem:s8+$0x800]  }
0x2b5: {  	v8 =	vimm.s32 $0x0;
	s1 =	simm.s32 $0x40  }
.LBB2_30:
0x2b6: {  	p1 =	sne.s32 s1, $0x1FC0  }
.Ltmp19:
0x2b7: {  	_ = 	snop;
	(pc) =	sbr.rel @p1 .LBB2_30-.Ltmp19, $4  }
0x2b8: {  	_ = 	snop  }
0x2b9: {  	s3 =	sshra.s32 s1, $0x2;
	s1 =	sadd.s32 $0x40, s1;
	vm1 =	vlt.f32 v9, v7  }
0x2ba: {  	v9 =	vld [tilespmem:s3+$0x800];
	v10 =	vsel vm1, $0x1, v2  }
0x2bb: {  	v8 =	vadd.s32 v10, v8  }
0x2bc: {  	_ =	sdelay $0x2  }
0x2bd: {  	vm1 =	vlt.f32 v9, v7  }
0x2be: {  	v9 =	vsel vm1, $0x1, v2  }
0x2bf: {  	v8 =	vadd.s32 v9, v8  }
0x2c0: {  	(xrf0) =	vadd.scan.msk.s32 $0xffff, v8;
	_ =	sdelay $0x5  }
0x2c1: {  	v8, _, _ =	vpop (xrf0)  }
0x2c2: {  	(v2sf) =	vpush v8, $0xF;
	_ =	sdelay $0x1  }
0x2c3: {  	s1 =	simm.s32 $0x800  }
0x2c4: {  	v8 =	vld [tilespmem:s1+$0x0];
	_ =	sdelay $0x4  }
0x2c5: {  	vm1 =	veq.f32 v8, v7  }
0x2c6: {  	v9 =	vsel vm1, $0x1, v2  }
0x2c7: {  	(xrf0) =	vadd.scan.msk.s32 $0xffff, v9;
	_ =	sdelay $0x4  }
0x2c8: {  	s8 =	simm.s32 $0x0;
	v9 =	vsel vm1, $0xFFFFFFFF, v2;
	s21 =	spop (v2sf)  }
0x2c9: {  	v10 =	vadd.s32 s8, v9;
	v11, _, _ =	vpop (xrf0);
	s1 =	ssub.s32 $0x30, s21  }
0x2ca: {  	v10 =	vadd.s32 v11, v10;
	v9 =	vmov s1  }
0x2cb: {  	vm2 =	vlt.s32 v10, v9  }
0x2cc: {  	vm3 =	vlt.f32 v8, v7;
	vm1 =	vmand vm1, vm2  }
0x2cd: {  	vm1 =	vmor vm3, vm1  }
0x2ce: {  	v8 =	vsel vm1, $0x1, v2  }
0x2cf: {  	(xrf0) =	vadd.scan.msk.s32 $0xffff, v8;
	_ =	sdelay $0x5  }
0x2d0: {  	(v2sf) =	vpush v11, $0xF;
	v8 =	vsel vm1, $0xFFFFFFFF, v2;
	v10, _, _ =	vpop (xrf0)  }
0x2d1: {  	v8 =	vadd.s32 s8, v8;
	(v2sf) =	vpush v10, $0xF  }
0x2d2: {  	v10 =	vadd.s32 v10, v8;
	_ =	sdelay $0x3  }
0x2d3: {  	v11 =	vor.u32 s8, v0;
	v8 =	vor.u32 s4, v0  }
0x2d4: {  	[tilespmem:v10+s26+$0x0] =	vst.idx.msk vm1, v11;
	v11 =	vor.u32 s8, v8  }
0x2d5: {  	s16 =	simm.s32 $0x810;
	[tilespmem:v10+s9+$0x0] =	vst.idx.msk vm1, v11  }
0x2d6: {  	v10 =	vld [tilespmem:s16+$0x0];
	_ =	sdelay $0x4  }
0x2d7: {  	vm1 =	veq.f32 v10, v7  }
0x2d8: {  	s17 =	simm.s32 $0x20;
	s31 =	spop (v2sf);
	v12 =	vsel vm1, $0x1, v2  }
0x2d9: {  	s4 =	simm.s32 $0x10;
	s1 =	sadd.s32 $0x0, s31;
	v11 =	vsel vm1, $0xFFFFFFFF, v2;
	(xrf0) =	vadd.scan.msk.s32 $0xffff, v12;
	s3 =	spop (v2sf)  }
.LBB2_32:
0x2da: {  	p1 =	sne.s32 s17, $0x7F0  }
0x2db: {  	s8 =	sadd.s32 s8, s3;
	s3 =	smov.u32 s17;
	s17 =	sadd.s32 $0x10, s17  }
0x2dc: {  	_ =	sdelay $0x2  }
0x2dd: {  	v11 =	vadd.s32 s1, v11;
	v12, _, _ =	vpop (xrf0)  }
0x2de: {  	v11 =	vadd.s32 v12, v11;
	(v2sf) =	vpush v12, $0xF  }
0x2df: {  	vm2 =	vlt.s32 v11, v9  }
0x2e0: {  	vm3 =	vlt.f32 v10, v7;
	vm1 =	vmand vm1, vm2  }
0x2e1: {  	vm1 =	vmor vm3, vm1  }
0x2e2: {  	v10 =	vsel vm1, $0xFFFFFFFF, v2;
	v11 =	vsel vm1, $0x1, v2  }
0x2e3: {  	(xrf0) =	vadd.scan.msk.s32 $0xffff, v11;
	_ =	sdelay $0x5  }
0x2e4: {  	v10 =	vadd.s32 s8, v10;
	v11, _, _ =	vpop (xrf0)  }
0x2e5: {  	v10 =	vadd.s32 v11, v10;
	(v2sf) =	vpush v11, $0xF;
	_ =	sdelay $0x2  }
0x2e6: {  	s20 =	spop (v2sf)  }
0x2e7: {  	v11 =	vor.u32 s4, v0;
	s1 =	sadd.s32 s1, s20  }
0x2e8: {  	[tilespmem:v10+s26+$0x0] =	vst.idx.msk vm1, v11;
	v11 =	vor.u32 s4, v8;
	s4 =	smov.u32 s3  }
0x2e9: {  	s16 =	sadd.s32 $0x10, s16;
	[tilespmem:v10+s9+$0x0] =	vst.idx.msk vm1, v11  }
0x2ea: {  	v10 =	vld [tilespmem:s16+$0x0];
	_ =	sdelay $0x3  }
.Ltmp20:
0x2eb: {  	(pc) =	sbr.rel @p1 .LBB2_32-.Ltmp20, $4  }
0x2ec: {  	vm1 =	veq.f32 v10, v7  }
0x2ed: {  	v11 =	vsel vm1, $0xFFFFFFFF, v2;
	v12 =	vsel vm1, $0x1, v2  }
0x2ee: {  	(xrf0) =	vadd.scan.msk.s32 $0xffff, v12  }
0x2ef: {  	s3 =	spop (v2sf)  }
0x2f0: {  	_ =	sdelay $0x3  }
0x2f1: {  	v11 =	vadd.s32 s1, v11;
	v12, _, _ =	vpop (xrf0)  }
0x2f2: {  	v11 =	vadd.s32 v12, v11  }
0x2f3: {  	vm2 =	vlt.s32 v11, v9  }
0x2f4: {  	vm3 =	vlt.f32 v10, v7;
	vm1 =	vmand vm1, vm2  }
0x2f5: {  	vm1 =	vmor vm3, vm1  }
0x2f6: {  	v7 =	vsel vm1, $0x1, v2  }
0x2f7: {  	(xrf0) =	vadd.scan.msk.s32 $0xffff, v7;
	_ =	sdelay $0x5  }
0x2f8: {  	(v2sf) =	vpush v12, $0xF;
	v7, _, _ =	vpop (xrf0)  }
0x2f9: {  	(v2sf) =	vpush v7, $0xF;
	_ =	sdelay $0x6  }
0x2fa: {  	s20 =	sadd.s32 s8, s3;
	v62 =	vsel vm1, $0xFFFFFFFF, v2  }
0x2fb: {  	v9 =	vadd.s32 s20, v62  }
0x2fc: {  	v7 =	vadd.s32 v7, v9;
	_ =	sdelay $0x3  }
0x2fd: {  	v63 =	vor.u32 s4, v0  }
0x2fe: {  	v8 =	vor.u32 s4, v8;
	s21 =	spop (v2sf);
	[tilespmem:v7+s26+$0x0] =	vst.idx.msk vm1, v63  }
0x2ff: {  	[tilespmem:v7+s9+$0x0] =	vst.idx.msk vm1, v8;
	s31 =	spop (v2sf)  }
.LBB2_34:
0x300: {  	s1 =	simm.s32 $0x0  }
0x301: {  	s3 =	sand.u32 $0x600, s1;
	s4 =	sand.u32 $0x100, s1  }
0x302: {  	s3 =	sor.u32 s4, s3  }
0x303: {  	s4 =	sshrl.u32 s3, $0x2  }
0x304: {  	v7 =	vld [tilespmem:s4+$0x1200]  }
0x305: {  	s8 =	simm.s32 $0x0;
	s3 =	simm.s32 $0x1;
	s4 =	simm.s32 $0x40  }
.LBB2_35:
0x306: {  	s16 =	sand.u32 $0x600, s4;
	s1 =	sadd.s32 $0x100, s1;
	p1 =	sne.s32 s3, $0x1F  }
.Ltmp21:
0x307: {  	s3 =	sadd.s32 $0x1, s3;
	s17 =	sand.u32 $0x100, s1;
	(pc) =	sbr.rel @p1 .LBB2_35-.Ltmp21, $4  }
0x308: {  	s16 =	sor.u32 s17, s16;
	s17 =	sshra.s32 s8, $0x2;
	s8 =	smov.u32 s4  }
0x309: {  	s16 =	sshrl.u32 s16, $0x2;
	[tilespmem:s17+$0x1400] =	vst v7  }
0x30a: {  	v7 =	vld [tilespmem:s16+$0x1200]  }
0x30b: {  	s4 =	sadd.s32 $0x40, s4  }
0x30c: {  	_ =	sdelay $0x1  }
0x30d: {  	s1 =	sshra.s32 s8, $0x2  }
0x30e: {  	[tilespmem:s1+$0x1400] =	vst v7  }
0x30f: {  	v7 =	vld [tilespmem:$0x2880];
	_ =	sdelay $0x4  }
0x310: {  	v8 =	vshra.s32 v7, $0x2;
	_ =	sdelay $0x2  }
0x311: {  	v9 =	vld [tilespmem:$0x2890];
	_ =	sdelay $0x1  }
0x312: {  	v8 =	vld.idx.msk [tilespmem:v8+s29+$0x0], $0xffff;
	_ =	sdelay $0x2  }
0x313: {  	v7 =	vshll.u32 v7, $0x3;
	v10 =	vshra.s32 v9, $0x2  }
0x314: {  	v7 =	vand.u32 $0x18, v7  }
0x315: {  	v7 =	vshrl.u32 v8, v7  }
0x316: {  	v8 =	vld [tilespmem:$0x28A0];
	v7 =	vand.u32 $0x1, v7  }
0x317: {  	[tilespmem:$0x2A80] =	vst v7  }
0x318: {  	v7 =	vld.idx.msk [tilespmem:v10+s29+$0x0], $0xffff  }
0x319: {  	v61 =	vld [tilespmem:$0x2980];
	_ =	sdelay $0x1  }
0x31a: {  	v9 =	vshll.u32 v9, $0x3;
	v11 =	vshra.s32 v8, $0x2  }
0x31b: {  	v9 =	vand.u32 $0x18, v9  }
0x31c: {  	v7 =	vshrl.u32 v7, v9  }
0x31d: {  	v62 =	vshll.u32 v61, $0x1;
	v7 =	vand.u32 $0x1, v7  }
0x31e: {  	v9 =	vand.u32 $0xFFFFFFF0, v62;
	[tilespmem:$0x2A90] =	vst v7;
	v7 =	vand.u32 $0x7, v61  }
0x31f: {  	v63 =	vld.idx.msk [tilespmem:v11+s29+$0x0], $0xffff;
	v7 =	vor.u32 v7, v9  }
0x320: {  	v9 =	vperm.xlane v7, v4;
	_ =	sdelay $0x1  }
0x321: {  	v8 =	vshll.u32 v8, $0x3;
	v7 =	vperm.xlane v7, v6;
	v9 =	vadd.s32 v5, v9  }
0x322: {  	v8 =	vand.u32 $0x18, v8  }
0x323: {  	v7 =	vadd.s32 v5, v7;
	v8 =	vshrl.u32 v63, v8  }
0x324: {  	v8 =	vand.u32 $0x1, v8  }
0x325: {  	[tilespmem:$0x2AA0] =	vst v8  }
0x326: {  	[tilespmem:s15], [sflag:$0x4] =	stream.indirect_vreg.gather [hbm4b:s2+s5], $0x80, v9, vm0, $0xb8;
	[tilespmem:$0x8B00] =	vst v63  }
0x327: {  	s3 =	simm.s32 $0x6300  }
0x328: {  	[tilespmem:s3], [sflag:$0x4] =	stream.indirect_vreg.gather [hbm4b:s2+s5], $0x80, v7, vm0, $0xb8;
	[tilespmem:$0x8B00] =	vst v63  }
0x329: {  	v7 =	vld [tilespmem:$0x2990];
	_ =	sdelay $0x4  }
0x32a: {  	v8 =	vshll.u32 v7, $0x1  }
0x32b: {  	v7 =	vand.u32 $0x7, v7;
	v8 =	vand.u32 $0xFFFFFFF0, v8  }
0x32c: {  	v7 =	vor.u32 v7, v8  }
0x32d: {  	v8 =	vperm.xlane v7, v4;
	_ =	sdelay $0x1  }
0x32e: {  	v7 =	vperm.xlane v7, v6;
	v8 =	vadd.s32 v5, v8;
	_ =	sdelay $0x1  }
0x32f: {  	v7 =	vadd.s32 v5, v7;
	_ =	sdelay $0x1  }
0x330: {  	s4 =	simm.s32 $0x6B00  }
0x331: {  	[tilespmem:s4], [sflag:$0x4] =	stream.indirect_vreg.gather [hbm4b:s2+s5], $0x80, v8, vm0, $0xb8;
	[tilespmem:$0x8B00] =	vst v63  }
0x332: {  	s8 =	simm.s32 $0x7300  }
0x333: {  	[tilespmem:s8], [sflag:$0x4] =	stream.indirect_vreg.gather [hbm4b:s2+s5], $0x80, v7, vm0, $0xb8;
	[tilespmem:$0x8B00] =	vst v63  }
0x334: {  	v7 =	vld [tilespmem:$0x29A0];
	_ =	sdelay $0x4  }
0x335: {  	v8 =	vshll.u32 v7, $0x1  }
0x336: {  	v7 =	vand.u32 $0x7, v7;
	v8 =	vand.u32 $0xFFFFFFF0, v8  }
0x337: {  	v7 =	vor.u32 v7, v8  }
0x338: {  	v8 =	vperm.xlane v7, v4;
	_ =	sdelay $0x1  }
0x339: {  	v7 =	vperm.xlane v7, v6;
	v8 =	vadd.s32 v5, v8;
	_ =	sdelay $0x1  }
0x33a: {  	v7 =	vadd.s32 v5, v7;
	_ =	sdelay $0x1  }
0x33b: {  	s16 =	simm.s32 $0x7B00  }
0x33c: {  	[tilespmem:s16], [sflag:$0x4] =	stream.indirect_vreg.gather [hbm4b:s2+s5], $0x80, v8, vm0, $0xb8;
	[tilespmem:$0x8B00] =	vst v63  }
0x33d: {  	s17 =	simm.s32 $0x8300  }
0x33e: {  	[tilespmem:s17], [sflag:$0x4] =	stream.indirect_vreg.gather [hbm4b:s2+s5], $0x80, v7, vm0, $0xb8;
	[tilespmem:$0x8B00] =	vst v63  }
0x33f: {  	_ =	swait.ge [sflag:s22], $0x3000  }
0x340: {  	[sflag:s22] =	ssyncset.done $0x0  }
0x341: {  	s20 =	smul.u32 $0x600, s0;
	s21 =	sshll.u32 s0, $0x4;
	[sflag:s22] =	ssyncadd.s32 $0xFFFFD000  }
.Ltmp22:
0x342: {  	s31 =	simm.s32 $0x2A00;
	s3 =	rddreg [dreg:$0x3];
	(pc) =	sbr.rel @p0 .LBB2_2-.Ltmp22, $4  }
0x343: {  	p2 =	por $0x0, $0x0;
	s0 =	sand.u32 $0x60, s21;
	s1 =	sadd.s32 s3, s20  }
0x344: {  	[hbm4b:s1+s5] =	stream.linear.scatter [tilespmem:s30], [sflag:$0x5], $0x3000, $0x38;
	[tilespmem:$0x8B00] =	vst v63  }
0x345: {  	p1 =	por $0x1, $0x1;
	s0 =	sadd.s32 s0, s11;
	s20 =	simm.s32 $0x2  }
0x346: {  	[hbm4b:s0+s5] =	stream.linear.scatter [tilespmem:s31], [sflag:$0x5], $0x80, $0x38;
	[tilespmem:$0x8B00] =	vst v63  }
0x347: {  	s0 =	simm.s32 $0x4  }
0x348: {  	_ =	swait.ge [sflag:s0], $0x3000  }
0x349: {  	[sflag:s0] =	ssyncset.done $0x0  }
0x34a: {  	s16 =	rddreg [dreg:$0x7];
	[sflag:s0] =	ssyncadd.s32 $0xFFFFD000  }
0x34b: {  	[hbm4b:s16+s5] =	stream.linear.scatter [tilespmem:s15], [sflag:$0x6], $0x3000, $0x38;
	[tilespmem:$0x8B00] =	vst v63  }
0x34c: {  	s1 =	simm.s32 $0x2A80;
	s20 =	simm.s32 $0x5;
	s17 =	rddreg [dreg:$0x8]  }
0x34d: {  	[hbm4b:s17+s5] =	stream.linear.scatter [tilespmem:s1], [sflag:$0x6], $0x80, $0x38;
	[tilespmem:$0x8B00] =	vst v63  }
0x34e: {  	_ =	swait.ge [sflag:s20], $0x3000  }
0x34f: {  	[sflag:s20] =	ssyncset.done $0x0  }
0x350: {  	[sflag:s20] =	ssyncadd.s32 $0xFFFFD000  }
0x351: {  	_ =	swait.ge [sflag:s20], $0x80  }
0x352: {  	[sflag:s20] =	ssyncset.done $0x0  }
0x353: {  	s21 =	simm.s32 $0x6;
	[sflag:s20] =	ssyncadd.s32 $0xFFFFFF80  }
0x354: {  	_ =	swait.ge [sflag:s21], $0x3000  }
0x355: {  	[sflag:s21] =	ssyncset.done $0x0  }
0x356: {  	[sflag:s21] =	ssyncadd.s32 $0xFFFFD000  }
0x357: {  	_ =	swait.ge [sflag:s21], $0x80  }
0x358: {  	s3 =	rddreg [dreg:$0xa]  }
0x359: {  	s31 =	rddreg [dreg:$0x9];
	s3 =	sadd.s32 $0x1, s3  }
0x35a: {  	p0 =	sne.s32 s3, s31  }
.Ltmp23:
0x35b: {  	_ = 	snop;
	(pc) =	sbr.rel @p0 .LBB2_1-.Ltmp23, $3  }
0x35c: {  	_ =	sdelay $0x1  }
0x35d: {  	[sflag:s21] =	ssyncset.done $0x0  }
0x35e: {  	[sflag:s21] =	ssyncadd.s32 $0xFFFFFF80  }
0x35f: {  	_ =	sfence.sel $0x180000  }
0x360: {  	[bflag:$0x0] =	sbarrier.arrive $0xFFFF  }
0x361: {  	_ =	strace $0x90000047  }
0x362: {  	s0 =	stileid.u32;
	[bflag:$0x2] =	sbarrier.arrive $0xFFFF  }
0x363: {  	p0 =	sne.s32 s0, $0x0;
	s0 =	rddreg [dreg:$0x4]  }
0x364: {  	s0 =	sadd.s32 @!p0 $0x100000, s0  }
0x365: {  	[sflag:s0] =	ssyncadd.tile.s32 @!p0 $0x1;
	_ =	shalt  }
.Lfunc_end2:
_tile_overlayer_lowered:
.L_overlay_start_2:
0x366: {  	(tag) =	ssettag $0x2  }
0x367: {  	s0 =	rddreg [dreg:$0x0];
	s2 =	stileid.u32  }
0x368: {  	s1 =	rddreg [dreg:$0x1];
	p0 =	sne.s32 s2, $0x0  }
0x369: {  	s3 =	rddreg [dreg:$0x2];
	[bflag:$0x3] =	sbarrier.arrive $0xFFFF;
	s2 =	simm.s32 @!p0 $0x1C07  }
0x36a: {  	[timem:s3], [sflag:s2] =	dma.local @!p0 [hbm:s0], s1  }
0x36b: {  	s0 =	simm.s32 @!p0 $0x7  }
0x36c: {  	_ =	swait.ge @!p0 [sflag:s0], s1  }
0x36d: {  	s1 =	ssub.s32 @!p0 $0x0, s1;
	[sflag:s0] =	ssyncset.done @!p0 $0x0  }
0x36e: {  	[sflag:s0] =	ssyncadd.s32 @!p0 s1  }
0x36f: {  	[bflag:$0x3] =	sbarrier.arrive $0xFFFF  }
0x370: {  	_ =	shalt  }

</sc_bundles>
